<compile_context>
chip_gen: v7x
topology: tpu7x:2x2x1
jax: 0.10.2.dev20260603
libtpu: 0.0.44.dev20260713+nightly
codegen_flags: <defaults>
</compile_context>

<pallas_src>
import functools

import numpy as np
import jax
import jax.numpy as jnp
from jax import lax
from jax.experimental import pallas as pl
from jax.experimental.pallas import tpu as pltpu
from jax.experimental.pallas import tpu_sc as plsc

N = 10000
C = 128
E = 320000
NUM_CLASSES = 7

NPAD = 10240
NCHUNK = 2560
ROWS_PER_TILE = NCHUNK // 32
EPAD = NCHUNK * 128 - E

BLK = 2000

@functools.cache
def _mesh():
    return plsc.VectorSubcoreMesh(core_axis_name="c", subcore_axis_name="s",
                                  num_cores=2, num_subcores=16)


def _sc_deg_body(dst_hbm, degp_hbm, idx_v, deg_v, buf_v, out_v, deg_sh):
    c = lax.axis_index("c")
    s = lax.axis_index("s")
    t = c * 16 + s

    def zero(i, carry):
        deg_v[pl.ds(i * 16, 16)] = jnp.zeros((16,), jnp.float32)
        return carry

    lax.fori_loop(0, NPAD // 16, zero, 0)

    pltpu.sync_copy(dst_hbm.at[pl.ds(t * ROWS_PER_TILE, ROWS_PER_TILE)], idx_v)

    ones = jnp.ones((16,), jnp.float32)

    def body(j, carry):
        for k in range(8):
            idx16 = idx_v[j, pl.ds(k * 16, 16)]
            plsc.addupdate_scatter(deg_v, [idx16], ones)
        return carry

    lax.fori_loop(0, ROWS_PER_TILE, body, 0)

    pltpu.sync_copy(deg_v, deg_sh.at[s])
    plsc.subcore_barrier()
    pltpu.sync_copy(deg_sh.at[:, pl.ds(s * 640, 640)], buf_v)

    def red(i, carry):
        acc = jnp.zeros((16,), jnp.float32)
        for tt in range(16):
            acc = acc + buf_v[tt, pl.ds(i * 16, 16)]
        out_v[pl.ds(i * 16, 16)] = acc
        return carry

    lax.fori_loop(0, 640 // 16, red, 0)
    pltpu.sync_copy(out_v, degp_hbm.at[c, pl.ds(s * 640, 640)])


@functools.cache
def _sc_deg_kernel():
    return pl.kernel(
        _sc_deg_body,
        out_type=jax.ShapeDtypeStruct((2, NPAD), jnp.float32),
        mesh=_mesh(),
        compiler_params=pltpu.CompilerParams(use_tc_tiling_on_sc=False, needs_layout_passes=False),
        scratch_types=[
            pltpu.VMEM((ROWS_PER_TILE, 128), jnp.int32),
            pltpu.VMEM((NPAD,), jnp.float32),
            pltpu.VMEM((16, 640), jnp.float32),
            pltpu.VMEM((640,), jnp.float32),
            pltpu.VMEM_SHARED((16, NPAD), jnp.float32),
        ],
    )


def _sc_deg(dst2d):
    return _sc_deg_kernel()(dst2d)


CH = C // 2
ROWS_PER_SUB = NCHUNK // 16


def _sc_scatter_body(g_hbm, src_hbm, dst_hbm, accp_hbm,
                     sidx_v, didx_v, rows0_v, rows1_v, zbuf_v, acc_sh,
                     gsem0, gsem1):
    c = lax.axis_index("c")
    s = lax.axis_index("s")

    def zero(j, carry):
        for k in range(CH // 16):
            zbuf_v[j, pl.ds(k * 16, 16)] = jnp.zeros((16,), jnp.float32)
        return carry

    lax.fori_loop(0, 128, zero, 0)
    for r in range(5):
        pltpu.sync_copy(zbuf_v, acc_sh.at[pl.ds(s * 640 + r * 128, 128)])

    pltpu.sync_copy(src_hbm.at[pl.ds(s * ROWS_PER_SUB, ROWS_PER_SUB)], sidx_v)
    pltpu.sync_copy(dst_hbm.at[pl.ds(s * ROWS_PER_SUB, ROWS_PER_SUB)], didx_v)
    plsc.subcore_barrier()

    gh = g_hbm.at[c]

    pltpu.async_copy(gh.at[sidx_v.at[0]], rows0_v, gsem0)
    npair = ROWS_PER_SUB // 2

    def body(i, carry):
        j0 = 2 * i
        j1 = j0 + 1
        pltpu.async_copy(gh.at[sidx_v.at[j1]], rows1_v, gsem1)
        pltpu.make_async_copy(gh.at[sidx_v.at[j0]], rows0_v, gsem0).wait()
        pltpu.sync_copy(rows0_v, acc_sh.at[didx_v.at[j0]], add=True)

        @pl.when(i < npair - 1)
        def _():
            pltpu.async_copy(gh.at[sidx_v.at[j0 + 2]], rows0_v, gsem0)

        pltpu.make_async_copy(gh.at[sidx_v.at[j1]], rows1_v, gsem1).wait()
        pltpu.sync_copy(rows1_v, acc_sh.at[didx_v.at[j1]], add=True)
        return carry

    lax.fori_loop(0, npair, body, 0)
    plsc.subcore_barrier()
    pltpu.sync_copy(acc_sh.at[pl.ds(s * 640, 640)],
                    accp_hbm.at[c, pl.ds(s * 640, 640)])


@functools.cache
def _sc_scatter_kernel():
    return pl.kernel(
        _sc_scatter_body,
        out_type=jax.ShapeDtypeStruct((2, NPAD, CH), jnp.float32),
        mesh=_mesh(),
        compiler_params=pltpu.CompilerParams(use_tc_tiling_on_sc=False, needs_layout_passes=False),
        scratch_types=[
            pltpu.VMEM((ROWS_PER_SUB, 128), jnp.int32),
            pltpu.VMEM((ROWS_PER_SUB, 128), jnp.int32),
            pltpu.VMEM((128, CH), jnp.float32),
            pltpu.VMEM((128, CH), jnp.float32),
            pltpu.VMEM((128, CH), jnp.float32),
            pltpu.VMEM_SHARED((NPAD, CH), jnp.float32),
            pltpu.SemaphoreType.DMA,
            pltpu.SemaphoreType.DMA,
        ],
    )


def _sc_scatter(g, src2d, dst2d):
    return _sc_scatter_kernel()(g, src2d, dst2d)


def _sig(v):
    return jax.nn.sigmoid(v)


def _split_write(ref, val):
    ref[0] = val[:, :CH]
    ref[1] = val[:, CH:]


def _cat(ref):
    return jnp.concatenate([ref[0], ref[1]], axis=1)


def _tc1_body(x_ref, d0_ref, d1_ref, w1_ref, g1_ref, dinv_ref):
    deg = d0_ref[...] + d1_ref[...] + 1.0
    dinv = lax.rsqrt(deg)
    g1 = jnp.dot(x_ref[...], w1_ref[...],
                 preferred_element_type=jnp.float32) * dinv
    _split_write(g1_ref, g1)
    dinv_ref[...] = dinv


def _tc1(x, d0, d1, w1):
    row = lambda i: (i, 0)
    split = lambda i: (0, i, 0)
    return pl.pallas_call(
        _tc1_body,
        grid=(N // BLK,),
        in_specs=[
            pl.BlockSpec((BLK, C), row),
            pl.BlockSpec((BLK, 1), row),
            pl.BlockSpec((BLK, 1), row),
            pl.BlockSpec((C, C), lambda i: (0, 0)),
        ],
        out_specs=[pl.BlockSpec((2, BLK, CH), split),
                   pl.BlockSpec((BLK, 1), row)],
        out_shape=[jax.ShapeDtypeStruct((2, N, CH), jnp.float32),
                   jax.ShapeDtypeStruct((N, 1), jnp.float32)],
    )(x, d0, d1, w1)


def _lstm_cell(xt, h, cprev, wi, wh, b, hid):
    g = jnp.dot(xt.astype(jnp.bfloat16), wi,
                preferred_element_type=jnp.float32) + b
    if h is not None:
        g = g + jnp.dot(h.astype(jnp.bfloat16), wh,
                        preferred_element_type=jnp.float32)
    i = _sig(g[:, 0 * hid:1 * hid])
    f = _sig(g[:, 1 * hid:2 * hid])
    gg = jnp.tanh(g[:, 2 * hid:3 * hid])
    o = _sig(g[:, 3 * hid:4 * hid])
    cnew = i * gg if cprev is None else f * cprev + i * gg
    hnew = o * jnp.tanh(cnew)
    return hnew, cnew


def _tc2_body(x_ref, g1_ref, acc_ref, dinv_ref, b1_ref,
              wfi_ref, wfh_ref, bf_ref, wbi_ref, wbh_ref, bb_ref,
              awf_ref, awb_ref, w2_ref, h1_out, g2_out):
    xv = x_ref[...]
    dv = dinv_ref[...]
    h1 = jnp.maximum((_cat(acc_ref) + _cat(g1_ref)) * dv
                     + b1_ref[...], 0.0)
    H = C
    wfi, wfh, bf = wfi_ref[...], wfh_ref[...], bf_ref[...]
    hf1, cf1 = _lstm_cell(xv, None, None, wfi, wfh, bf, H)
    hf2, _ = _lstm_cell(h1, hf1, cf1, wfi, wfh, bf, H)
    wbi, wbh, bb = wbi_ref[...], wbh_ref[...], bb_ref[...]
    hb1, cb1 = _lstm_cell(h1, None, None, wbi, wbh, bb, H)
    hb0, _ = _lstm_cell(xv, hb1, cb1, wbi, wbh, bb, H)
    awf, awb = awf_ref[...], awb_ref[...]
    al0 = jnp.dot(hf1, awf, preferred_element_type=jnp.float32) + \
        jnp.dot(hb0, awb, preferred_element_type=jnp.float32)
    al1 = jnp.dot(hf2, awf, preferred_element_type=jnp.float32) + \
        jnp.dot(hb1, awb, preferred_element_type=jnp.float32)
    m = jnp.maximum(al0, al1)
    e0 = jnp.exp(al0 - m)
    e1 = jnp.exp(al1 - m)
    u2 = (e0 * xv + e1 * h1) / (e0 + e1)
    h1_out[...] = h1
    g2 = jnp.dot(u2, w2_ref[...],
                 preferred_element_type=jnp.float32) * dv
    _split_write(g2_out, g2)


def _tc2(x, g1, acc, dinv, b1, wfi, wfh, bf, wbi, wbh, bb, awf, awb, w2):
    row = lambda i: (i, 0)
    full = lambda i: (0, 0)
    split = lambda i: (0, i, 0)
    H4 = 4 * C
    return pl.pallas_call(
        _tc2_body,
        grid=(N // BLK,),
        in_specs=[
            pl.BlockSpec((BLK, C), row),
            pl.BlockSpec((2, BLK, CH), split),
            pl.BlockSpec((2, BLK, CH), split),
            pl.BlockSpec((BLK, 1), row),
            pl.BlockSpec((1, C), full),
            pl.BlockSpec((C, H4), full),
            pl.BlockSpec((C, H4), full),
            pl.BlockSpec((1, H4), full),
            pl.BlockSpec((C, H4), full),
            pl.BlockSpec((C, H4), full),
            pl.BlockSpec((1, H4), full),
            pl.BlockSpec((C, 1), full),
            pl.BlockSpec((C, 1), full),
            pl.BlockSpec((C, C), full),
        ],
        out_specs=[pl.BlockSpec((BLK, C), row),
                   pl.BlockSpec((2, BLK, CH), split)],
        out_shape=[jax.ShapeDtypeStruct((N, C), jnp.float32),
                   jax.ShapeDtypeStruct((2, N, CH), jnp.float32)],
    )(x, g1, acc, dinv, b1, wfi, wfh, bf, wbi, wbh, bb, awf, awb, w2)


def _tc3_body(x_ref, h1_ref, g2_ref, acc_ref, dinv_ref, b2_ref,
              wfi_ref, wfh_ref, bf_ref, wbi_ref, wbh_ref, bb_ref,
              awf_ref, awb_ref, lw_ref, lb_ref, out_ref):
    xv = x_ref[...]
    h1 = h1_ref[...]
    h2 = jnp.maximum((_cat(acc_ref) + _cat(g2_ref)) * dinv_ref[...]
                     + b2_ref[...], 0.0)
    H = 192
    wfi, wfh, bf = wfi_ref[...], wfh_ref[...], bf_ref[...]
    hf1, cf1 = _lstm_cell(xv, None, None, wfi, wfh, bf, H)
    hf2, cf2 = _lstm_cell(h1, hf1, cf1, wfi, wfh, bf, H)
    hf3, _ = _lstm_cell(h2, hf2, cf2, wfi, wfh, bf, H)
    wbi, wbh, bb = wbi_ref[...], wbh_ref[...], bb_ref[...]
    hb2, cb2 = _lstm_cell(h2, None, None, wbi, wbh, bb, H)
    hb1, cb1 = _lstm_cell(h1, hb2, cb2, wbi, wbh, bb, H)
    hb0, _ = _lstm_cell(xv, hb1, cb1, wbi, wbh, bb, H)
    awf, awb = awf_ref[...], awb_ref[...]
    dot = functools.partial(jnp.dot, preferred_element_type=jnp.float32)
    al0 = dot(hf1, awf) + dot(hb0, awb)
    al1 = dot(hf2, awf) + dot(hb1, awb)
    al2 = dot(hf3, awf) + dot(hb2, awb)
    m = jnp.maximum(jnp.maximum(al0, al1), al2)
    e0 = jnp.exp(al0 - m)
    e1 = jnp.exp(al1 - m)
    e2 = jnp.exp(al2 - m)
    u = (e0 * xv + e1 * h1 + e2 * h2) / (e0 + e1 + e2)
    logits = dot(u, lw_ref[...]) + lb_ref[...]
    lm = jnp.max(logits, axis=1, keepdims=True)
    lz = logits - lm
    out_ref[...] = lz - jnp.log(jnp.sum(jnp.exp(lz), axis=1, keepdims=True))


def _tc3(x, h1, g2, acc, dinv, b2, wfi, wfh, bf, wbi, wbh, bb,
         awf, awb, lw, lb):
    row = lambda i: (i, 0)
    full = lambda i: (0, 0)
    H, H4 = 192, 768
    return pl.pallas_call(
        _tc3_body,
        grid=(N // BLK,),
        in_specs=[
            pl.BlockSpec((BLK, C), row),
            pl.BlockSpec((BLK, C), row),
            pl.BlockSpec((2, BLK, CH), lambda i: (0, i, 0)),
            pl.BlockSpec((2, BLK, CH), lambda i: (0, i, 0)),
            pl.BlockSpec((BLK, 1), row),
            pl.BlockSpec((1, C), full),
            pl.BlockSpec((C, H4), full),
            pl.BlockSpec((H, H4), full),
            pl.BlockSpec((1, H4), full),
            pl.BlockSpec((C, H4), full),
            pl.BlockSpec((H, H4), full),
            pl.BlockSpec((1, H4), full),
            pl.BlockSpec((H, 1), full),
            pl.BlockSpec((H, 1), full),
            pl.BlockSpec((C, NUM_CLASSES), full),
            pl.BlockSpec((1, NUM_CLASSES), full),
        ],
        out_specs=pl.BlockSpec((BLK, NUM_CLASSES), row),
        out_shape=jax.ShapeDtypeStruct((N, NUM_CLASSES), jnp.float32),
    )(x, h1, g2, acc, dinv, b2, wfi, wfh, bf, wbi, wbh, bb, awf, awb,
      lw, lb)


def _jk_args(p, hid):
    bf = jnp.bfloat16
    return (p['wih_f'].T.astype(bf), p['whh_f'].T.astype(bf),
            (p['bih_f'] + p['bhh_f'])[None],
            p['wih_b'].T.astype(bf), p['whh_b'].T.astype(bf),
            (p['bih_b'] + p['bhh_b'])[None],
            p['att_w'][0, :hid][:, None], p['att_w'][0, hid:][:, None])


def kernel(x, edge_index, jk_params, gcn_params, final_jk, lin_w, lin_b):
    src, dst = edge_index[0], edge_index[1]
    pad_src = jnp.asarray(np.arange(EPAD, dtype=np.int32) % N)
    pad_dst = jnp.asarray(N + np.arange(EPAD, dtype=np.int32) % (NPAD - N))
    src2d = jnp.concatenate([src, pad_src]).reshape(NCHUNK, 128)
    dst2d = jnp.concatenate([dst, pad_dst]).reshape(NCHUNK, 128)

    degp = _sc_deg(dst2d)
    d0 = degp[0, :N, None]
    d1 = degp[1, :N, None]

    g1, dinv = _tc1(x, d0, d1, gcn_params[0]['W'])

    acc1 = _sc_scatter(g1, src2d, dst2d)
    h1, g2 = _tc2(x, g1, acc1[:, :N], dinv,
                  gcn_params[0]['b'][None],
                  *_jk_args(jk_params[1], C),
                  gcn_params[1]['W'])

    acc2 = _sc_scatter(g2, src2d, dst2d)
    out = _tc3(x, h1, g2, acc2[:, :N], dinv,
               gcn_params[1]['b'][None],
               *_jk_args(final_jk, 192),
               lin_w, lin_b[None])
    return out

# --- scband reference (transcript-rebuilt; emitter-appended) ---
"""Pipeline reference for scband-jkgcn-40638980555140 (READ-ONLY COPY).

The authoritative reference and input builder live on the scoring server;
editing this copy changes nothing except your own understanding.
"""

import jax, jax.numpy as jnp
import numpy as np

N = 10000
E = 320000
C = 128
NUM_CLASSES = 7
NUM_LAYERS = 2


def _mk_jk(key, L):
    hid = (L * C) // 2
    s = 1.0 / np.sqrt(hid)
    sa = 1.0 / np.sqrt(2 * hid)
    ks = jax.random.split(key, 10)
    u = lambda k, shape, sc: jax.random.uniform(k, shape, minval=-sc, maxval=sc, dtype=jnp.float32)
    return {
        'wih_f': u(ks[0], (4 * hid, C), s),
        'whh_f': u(ks[1], (4 * hid, hid), s),
        'bih_f': u(ks[2], (4 * hid,), s),
        'bhh_f': u(ks[3], (4 * hid,), s),
        'wih_b': u(ks[4], (4 * hid, C), s),
        'whh_b': u(ks[5], (4 * hid, hid), s),
        'bih_b': u(ks[6], (4 * hid,), s),
        'bhh_b': u(ks[7], (4 * hid,), s),
        'att_w': u(ks[8], (1, 2 * hid), sa),
        'att_b': u(ks[9], (1,), sa),
    }


def setup_inputs(seed: int = 0):
    key = jax.random.key(seed)
    x = jax.random.normal(jax.random.fold_in(key, 0), (N, C), dtype=jnp.float32)
    edge_index = jax.random.randint(jax.random.fold_in(key, 1), (2, E), 0, N, dtype=jnp.int32)
    jk_params = [_mk_jk(jax.random.fold_in(key, 10 + i), i) for i in range(1, NUM_LAYERS + 1)]
    final_jk = _mk_jk(jax.random.fold_in(key, 30), NUM_LAYERS + 1)
    gcn_params = []
    for i in range(NUM_LAYERS):
        k = jax.random.fold_in(key, 50 + i)
        gcn_params.append({'W': jax.random.normal(k, (C, C), dtype=jnp.float32) / np.sqrt(C), 'b': jnp.zeros((C,), jnp.float32)})
    lin_w = jax.random.normal(jax.random.fold_in(key, 70), (C, NUM_CLASSES), dtype=jnp.float32) / np.sqrt(C)
    lin_b = jnp.zeros((NUM_CLASSES,), jnp.float32)
    return {'x': x, 'edge_index': edge_index, 'jk_params': jk_params, 'gcn_params': gcn_params, 'final_jk': final_jk, 'lin_w': lin_w, 'lin_b': lin_b}


def _lstm_dir(seq, wih, whh, bih, bhh):
    H = whh.shape[1]
    n = seq.shape[1]

    def step(carry, xt):
        h, c = carry
        g = xt @ wih.T + h @ whh.T + bih + bhh
        ig, fg, gg, og = jnp.split(g, 4, axis=-1)
        ig = jax.nn.sigmoid(ig)
        fg = jax.nn.sigmoid(fg)
        gg = jnp.tanh(gg)
        og = jax.nn.sigmoid(og)
        c2 = fg * c + ig * gg
        h2 = og * jnp.tanh(c2)
        return (h2, c2), h2

    init = (jnp.zeros((n, H), seq.dtype), jnp.zeros((n, H), seq.dtype))
    _, hs = jax.lax.scan(step, init, seq)
    return hs


def _jk(xs, p):
    seq = jnp.stack(xs, axis=0)  # [L, N, C]
    hf = _lstm_dir(seq, p['wih_f'], p['whh_f'], p['bih_f'], p['bhh_f'])
    hb = _lstm_dir(seq[::-1], p['wih_b'], p['whh_b'], p['bih_b'], p['bhh_b'])[::-1]
    h = jnp.concatenate([hf, hb], axis=-1)  # [L, N, 2H]
    alpha = jnp.einsum('lnh,h->ln', h, p['att_w'][0]) + p['att_b'][0]
    alpha = jax.nn.softmax(alpha, axis=0)
    return jnp.sum(seq * alpha[..., None], axis=0)


def _gcn(x, src, dst, W, b):
    n = x.shape[0]
    loop = jnp.arange(n, dtype=src.dtype)
    s = jnp.concatenate([src, loop])
    d = jnp.concatenate([dst, loop])
    deg = jnp.zeros((n,), x.dtype).at[d].add(1.0)
    dinv = jnp.where(deg > 0, 1.0 / jnp.sqrt(deg), 0.0)
    norm = dinv[s] * dinv[d]
    h = x @ W
    out = jnp.zeros((n, W.shape[1]), x.dtype).at[d].add(h[s] * norm[:, None])
    return out + b


def reference(x, edge_index, jk_params, gcn_params, final_jk, lin_w, lin_b):
    src, dst = edge_index[0], edge_index[1]
    xs = [x]
    h = x
    for p_jk, p_gcn in zip(jk_params, gcn_params):
        h = _jk(xs, p_jk)
        h = jax.nn.relu(_gcn(h, src, dst, p_gcn['W'], p_gcn['b']))
        xs.append(h)
    out = _jk(xs, final_jk)
    logits = out @ lin_w + lin_b
    return jax.nn.log_softmax(logits, axis=1)

if __name__ == "__main__":
    import jax
    _d = setup_inputs()
    print(jax.jit(kernel)(*tuple(_d.values())))

</pallas_src>

<mosaic_0001>
#map = affine_map<(d0, d1) -> (0, 0, 0)>
#map1 = affine_map<(d0, d1) -> (0, 0)>
module attributes {stable_mosaic.version = 14 : i64} {
  func.func @_sc_scatter_body(%arg0: i32, %arg1: i32, %arg2: memref<2x10000x64xf32, #tpu.memory_space<hbm>>, %arg3: memref<2560x128xi32, #tpu.memory_space<hbm>>, %arg4: memref<2560x128xi32, #tpu.memory_space<hbm>>, %arg5: memref<2x10240x64xf32, #tpu.memory_space<hbm>>, %arg6: memref<160x128xi32, #tpu.memory_space<vmem>>, %arg7: memref<160x128xi32, #tpu.memory_space<vmem>>, %arg8: memref<128x64xf32, #tpu.memory_space<vmem>>, %arg9: memref<128x64xf32, #tpu.memory_space<vmem>>, %arg10: memref<128x64xf32, #tpu.memory_space<vmem>>, %arg11: memref<10240x64xf32, #tpu.memory_space<vmem_shared>>, %arg12: memref<!tpu.dma_semaphore, #tpu.memory_space<semaphore_mem>>, %arg13: memref<!tpu.dma_semaphore, #tpu.memory_space<semaphore_mem>>) attributes {dimension_semantics = [#tpu.dimension_semantics<core_parallel>, #tpu.dimension_semantics<subcore_parallel>], iteration_bounds = array<i64: 2, 16>, scalar_prefetch = 0 : i64, scratch_operands = 8 : i64, tpu.core_type = #tpu.core_type<sc_vector_subcore>, window_params = [{transform_indices = #map}, {transform_indices = #map1}, {transform_indices = #map1}, {transform_indices = #map}]} {
    %scan3A = arith.constant 0 : i32
    %scan3A_0 = arith.constant 0 : i32
    %scan3A_1 = arith.constant 128 : i32
    %scan3A_2 = arith.addi %scan3A_0, %scan3A_1 : i32
    %scan3A_3 = arith.constant 1 : i32
    scf.for %scan3A_48 = %scan3A_0 to %scan3A_2 step %scan3A_3  : i32 {
      %broadcast_in_dim3A = arith.constant 0.000000e+00 : f32
      %broadcast_in_dim3A_49 = vector.broadcast %broadcast_in_dim3A : f32 to vector<16xf32>
      %swap3A = arith.index_cast %scan3A_48 : i32 to index
      %swap3A_50 = arith.constant 0 : index
      %swap3A_51 = tpu.vector_load %arg10[%swap3A, %swap3A_50] {strides = array<i32>} : memref<128x64xf32, #tpu.memory_space<vmem>>, vector<16xf32>,
      tpu.vector_store %arg10[%swap3A, %swap3A_50], %broadcast_in_dim3A_49 {strides = array<i32>} : memref<128x64xf32, #tpu.memory_space<vmem>>, vector<16xf32>,
      %broadcast_in_dim3A_52 = arith.constant 0.000000e+00 : f32
      %broadcast_in_dim3A_53 = vector.broadcast %broadcast_in_dim3A_52 : f32 to vector<16xf32>
      %swap3A_54 = arith.index_cast %scan3A_48 : i32 to index
      %swap3A_55 = arith.constant 16 : index
      %swap3A_56 = tpu.vector_load %arg10[%swap3A_54, %swap3A_55] {strides = array<i32>} : memref<128x64xf32, #tpu.memory_space<vmem>>, vector<16xf32>,
      tpu.vector_store %arg10[%swap3A_54, %swap3A_55], %broadcast_in_dim3A_53 {strides = array<i32>} : memref<128x64xf32, #tpu.memory_space<vmem>>, vector<16xf32>,
      %broadcast_in_dim3A_57 = arith.constant 0.000000e+00 : f32
      %broadcast_in_dim3A_58 = vector.broadcast %broadcast_in_dim3A_57 : f32 to vector<16xf32>
      %swap3A_59 = arith.index_cast %scan3A_48 : i32 to index
      %swap3A_60 = arith.constant 32 : index
      %swap3A_61 = tpu.vector_load %arg10[%swap3A_59, %swap3A_60] {strides = array<i32>} : memref<128x64xf32, #tpu.memory_space<vmem>>, vector<16xf32>,
      tpu.vector_store %arg10[%swap3A_59, %swap3A_60], %broadcast_in_dim3A_58 {strides = array<i32>} : memref<128x64xf32, #tpu.memory_space<vmem>>, vector<16xf32>,
      %broadcast_in_dim3A_62 = arith.constant 0.000000e+00 : f32
      %broadcast_in_dim3A_63 = vector.broadcast %broadcast_in_dim3A_62 : f32 to vector<16xf32>
      %swap3A_64 = arith.index_cast %scan3A_48 : i32 to index
      %swap3A_65 = arith.constant 48 : index
      %swap3A_66 = tpu.vector_load %arg10[%swap3A_64, %swap3A_65] {strides = array<i32>} : memref<128x64xf32, #tpu.memory_space<vmem>>, vector<16xf32>,
      tpu.vector_store %arg10[%swap3A_64, %swap3A_65], %broadcast_in_dim3A_63 {strides = array<i32>} : memref<128x64xf32, #tpu.memory_space<vmem>>, vector<16xf32>,
    }
    %scan3A_4 = arith.constant 128 : i32
    %mul3A = arith.constant 640 : i32
    %mul3A_5 = arith.muli %arg1, %mul3A : i32
    %add3A = arith.constant 0 : i32
    %add3A_6 = arith.addi %mul3A_5, %add3A : i32
    "tpu.region"() ({
      %run_scoped3A = tpu.sem_alloc : memref<!tpu.dma_semaphore, #tpu.memory_space<semaphore_mem>>
      %dma_start3A_48 = arith.constant 0 : i32
      %dma_start3A_49 = tpu.memref_slice %arg11[%add3A_6, %dma_start3A_48] : memref<10240x64xf32, #tpu.memory_space<vmem_shared>> -> memref<128x64xf32, #tpu.memory_space<vmem_shared>>
      %dma_start3A_50 = arith.constant 0 : i32
      %dma_start3A_51 = tpu.memref_slice %arg11[%add3A_6, %dma_start3A_50] : memref<10240x64xf32, #tpu.memory_space<vmem_shared>> -> memref<128x64xf32, #tpu.memory_space<vmem_shared>>
      tpu.enqueue_dma source(%arg10 : memref<128x64xf32, #tpu.memory_space<vmem>>) target(%dma_start3A_51 : memref<128x64xf32, #tpu.memory_space<vmem_shared>>) target_semaphore(%run_scoped3A : memref<!tpu.dma_semaphore, #tpu.memory_space<semaphore_mem>>)
      %dma_wait3A = arith.constant 0 : i32
      %dma_wait3A_52 = tpu.memref_slice %arg11[%add3A_6, %dma_wait3A] : memref<10240x64xf32, #tpu.memory_space<vmem_shared>> -> memref<128x64xf32, #tpu.memory_space<vmem_shared>>
      %dma_wait3A_53 = arith.constant 0 : i32
      %dma_wait3A_54 = tpu.memref_slice %arg11[%add3A_6, %dma_wait3A_53] : memref<10240x64xf32, #tpu.memory_space<vmem_shared>> -> memref<128x64xf32, #tpu.memory_space<vmem_shared>>
      tpu.wait_dma2 semaphore(%run_scoped3A : memref<!tpu.dma_semaphore, #tpu.memory_space<semaphore_mem>>) src(%arg10 : memref<128x64xf32, #tpu.memory_space<vmem>>) dst(%dma_wait3A_54 : memref<128x64xf32, #tpu.memory_space<vmem_shared>>)
      tpu.yield
    }) : () -> ()
    %mul3A_7 = arith.constant 640 : i32
    %mul3A_8 = arith.muli %arg1, %mul3A_7 : i32
    %add3A_9 = arith.constant 128 : i32
    %add3A_10 = arith.addi %mul3A_8, %add3A_9 : i32
    "tpu.region"() ({
      %run_scoped3A = tpu.sem_alloc : memref<!tpu.dma_semaphore, #tpu.memory_space<semaphore_mem>>
      %dma_start3A_48 = arith.constant 0 : i32
      %dma_start3A_49 = tpu.memref_slice %arg11[%add3A_10, %dma_start3A_48] : memref<10240x64xf32, #tpu.memory_space<vmem_shared>> -> memref<128x64xf32, #tpu.memory_space<vmem_shared>>
      %dma_start3A_50 = arith.constant 0 : i32
      %dma_start3A_51 = tpu.memref_slice %arg11[%add3A_10, %dma_start3A_50] : memref<10240x64xf32, #tpu.memory_space<vmem_shared>> -> memref<128x64xf32, #tpu.memory_space<vmem_shared>>
      tpu.enqueue_dma source(%arg10 : memref<128x64xf32, #tpu.memory_space<vmem>>) target(%dma_start3A_51 : memref<128x64xf32, #tpu.memory_space<vmem_shared>>) target_semaphore(%run_scoped3A : memref<!tpu.dma_semaphore, #tpu.memory_space<semaphore_mem>>)
      %dma_wait3A = arith.constant 0 : i32
      %dma_wait3A_52 = tpu.memref_slice %arg11[%add3A_10, %dma_wait3A] : memref<10240x64xf32, #tpu.memory_space<vmem_shared>> -> memref<128x64xf32, #tpu.memory_space<vmem_shared>>
      %dma_wait3A_53 = arith.constant 0 : i32
      %dma_wait3A_54 = tpu.memref_slice %arg11[%add3A_10, %dma_wait3A_53] : memref<10240x64xf32, #tpu.memory_space<vmem_shared>> -> memref<128x64xf32, #tpu.memory_space<vmem_shared>>
      tpu.wait_dma2 semaphore(%run_scoped3A : memref<!tpu.dma_semaphore, #tpu.memory_space<semaphore_mem>>) src(%arg10 : memref<128x64xf32, #tpu.memory_space<vmem>>) dst(%dma_wait3A_54 : memref<128x64xf32, #tpu.memory_space<vmem_shared>>)
      tpu.yield
    }) : () -> ()
    %mul3A_11 = arith.constant 640 : i32
    %mul3A_12 = arith.muli %arg1, %mul3A_11 : i32
    %add3A_13 = arith.constant 256 : i32
    %add3A_14 = arith.addi %mul3A_12, %add3A_13 : i32
    "tpu.region"() ({
      %run_scoped3A = tpu.sem_alloc : memref<!tpu.dma_semaphore, #tpu.memory_space<semaphore_mem>>
      %dma_start3A_48 = arith.constant 0 : i32
      %dma_start3A_49 = tpu.memref_slice %arg11[%add3A_14, %dma_start3A_48] : memref<10240x64xf32, #tpu.memory_space<vmem_shared>> -> memref<128x64xf32, #tpu.memory_space<vmem_shared>>
      %dma_start3A_50 = arith.constant 0 : i32
      %dma_start3A_51 = tpu.memref_slice %arg11[%add3A_14, %dma_start3A_50] : memref<10240x64xf32, #tpu.memory_space<vmem_shared>> -> memref<128x64xf32, #tpu.memory_space<vmem_shared>>
      tpu.enqueue_dma source(%arg10 : memref<128x64xf32, #tpu.memory_space<vmem>>) target(%dma_start3A_51 : memref<128x64xf32, #tpu.memory_space<vmem_shared>>) target_semaphore(%run_scoped3A : memref<!tpu.dma_semaphore, #tpu.memory_space<semaphore_mem>>)
      %dma_wait3A = arith.constant 0 : i32
      %dma_wait3A_52 = tpu.memref_slice %arg11[%add3A_14, %dma_wait3A] : memref<10240x64xf32, #tpu.memory_space<vmem_shared>> -> memref<128x64xf32, #tpu.memory_space<vmem_shared>>
      %dma_wait3A_53 = arith.constant 0 : i32
      %dma_wait3A_54 = tpu.memref_slice %arg11[%add3A_14, %dma_wait3A_53] : memref<10240x64xf32, #tpu.memory_space<vmem_shared>> -> memref<128x64xf32, #tpu.memory_space<vmem_shared>>
      tpu.wait_dma2 semaphore(%run_scoped3A : memref<!tpu.dma_semaphore, #tpu.memory_space<semaphore_mem>>) src(%arg10 : memref<128x64xf32, #tpu.memory_space<vmem>>) dst(%dma_wait3A_54 : memref<128x64xf32, #tpu.memory_space<vmem_shared>>)
      tpu.yield
    }) : () -> ()
    %mul3A_15 = arith.constant 640 : i32
    %mul3A_16 = arith.muli %arg1, %mul3A_15 : i32
    %add3A_17 = arith.constant 384 : i32
    %add3A_18 = arith.addi %mul3A_16, %add3A_17 : i32
    "tpu.region"() ({
      %run_scoped3A = tpu.sem_alloc : memref<!tpu.dma_semaphore, #tpu.memory_space<semaphore_mem>>
      %dma_start3A_48 = arith.constant 0 : i32
      %dma_start3A_49 = tpu.memref_slice %arg11[%add3A_18, %dma_start3A_48] : memref<10240x64xf32, #tpu.memory_space<vmem_shared>> -> memref<128x64xf32, #tpu.memory_space<vmem_shared>>
      %dma_start3A_50 = arith.constant 0 : i32
      %dma_start3A_51 = tpu.memref_slice %arg11[%add3A_18, %dma_start3A_50] : memref<10240x64xf32, #tpu.memory_space<vmem_shared>> -> memref<128x64xf32, #tpu.memory_space<vmem_shared>>
      tpu.enqueue_dma source(%arg10 : memref<128x64xf32, #tpu.memory_space<vmem>>) target(%dma_start3A_51 : memref<128x64xf32, #tpu.memory_space<vmem_shared>>) target_semaphore(%run_scoped3A : memref<!tpu.dma_semaphore, #tpu.memory_space<semaphore_mem>>)
      %dma_wait3A = arith.constant 0 : i32
      %dma_wait3A_52 = tpu.memref_slice %arg11[%add3A_18, %dma_wait3A] : memref<10240x64xf32, #tpu.memory_space<vmem_shared>> -> memref<128x64xf32, #tpu.memory_space<vmem_shared>>
      %dma_wait3A_53 = arith.constant 0 : i32
      %dma_wait3A_54 = tpu.memref_slice %arg11[%add3A_18, %dma_wait3A_53] : memref<10240x64xf32, #tpu.memory_space<vmem_shared>> -> memref<128x64xf32, #tpu.memory_space<vmem_shared>>
      tpu.wait_dma2 semaphore(%run_scoped3A : memref<!tpu.dma_semaphore, #tpu.memory_space<semaphore_mem>>) src(%arg10 : memref<128x64xf32, #tpu.memory_space<vmem>>) dst(%dma_wait3A_54 : memref<128x64xf32, #tpu.memory_space<vmem_shared>>)
      tpu.yield
    }) : () -> ()
    %mul3A_19 = arith.constant 640 : i32
    %mul3A_20 = arith.muli %arg1, %mul3A_19 : i32
    %add3A_21 = arith.constant 512 : i32
    %add3A_22 = arith.addi %mul3A_20, %add3A_21 : i32
    "tpu.region"() ({
      %run_scoped3A = tpu.sem_alloc : memref<!tpu.dma_semaphore, #tpu.memory_space<semaphore_mem>>
      %dma_start3A_48 = arith.constant 0 : i32
      %dma_start3A_49 = tpu.memref_slice %arg11[%add3A_22, %dma_start3A_48] : memref<10240x64xf32, #tpu.memory_space<vmem_shared>> -> memref<128x64xf32, #tpu.memory_space<vmem_shared>>
      %dma_start3A_50 = arith.constant 0 : i32
      %dma_start3A_51 = tpu.memref_slice %arg11[%add3A_22, %dma_start3A_50] : memref<10240x64xf32, #tpu.memory_space<vmem_shared>> -> memref<128x64xf32, #tpu.memory_space<vmem_shared>>
      tpu.enqueue_dma source(%arg10 : memref<128x64xf32, #tpu.memory_space<vmem>>) target(%dma_start3A_51 : memref<128x64xf32, #tpu.memory_space<vmem_shared>>) target_semaphore(%run_scoped3A : memref<!tpu.dma_semaphore, #tpu.memory_space<semaphore_mem>>)
      %dma_wait3A = arith.constant 0 : i32
      %dma_wait3A_52 = tpu.memref_slice %arg11[%add3A_22, %dma_wait3A] : memref<10240x64xf32, #tpu.memory_space<vmem_shared>> -> memref<128x64xf32, #tpu.memory_space<vmem_shared>>
      %dma_wait3A_53 = arith.constant 0 : i32
      %dma_wait3A_54 = tpu.memref_slice %arg11[%add3A_22, %dma_wait3A_53] : memref<10240x64xf32, #tpu.memory_space<vmem_shared>> -> memref<128x64xf32, #tpu.memory_space<vmem_shared>>
      tpu.wait_dma2 semaphore(%run_scoped3A : memref<!tpu.dma_semaphore, #tpu.memory_space<semaphore_mem>>) src(%arg10 : memref<128x64xf32, #tpu.memory_space<vmem>>) dst(%dma_wait3A_54 : memref<128x64xf32, #tpu.memory_space<vmem_shared>>)
      tpu.yield
    }) : () -> ()
    %mul3A_23 = arith.constant 160 : i32
    %mul3A_24 = arith.muli %arg1, %mul3A_23 : i32
    "tpu.region"() ({
      %run_scoped3A = tpu.sem_alloc : memref<!tpu.dma_semaphore, #tpu.memory_space<semaphore_mem>>
      %dma_start3A_48 = arith.constant 0 : i32
      %dma_start3A_49 = tpu.memref_slice %arg3[%mul3A_24, %dma_start3A_48] : memref<2560x128xi32, #tpu.memory_space<hbm>> -> memref<160x128xi32, #tpu.memory_space<hbm>>
      %dma_start3A_50 = arith.constant 0 : i32
      %dma_start3A_51 = tpu.memref_slice %arg3[%mul3A_24, %dma_start3A_50] : memref<2560x128xi32, #tpu.memory_space<hbm>> -> memref<160x128xi32, #tpu.memory_space<hbm>>
      tpu.enqueue_dma source(%dma_start3A_51 : memref<160x128xi32, #tpu.memory_space<hbm>>) target(%arg6 : memref<160x128xi32, #tpu.memory_space<vmem>>) target_semaphore(%run_scoped3A : memref<!tpu.dma_semaphore, #tpu.memory_space<semaphore_mem>>)
      %dma_wait3A = arith.constant 0 : i32
      %dma_wait3A_52 = tpu.memref_slice %arg3[%mul3A_24, %dma_wait3A] : memref<2560x128xi32, #tpu.memory_space<hbm>> -> memref<160x128xi32, #tpu.memory_space<hbm>>
      %dma_wait3A_53 = arith.constant 0 : i32
      %dma_wait3A_54 = tpu.memref_slice %arg3[%mul3A_24, %dma_wait3A_53] : memref<2560x128xi32, #tpu.memory_space<hbm>> -> memref<160x128xi32, #tpu.memory_space<hbm>>
      tpu.wait_dma2 semaphore(%run_scoped3A : memref<!tpu.dma_semaphore, #tpu.memory_space<semaphore_mem>>) src(%dma_wait3A_54 : memref<160x128xi32, #tpu.memory_space<hbm>>) dst(%arg6 : memref<160x128xi32, #tpu.memory_space<vmem>>)
      tpu.yield
    }) : () -> ()
    %mul3A_25 = arith.constant 160 : i32
    %mul3A_26 = arith.muli %arg1, %mul3A_25 : i32
    "tpu.region"() ({
      %run_scoped3A = tpu.sem_alloc : memref<!tpu.dma_semaphore, #tpu.memory_space<semaphore_mem>>
      %dma_start3A_48 = arith.constant 0 : i32
      %dma_start3A_49 = tpu.memref_slice %arg4[%mul3A_26, %dma_start3A_48] : memref<2560x128xi32, #tpu.memory_space<hbm>> -> memref<160x128xi32, #tpu.memory_space<hbm>>
      %dma_start3A_50 = arith.constant 0 : i32
      %dma_start3A_51 = tpu.memref_slice %arg4[%mul3A_26, %dma_start3A_50] : memref<2560x128xi32, #tpu.memory_space<hbm>> -> memref<160x128xi32, #tpu.memory_space<hbm>>
      tpu.enqueue_dma source(%dma_start3A_51 : memref<160x128xi32, #tpu.memory_space<hbm>>) target(%arg7 : memref<160x128xi32, #tpu.memory_space<vmem>>) target_semaphore(%run_scoped3A : memref<!tpu.dma_semaphore, #tpu.memory_space<semaphore_mem>>)
      %dma_wait3A = arith.constant 0 : i32
      %dma_wait3A_52 = tpu.memref_slice %arg4[%mul3A_26, %dma_wait3A] : memref<2560x128xi32, #tpu.memory_space<hbm>> -> memref<160x128xi32, #tpu.memory_space<hbm>>
      %dma_wait3A_53 = arith.constant 0 : i32
      %dma_wait3A_54 = tpu.memref_slice %arg4[%mul3A_26, %dma_wait3A_53] : memref<2560x128xi32, #tpu.memory_space<hbm>> -> memref<160x128xi32, #tpu.memory_space<hbm>>
      tpu.wait_dma2 semaphore(%run_scoped3A : memref<!tpu.dma_semaphore, #tpu.memory_space<semaphore_mem>>) src(%dma_wait3A_54 : memref<160x128xi32, #tpu.memory_space<hbm>>) dst(%arg7 : memref<160x128xi32, #tpu.memory_space<vmem>>)
      tpu.yield
    }) : () -> ()
    %barrier3A = arith.constant 0 : index
    tpu.barrier barrier_id(%barrier3A)
    %dma_start3A = arith.constant 0 : i32
    %dma_start3A_27 = arith.constant 0 : i32
    %dma_start3A_28 = tpu.memref_slice %arg6[%dma_start3A, %dma_start3A_27] : memref<160x128xi32, #tpu.memory_space<vmem>> -> memref<1x128xi32, #tpu.memory_space<vmem>>
    %dma_start3A_29 = tpu.memref_squeeze %dma_start3A_28 : memref<1x128xi32, #tpu.memory_space<vmem>> -> memref<128xi32, #tpu.memory_space<vmem>>
    %dma_start3A_30 = arith.constant 0 : i32
    %dma_start3A_31 = arith.constant 0 : i32
    %dma_start3A_32 = tpu.memref_slice %arg2[%arg0, %dma_start3A_30, %dma_start3A_31] : memref<2x10000x64xf32, #tpu.memory_space<hbm>> -> memref<1x10000x64xf32, #tpu.memory_space<hbm>>
    %dma_start3A_33 = tpu.memref_squeeze %dma_start3A_32 : memref<1x10000x64xf32, #tpu.memory_space<hbm>> -> memref<10000x64xf32, #tpu.memory_space<hbm>>
    %dma_start3A_34 = arith.constant 0 : i32
    %dma_start3A_35 = arith.constant 0 : i32
    %dma_start3A_36 = tpu.memref_slice %dma_start3A_33[%dma_start3A_34, %dma_start3A_35] : memref<10000x64xf32, #tpu.memory_space<hbm>> -> memref<10000x64xf32, #tpu.memory_space<hbm>>
    tpu.enqueue_indirect_dma source(%dma_start3A_36 : memref<10000x64xf32, #tpu.memory_space<hbm>>) target(%arg8 : memref<128x64xf32, #tpu.memory_space<vmem>>) offsets(%dma_start3A_29 : memref<128xi32, #tpu.memory_space<vmem>>) semaphore(%arg12 : memref<!tpu.dma_semaphore, #tpu.memory_space<semaphore_mem>>)
    %scan3A_37 = arith.constant 0 : i32
    %scan3A_38 = arith.constant 0 : i32
    %scan3A_39 = arith.constant 80 : i32
    %scan3A_40 = arith.addi %scan3A_38, %scan3A_39 : i32
    %scan3A_41 = arith.constant 1 : i32
    scf.for %scan3A_48 = %scan3A_38 to %scan3A_40 step %scan3A_41  : i32 {
      %mul3A_49 = arith.constant 2 : i32
      %mul3A_50 = arith.muli %mul3A_49, %scan3A_48 : i32
      %add3A_51 = arith.constant 1 : i32
      %add3A_52 = arith.addi %mul3A_50, %add3A_51 : i32
      %dma_start3A_53 = arith.constant 0 : i32
      %dma_start3A_54 = tpu.memref_slice %arg6[%add3A_52, %dma_start3A_53] : memref<160x128xi32, #tpu.memory_space<vmem>> -> memref<1x128xi32, #tpu.memory_space<vmem>>
      %dma_start3A_55 = tpu.memref_squeeze %dma_start3A_54 : memref<1x128xi32, #tpu.memory_space<vmem>> -> memref<128xi32, #tpu.memory_space<vmem>>
      %dma_start3A_56 = arith.constant 0 : i32
      %dma_start3A_57 = arith.constant 0 : i32
      %dma_start3A_58 = tpu.memref_slice %arg2[%arg0, %dma_start3A_56, %dma_start3A_57] : memref<2x10000x64xf32, #tpu.memory_space<hbm>> -> memref<1x10000x64xf32, #tpu.memory_space<hbm>>
      %dma_start3A_59 = tpu.memref_squeeze %dma_start3A_58 : memref<1x10000x64xf32, #tpu.memory_space<hbm>> -> memref<10000x64xf32, #tpu.memory_space<hbm>>
      %dma_start3A_60 = arith.constant 0 : i32
      %dma_start3A_61 = arith.constant 0 : i32
      %dma_start3A_62 = tpu.memref_slice %dma_start3A_59[%dma_start3A_60, %dma_start3A_61] : memref<10000x64xf32, #tpu.memory_space<hbm>> -> memref<10000x64xf32, #tpu.memory_space<hbm>>
      tpu.enqueue_indirect_dma source(%dma_start3A_62 : memref<10000x64xf32, #tpu.memory_space<hbm>>) target(%arg9 : memref<128x64xf32, #tpu.memory_space<vmem>>) offsets(%dma_start3A_55 : memref<128xi32, #tpu.memory_space<vmem>>) semaphore(%arg13 : memref<!tpu.dma_semaphore, #tpu.memory_space<semaphore_mem>>)
      %dma_wait3A = arith.constant 0 : i32
      %dma_wait3A_63 = tpu.memref_slice %arg6[%mul3A_50, %dma_wait3A] : memref<160x128xi32, #tpu.memory_space<vmem>> -> memref<1x128xi32, #tpu.memory_space<vmem>>
      %dma_wait3A_64 = tpu.memref_squeeze %dma_wait3A_63 : memref<1x128xi32, #tpu.memory_space<vmem>> -> memref<128xi32, #tpu.memory_space<vmem>>
      %dma_wait3A_65 = arith.constant 0 : i32
      %dma_wait3A_66 = arith.constant 0 : i32
      %dma_wait3A_67 = tpu.memref_slice %arg2[%arg0, %dma_wait3A_65, %dma_wait3A_66] : memref<2x10000x64xf32, #tpu.memory_space<hbm>> -> memref<1x10000x64xf32, #tpu.memory_space<hbm>>
      %dma_wait3A_68 = tpu.memref_squeeze %dma_wait3A_67 : memref<1x10000x64xf32, #tpu.memory_space<hbm>> -> memref<10000x64xf32, #tpu.memory_space<hbm>>
      %dma_wait3A_69 = arith.constant 0 : i32
      %dma_wait3A_70 = arith.constant 0 : i32
      %dma_wait3A_71 = tpu.memref_slice %dma_wait3A_68[%dma_wait3A_69, %dma_wait3A_70] : memref<10000x64xf32, #tpu.memory_space<hbm>> -> memref<10000x64xf32, #tpu.memory_space<hbm>>
      tpu.wait_indirect_dma semaphore(%arg12 : memref<!tpu.dma_semaphore, #tpu.memory_space<semaphore_mem>>) src(%dma_wait3A_71 : memref<10000x64xf32, #tpu.memory_space<hbm>>) dst(%arg8 : memref<128x64xf32, #tpu.memory_space<vmem>>)
      "tpu.region"() ({
        %run_scoped3A = tpu.sem_alloc : memref<!tpu.dma_semaphore, #tpu.memory_space<semaphore_mem>>
        %dma_start3A_84 = arith.constant 0 : i32
        %dma_start3A_85 = tpu.memref_slice %arg7[%mul3A_50, %dma_start3A_84] : memref<160x128xi32, #tpu.memory_space<vmem>> -> memref<1x128xi32, #tpu.memory_space<vmem>>
        %dma_start3A_86 = tpu.memref_squeeze %dma_start3A_85 : memref<1x128xi32, #tpu.memory_space<vmem>> -> memref<128xi32, #tpu.memory_space<vmem>>
        %dma_start3A_87 = arith.constant 0 : i32
        %dma_start3A_88 = arith.constant 0 : i32
        %dma_start3A_89 = tpu.memref_slice %arg11[%dma_start3A_87, %dma_start3A_88] : memref<10240x64xf32, #tpu.memory_space<vmem_shared>> -> memref<10240x64xf32, #tpu.memory_space<vmem_shared>>
        tpu.enqueue_indirect_dma source(%arg8 : memref<128x64xf32, #tpu.memory_space<vmem>>) target(%dma_start3A_89 : memref<10240x64xf32, #tpu.memory_space<vmem_shared>>) offsets(%dma_start3A_86 : memref<128xi32, #tpu.memory_space<vmem>>) semaphore(%run_scoped3A : memref<!tpu.dma_semaphore, #tpu.memory_space<semaphore_mem>>) {add = true}
        %dma_wait3A_90 = arith.constant 0 : i32
        %dma_wait3A_91 = tpu.memref_slice %arg7[%mul3A_50, %dma_wait3A_90] : memref<160x128xi32, #tpu.memory_space<vmem>> -> memref<1x128xi32, #tpu.memory_space<vmem>>
        %dma_wait3A_92 = tpu.memref_squeeze %dma_wait3A_91 : memref<1x128xi32, #tpu.memory_space<vmem>> -> memref<128xi32, #tpu.memory_space<vmem>>
        %dma_wait3A_93 = arith.constant 0 : i32
        %dma_wait3A_94 = arith.constant 0 : i32
        %dma_wait3A_95 = tpu.memref_slice %arg11[%dma_wait3A_93, %dma_wait3A_94] : memref<10240x64xf32, #tpu.memory_space<vmem_shared>> -> memref<10240x64xf32, #tpu.memory_space<vmem_shared>>
        tpu.wait_indirect_dma semaphore(%run_scoped3A : memref<!tpu.dma_semaphore, #tpu.memory_space<semaphore_mem>>) src(%arg8 : memref<128x64xf32, #tpu.memory_space<vmem>>) dst(%dma_wait3A_95 : memref<10240x64xf32, #tpu.memory_space<vmem_shared>>)
        tpu.yield
      }) : () -> ()
      %lt3A = arith.constant 79 : i32
      %lt3A_72 = arith.cmpi slt, %scan3A_48, %lt3A : i32
      %convert_element_type3A = arith.extui %lt3A_72 : i1 to i32
      %cond3A = arith.constant 0 : i32
      %cond3A_73 = arith.cmpi ne, %convert_element_type3A, %cond3A : i32
      scf.if %cond3A_73 {
        %add3A_84 = arith.constant 2 : i32
        %add3A_85 = arith.addi %mul3A_50, %add3A_84 : i32
        %dma_start3A_86 = arith.constant 0 : i32
        %dma_start3A_87 = tpu.memref_slice %arg6[%add3A_85, %dma_start3A_86] : memref<160x128xi32, #tpu.memory_space<vmem>> -> memref<1x128xi32, #tpu.memory_space<vmem>>
        %dma_start3A_88 = tpu.memref_squeeze %dma_start3A_87 : memref<1x128xi32, #tpu.memory_space<vmem>> -> memref<128xi32, #tpu.memory_space<vmem>>
        %dma_start3A_89 = arith.constant 0 : i32
        %dma_start3A_90 = arith.constant 0 : i32
        %dma_start3A_91 = tpu.memref_slice %arg2[%arg0, %dma_start3A_89, %dma_start3A_90] : memref<2x10000x64xf32, #tpu.memory_space<hbm>> -> memref<1x10000x64xf32, #tpu.memory_space<hbm>>
        %dma_start3A_92 = tpu.memref_squeeze %dma_start3A_91 : memref<1x10000x64xf32, #tpu.memory_space<hbm>> -> memref<10000x64xf32, #tpu.memory_space<hbm>>
        %dma_start3A_93 = arith.constant 0 : i32
        %dma_start3A_94 = arith.constant 0 : i32
        %dma_start3A_95 = tpu.memref_slice %dma_start3A_92[%dma_start3A_93, %dma_start3A_94] : memref<10000x64xf32, #tpu.memory_space<hbm>> -> memref<10000x64xf32, #tpu.memory_space<hbm>>
        tpu.enqueue_indirect_dma source(%dma_start3A_95 : memref<10000x64xf32, #tpu.memory_space<hbm>>) target(%arg8 : memref<128x64xf32, #tpu.memory_space<vmem>>) offsets(%dma_start3A_88 : memref<128xi32, #tpu.memory_space<vmem>>) semaphore(%arg12 : memref<!tpu.dma_semaphore, #tpu.memory_space<semaphore_mem>>)
      } else {
      }
      %dma_wait3A_74 = arith.constant 0 : i32
      %dma_wait3A_75 = tpu.memref_slice %arg6[%add3A_52, %dma_wait3A_74] : memref<160x128xi32, #tpu.memory_space<vmem>> -> memref<1x128xi32, #tpu.memory_space<vmem>>
      %dma_wait3A_76 = tpu.memref_squeeze %dma_wait3A_75 : memref<1x128xi32, #tpu.memory_space<vmem>> -> memref<128xi32, #tpu.memory_space<vmem>>
      %dma_wait3A_77 = arith.constant 0 : i32
      %dma_wait3A_78 = arith.constant 0 : i32
      %dma_wait3A_79 = tpu.memref_slice %arg2[%arg0, %dma_wait3A_77, %dma_wait3A_78] : memref<2x10000x64xf32, #tpu.memory_space<hbm>> -> memref<1x10000x64xf32, #tpu.memory_space<hbm>>
      %dma_wait3A_80 = tpu.memref_squeeze %dma_wait3A_79 : memref<1x10000x64xf32, #tpu.memory_space<hbm>> -> memref<10000x64xf32, #tpu.memory_space<hbm>>
      %dma_wait3A_81 = arith.constant 0 : i32
      %dma_wait3A_82 = arith.constant 0 : i32
      %dma_wait3A_83 = tpu.memref_slice %dma_wait3A_80[%dma_wait3A_81, %dma_wait3A_82] : memref<10000x64xf32, #tpu.memory_space<hbm>> -> memref<10000x64xf32, #tpu.memory_space<hbm>>
      tpu.wait_indirect_dma semaphore(%arg13 : memref<!tpu.dma_semaphore, #tpu.memory_space<semaphore_mem>>) src(%dma_wait3A_83 : memref<10000x64xf32, #tpu.memory_space<hbm>>) dst(%arg9 : memref<128x64xf32, #tpu.memory_space<vmem>>)
      "tpu.region"() ({
        %run_scoped3A = tpu.sem_alloc : memref<!tpu.dma_semaphore, #tpu.memory_space<semaphore_mem>>
        %dma_start3A_84 = arith.constant 0 : i32
        %dma_start3A_85 = tpu.memref_slice %arg7[%add3A_52, %dma_start3A_84] : memref<160x128xi32, #tpu.memory_space<vmem>> -> memref<1x128xi32, #tpu.memory_space<vmem>>
        %dma_start3A_86 = tpu.memref_squeeze %dma_start3A_85 : memref<1x128xi32, #tpu.memory_space<vmem>> -> memref<128xi32, #tpu.memory_space<vmem>>
        %dma_start3A_87 = arith.constant 0 : i32
        %dma_start3A_88 = arith.constant 0 : i32
        %dma_start3A_89 = tpu.memref_slice %arg11[%dma_start3A_87, %dma_start3A_88] : memref<10240x64xf32, #tpu.memory_space<vmem_shared>> -> memref<10240x64xf32, #tpu.memory_space<vmem_shared>>
        tpu.enqueue_indirect_dma source(%arg9 : memref<128x64xf32, #tpu.memory_space<vmem>>) target(%dma_start3A_89 : memref<10240x64xf32, #tpu.memory_space<vmem_shared>>) offsets(%dma_start3A_86 : memref<128xi32, #tpu.memory_space<vmem>>) semaphore(%run_scoped3A : memref<!tpu.dma_semaphore, #tpu.memory_space<semaphore_mem>>) {add = true}
        %dma_wait3A_90 = arith.constant 0 : i32
        %dma_wait3A_91 = tpu.memref_slice %arg7[%add3A_52, %dma_wait3A_90] : memref<160x128xi32, #tpu.memory_space<vmem>> -> memref<1x128xi32, #tpu.memory_space<vmem>>
        %dma_wait3A_92 = tpu.memref_squeeze %dma_wait3A_91 : memref<1x128xi32, #tpu.memory_space<vmem>> -> memref<128xi32, #tpu.memory_space<vmem>>
        %dma_wait3A_93 = arith.constant 0 : i32
        %dma_wait3A_94 = arith.constant 0 : i32
        %dma_wait3A_95 = tpu.memref_slice %arg11[%dma_wait3A_93, %dma_wait3A_94] : memref<10240x64xf32, #tpu.memory_space<vmem_shared>> -> memref<10240x64xf32, #tpu.memory_space<vmem_shared>>
        tpu.wait_indirect_dma semaphore(%run_scoped3A : memref<!tpu.dma_semaphore, #tpu.memory_space<semaphore_mem>>) src(%arg9 : memref<128x64xf32, #tpu.memory_space<vmem>>) dst(%dma_wait3A_95 : memref<10240x64xf32, #tpu.memory_space<vmem_shared>>)
        tpu.yield
      }) : () -> ()
    }
    %scan3A_42 = arith.constant 80 : i32
    %barrier3A_43 = arith.constant 0 : index
    tpu.barrier barrier_id(%barrier3A_43)
    %mul3A_44 = arith.constant 640 : i32
    %mul3A_45 = arith.muli %arg1, %mul3A_44 : i32
    %mul3A_46 = arith.constant 640 : i32
    %mul3A_47 = arith.muli %arg1, %mul3A_46 : i32
    "tpu.region"() ({
      %run_scoped3A = tpu.sem_alloc : memref<!tpu.dma_semaphore, #tpu.memory_space<semaphore_mem>>
      %dma_start3A_48 = arith.constant 0 : i32
      %dma_start3A_49 = tpu.memref_slice %arg5[%arg0, %mul3A_47, %dma_start3A_48] : memref<2x10240x64xf32, #tpu.memory_space<hbm>> -> memref<1x640x64xf32, #tpu.memory_space<hbm>>
      %dma_start3A_50 = tpu.memref_squeeze %dma_start3A_49 : memref<1x640x64xf32, #tpu.memory_space<hbm>> -> memref<640x64xf32, #tpu.memory_space<hbm>>
      %dma_start3A_51 = arith.constant 0 : i32
      %dma_start3A_52 = tpu.memref_slice %arg11[%mul3A_45, %dma_start3A_51] : memref<10240x64xf32, #tpu.memory_space<vmem_shared>> -> memref<640x64xf32, #tpu.memory_space<vmem_shared>>
      tpu.enqueue_dma source(%dma_start3A_52 : memref<640x64xf32, #tpu.memory_space<vmem_shared>>) target(%dma_start3A_50 : memref<640x64xf32, #tpu.memory_space<hbm>>) target_semaphore(%run_scoped3A : memref<!tpu.dma_semaphore, #tpu.memory_space<semaphore_mem>>)
      %dma_wait3A = arith.constant 0 : i32
      %dma_wait3A_53 = tpu.memref_slice %arg5[%arg0, %mul3A_47, %dma_wait3A] : memref<2x10240x64xf32, #tpu.memory_space<hbm>> -> memref<1x640x64xf32, #tpu.memory_space<hbm>>
      %dma_wait3A_54 = tpu.memref_squeeze %dma_wait3A_53 : memref<1x640x64xf32, #tpu.memory_space<hbm>> -> memref<640x64xf32, #tpu.memory_space<hbm>>
      %dma_wait3A_55 = arith.constant 0 : i32
      %dma_wait3A_56 = tpu.memref_slice %arg11[%mul3A_45, %dma_wait3A_55] : memref<10240x64xf32, #tpu.memory_space<vmem_shared>> -> memref<640x64xf32, #tpu.memory_space<vmem_shared>>
      tpu.wait_dma2 semaphore(%run_scoped3A : memref<!tpu.dma_semaphore, #tpu.memory_space<semaphore_mem>>) src(%dma_wait3A_56 : memref<640x64xf32, #tpu.memory_space<vmem_shared>>) dst(%dma_wait3A_54 : memref<640x64xf32, #tpu.memory_space<hbm>>)
      tpu.yield
    }) : () -> ()
    return
  }
}

#map = affine_map<(d0, d1) -> (0, 0)>
module attributes {stable_mosaic.version = 14 : i64} {
  func.func @_sc_deg_body(%arg0: i32, %arg1: i32, %arg2: memref<2560x128xi32, #tpu.memory_space<hbm>>, %arg3: memref<2x10240xf32, #tpu.memory_space<hbm>>, %arg4: memref<80x128xi32, #tpu.memory_space<vmem>>, %arg5: memref<10240xf32, #tpu.memory_space<vmem>>, %arg6: memref<16x640xf32, #tpu.memory_space<vmem>>, %arg7: memref<640xf32, #tpu.memory_space<vmem>>, %arg8: memref<16x10240xf32, #tpu.memory_space<vmem_shared>>) attributes {dimension_semantics = [#tpu.dimension_semantics<core_parallel>, #tpu.dimension_semantics<subcore_parallel>], iteration_bounds = array<i64: 2, 16>, scalar_prefetch = 0 : i64, scratch_operands = 5 : i64, tpu.core_type = #tpu.core_type<sc_vector_subcore>, window_params = [{transform_indices = #map}, {transform_indices = #map}]} {
    %mul3A = arith.constant 16 : i32
    %mul3A_0 = arith.muli %arg0, %mul3A : i32
    %add3A = arith.addi %mul3A_0, %arg1 : i32
    %scan3A = arith.constant 0 : i32
    %scan3A_1 = arith.constant 0 : i32
    %scan3A_2 = arith.constant 640 : i32
    %scan3A_3 = arith.addi %scan3A_1, %scan3A_2 : i32
    %scan3A_4 = arith.constant 1 : i32
    scf.for %scan3A_25 = %scan3A_1 to %scan3A_3 step %scan3A_4  : i32 {
      %broadcast_in_dim3A_26 = arith.constant 0.000000e+00 : f32
      %broadcast_in_dim3A_27 = vector.broadcast %broadcast_in_dim3A_26 : f32 to vector<16xf32>
      %mul3A_28 = arith.constant 16 : i32
      %mul3A_29 = arith.muli %scan3A_25, %mul3A_28 : i32
      %swap3A = arith.index_cast %mul3A_29 : i32 to index
      %swap3A_30 = tpu.vector_load %arg5[%swap3A] {strides = array<i32>} : memref<10240xf32, #tpu.memory_space<vmem>>, vector<16xf32>,
      tpu.vector_store %arg5[%swap3A], %broadcast_in_dim3A_27 {strides = array<i32>} : memref<10240xf32, #tpu.memory_space<vmem>>, vector<16xf32>,
    }
    %scan3A_5 = arith.constant 640 : i32
    %mul3A_6 = arith.constant 80 : i32
    %mul3A_7 = arith.muli %add3A, %mul3A_6 : i32
    "tpu.region"() ({
      %run_scoped3A = tpu.sem_alloc : memref<!tpu.dma_semaphore, #tpu.memory_space<semaphore_mem>>
      %dma_start3A = arith.constant 0 : i32
      %dma_start3A_25 = tpu.memref_slice %arg2[%mul3A_7, %dma_start3A] : memref<2560x128xi32, #tpu.memory_space<hbm>> -> memref<80x128xi32, #tpu.memory_space<hbm>>
      %dma_start3A_26 = arith.constant 0 : i32
      %dma_start3A_27 = tpu.memref_slice %arg2[%mul3A_7, %dma_start3A_26] : memref<2560x128xi32, #tpu.memory_space<hbm>> -> memref<80x128xi32, #tpu.memory_space<hbm>>
      tpu.enqueue_dma source(%dma_start3A_27 : memref<80x128xi32, #tpu.memory_space<hbm>>) target(%arg4 : memref<80x128xi32, #tpu.memory_space<vmem>>) target_semaphore(%run_scoped3A : memref<!tpu.dma_semaphore, #tpu.memory_space<semaphore_mem>>)
      %dma_wait3A = arith.constant 0 : i32
      %dma_wait3A_28 = tpu.memref_slice %arg2[%mul3A_7, %dma_wait3A] : memref<2560x128xi32, #tpu.memory_space<hbm>> -> memref<80x128xi32, #tpu.memory_space<hbm>>
      %dma_wait3A_29 = arith.constant 0 : i32
      %dma_wait3A_30 = tpu.memref_slice %arg2[%mul3A_7, %dma_wait3A_29] : memref<2560x128xi32, #tpu.memory_space<hbm>> -> memref<80x128xi32, #tpu.memory_space<hbm>>
      tpu.wait_dma2 semaphore(%run_scoped3A : memref<!tpu.dma_semaphore, #tpu.memory_space<semaphore_mem>>) src(%dma_wait3A_30 : memref<80x128xi32, #tpu.memory_space<hbm>>) dst(%arg4 : memref<80x128xi32, #tpu.memory_space<vmem>>)
      tpu.yield
    }) : () -> ()
    %broadcast_in_dim3A = arith.constant 1.000000e+00 : f32
    %broadcast_in_dim3A_8 = vector.broadcast %broadcast_in_dim3A : f32 to vector<16xf32>
    %scan3A_9 = arith.constant 0 : i32
    %scan3A_10 = arith.constant 0 : i32
    %scan3A_11 = arith.constant 80 : i32
    %scan3A_12 = arith.addi %scan3A_10, %scan3A_11 : i32
    %scan3A_13 = arith.constant 1 : i32
    scf.for %scan3A_25 = %scan3A_10 to %scan3A_12 step %scan3A_13  : i32 {
      %get3A = arith.index_cast %scan3A_25 : i32 to index
      %get3A_26 = arith.constant 0 : index
      %get3A_27 = tpu.vector_load %arg4[%get3A, %get3A_26] {strides = array<i32>} : memref<80x128xi32, #tpu.memory_space<vmem>>, vector<16xi32>,
      tpu.vector_store_idx %arg5[%get3A_27], %broadcast_in_dim3A_8 {add = true} : memref<10240xf32, #tpu.memory_space<vmem>>[vector<16xi32>], vector<16xf32>,
      %get3A_28 = arith.index_cast %scan3A_25 : i32 to index
      %get3A_29 = arith.constant 16 : index
      %get3A_30 = tpu.vector_load %arg4[%get3A_28, %get3A_29] {strides = array<i32>} : memref<80x128xi32, #tpu.memory_space<vmem>>, vector<16xi32>,
      tpu.vector_store_idx %arg5[%get3A_30], %broadcast_in_dim3A_8 {add = true} : memref<10240xf32, #tpu.memory_space<vmem>>[vector<16xi32>], vector<16xf32>,
      %get3A_31 = arith.index_cast %scan3A_25 : i32 to index
      %get3A_32 = arith.constant 32 : index
      %get3A_33 = tpu.vector_load %arg4[%get3A_31, %get3A_32] {strides = array<i32>} : memref<80x128xi32, #tpu.memory_space<vmem>>, vector<16xi32>,
      tpu.vector_store_idx %arg5[%get3A_33], %broadcast_in_dim3A_8 {add = true} : memref<10240xf32, #tpu.memory_space<vmem>>[vector<16xi32>], vector<16xf32>,
      %get3A_34 = arith.index_cast %scan3A_25 : i32 to index
      %get3A_35 = arith.constant 48 : index
      %get3A_36 = tpu.vector_load %arg4[%get3A_34, %get3A_35] {strides = array<i32>} : memref<80x128xi32, #tpu.memory_space<vmem>>, vector<16xi32>,
      tpu.vector_store_idx %arg5[%get3A_36], %broadcast_in_dim3A_8 {add = true} : memref<10240xf32, #tpu.memory_space<vmem>>[vector<16xi32>], vector<16xf32>,
      %get3A_37 = arith.index_cast %scan3A_25 : i32 to index
      %get3A_38 = arith.constant 64 : index
      %get3A_39 = tpu.vector_load %arg4[%get3A_37, %get3A_38] {strides = array<i32>} : memref<80x128xi32, #tpu.memory_space<vmem>>, vector<16xi32>,
      tpu.vector_store_idx %arg5[%get3A_39], %broadcast_in_dim3A_8 {add = true} : memref<10240xf32, #tpu.memory_space<vmem>>[vector<16xi32>], vector<16xf32>,
      %get3A_40 = arith.index_cast %scan3A_25 : i32 to index
      %get3A_41 = arith.constant 80 : index
      %get3A_42 = tpu.vector_load %arg4[%get3A_40, %get3A_41] {strides = array<i32>} : memref<80x128xi32, #tpu.memory_space<vmem>>, vector<16xi32>,
      tpu.vector_store_idx %arg5[%get3A_42], %broadcast_in_dim3A_8 {add = true} : memref<10240xf32, #tpu.memory_space<vmem>>[vector<16xi32>], vector<16xf32>,
      %get3A_43 = arith.index_cast %scan3A_25 : i32 to index
      %get3A_44 = arith.constant 96 : index
      %get3A_45 = tpu.vector_load %arg4[%get3A_43, %get3A_44] {strides = array<i32>} : memref<80x128xi32, #tpu.memory_space<vmem>>, vector<16xi32>,
      tpu.vector_store_idx %arg5[%get3A_45], %broadcast_in_dim3A_8 {add = true} : memref<10240xf32, #tpu.memory_space<vmem>>[vector<16xi32>], vector<16xf32>,
      %get3A_46 = arith.index_cast %scan3A_25 : i32 to index
      %get3A_47 = arith.constant 112 : index
      %get3A_48 = tpu.vector_load %arg4[%get3A_46, %get3A_47] {strides = array<i32>} : memref<80x128xi32, #tpu.memory_space<vmem>>, vector<16xi32>,
      tpu.vector_store_idx %arg5[%get3A_48], %broadcast_in_dim3A_8 {add = true} : memref<10240xf32, #tpu.memory_space<vmem>>[vector<16xi32>], vector<16xf32>,
    }
    %scan3A_14 = arith.constant 80 : i32
    "tpu.region"() ({
      %run_scoped3A = tpu.sem_alloc : memref<!tpu.dma_semaphore, #tpu.memory_space<semaphore_mem>>
      %dma_start3A = arith.constant 0 : i32
      %dma_start3A_25 = tpu.memref_slice %arg8[%arg1, %dma_start3A] : memref<16x10240xf32, #tpu.memory_space<vmem_shared>> -> memref<1x10240xf32, #tpu.memory_space<vmem_shared>>
      %dma_start3A_26 = tpu.memref_squeeze %dma_start3A_25 : memref<1x10240xf32, #tpu.memory_space<vmem_shared>> -> memref<10240xf32, #tpu.memory_space<vmem_shared>>
      %dma_start3A_27 = arith.constant 0 : i32
      %dma_start3A_28 = tpu.memref_slice %arg8[%arg1, %dma_start3A_27] : memref<16x10240xf32, #tpu.memory_space<vmem_shared>> -> memref<1x10240xf32, #tpu.memory_space<vmem_shared>>
      %dma_start3A_29 = tpu.memref_squeeze %dma_start3A_28 : memref<1x10240xf32, #tpu.memory_space<vmem_shared>> -> memref<10240xf32, #tpu.memory_space<vmem_shared>>
      tpu.enqueue_dma source(%arg5 : memref<10240xf32, #tpu.memory_space<vmem>>) target(%dma_start3A_29 : memref<10240xf32, #tpu.memory_space<vmem_shared>>) target_semaphore(%run_scoped3A : memref<!tpu.dma_semaphore, #tpu.memory_space<semaphore_mem>>)
      %dma_wait3A = arith.constant 0 : i32
      %dma_wait3A_30 = tpu.memref_slice %arg8[%arg1, %dma_wait3A] : memref<16x10240xf32, #tpu.memory_space<vmem_shared>> -> memref<1x10240xf32, #tpu.memory_space<vmem_shared>>
      %dma_wait3A_31 = tpu.memref_squeeze %dma_wait3A_30 : memref<1x10240xf32, #tpu.memory_space<vmem_shared>> -> memref<10240xf32, #tpu.memory_space<vmem_shared>>
      %dma_wait3A_32 = arith.constant 0 : i32
      %dma_wait3A_33 = tpu.memref_slice %arg8[%arg1, %dma_wait3A_32] : memref<16x10240xf32, #tpu.memory_space<vmem_shared>> -> memref<1x10240xf32, #tpu.memory_space<vmem_shared>>
      %dma_wait3A_34 = tpu.memref_squeeze %dma_wait3A_33 : memref<1x10240xf32, #tpu.memory_space<vmem_shared>> -> memref<10240xf32, #tpu.memory_space<vmem_shared>>
      tpu.wait_dma2 semaphore(%run_scoped3A : memref<!tpu.dma_semaphore, #tpu.memory_space<semaphore_mem>>) src(%arg5 : memref<10240xf32, #tpu.memory_space<vmem>>) dst(%dma_wait3A_34 : memref<10240xf32, #tpu.memory_space<vmem_shared>>)
      tpu.yield
    }) : () -> ()
    %barrier3A = arith.constant 0 : index
    tpu.barrier barrier_id(%barrier3A)
    %mul3A_15 = arith.constant 640 : i32
    %mul3A_16 = arith.muli %arg1, %mul3A_15 : i32
    "tpu.region"() ({
      %run_scoped3A = tpu.sem_alloc : memref<!tpu.dma_semaphore, #tpu.memory_space<semaphore_mem>>
      %dma_start3A = arith.constant 0 : i32
      %dma_start3A_25 = tpu.memref_slice %arg8[%dma_start3A, %mul3A_16] : memref<16x10240xf32, #tpu.memory_space<vmem_shared>> -> memref<16x640xf32, #tpu.memory_space<vmem_shared>>
      %dma_start3A_26 = arith.constant 0 : i32
      %dma_start3A_27 = tpu.memref_slice %arg8[%dma_start3A_26, %mul3A_16] : memref<16x10240xf32, #tpu.memory_space<vmem_shared>> -> memref<16x640xf32, #tpu.memory_space<vmem_shared>>
      tpu.enqueue_dma source(%dma_start3A_27 : memref<16x640xf32, #tpu.memory_space<vmem_shared>>) target(%arg6 : memref<16x640xf32, #tpu.memory_space<vmem>>) target_semaphore(%run_scoped3A : memref<!tpu.dma_semaphore, #tpu.memory_space<semaphore_mem>>)
      %dma_wait3A = arith.constant 0 : i32
      %dma_wait3A_28 = tpu.memref_slice %arg8[%dma_wait3A, %mul3A_16] : memref<16x10240xf32, #tpu.memory_space<vmem_shared>> -> memref<16x640xf32, #tpu.memory_space<vmem_shared>>
      %dma_wait3A_29 = arith.constant 0 : i32
      %dma_wait3A_30 = tpu.memref_slice %arg8[%dma_wait3A_29, %mul3A_16] : memref<16x10240xf32, #tpu.memory_space<vmem_shared>> -> memref<16x640xf32, #tpu.memory_space<vmem_shared>>
      tpu.wait_dma2 semaphore(%run_scoped3A : memref<!tpu.dma_semaphore, #tpu.memory_space<semaphore_mem>>) src(%dma_wait3A_30 : memref<16x640xf32, #tpu.memory_space<vmem_shared>>) dst(%arg6 : memref<16x640xf32, #tpu.memory_space<vmem>>)
      tpu.yield
    }) : () -> ()
    %scan3A_17 = arith.constant 0 : i32
    %scan3A_18 = arith.constant 0 : i32
    %scan3A_19 = arith.constant 40 : i32
    %scan3A_20 = arith.addi %scan3A_18, %scan3A_19 : i32
    %scan3A_21 = arith.constant 1 : i32
    scf.for %scan3A_25 = %scan3A_18 to %scan3A_20 step %scan3A_21  : i32 {
      %broadcast_in_dim3A_26 = arith.constant 0.000000e+00 : f32
      %broadcast_in_dim3A_27 = vector.broadcast %broadcast_in_dim3A_26 : f32 to vector<16xf32>
      %mul3A_28 = arith.constant 16 : i32
      %mul3A_29 = arith.muli %scan3A_25, %mul3A_28 : i32
      %get3A = arith.constant 0 : i32
      %get3A_30 = arith.index_cast %get3A : i32 to index
      %get3A_31 = arith.index_cast %mul3A_29 : i32 to index
      %get3A_32 = tpu.vector_load %arg6[%get3A_30, %get3A_31] {strides = array<i32>} : memref<16x640xf32, #tpu.memory_space<vmem>>, vector<16xf32>,
      %add3A_33 = arith.addf %broadcast_in_dim3A_27, %get3A_32 : vector<16xf32>
      %mul3A_34 = arith.constant 16 : i32
      %mul3A_35 = arith.muli %scan3A_25, %mul3A_34 : i32
      %get3A_36 = arith.constant 1 : i32
      %get3A_37 = arith.index_cast %get3A_36 : i32 to index
      %get3A_38 = arith.index_cast %mul3A_35 : i32 to index
      %get3A_39 = tpu.vector_load %arg6[%get3A_37, %get3A_38] {strides = array<i32>} : memref<16x640xf32, #tpu.memory_space<vmem>>, vector<16xf32>,
      %add3A_40 = arith.addf %add3A_33, %get3A_39 : vector<16xf32>
      %mul3A_41 = arith.constant 16 : i32
      %mul3A_42 = arith.muli %scan3A_25, %mul3A_41 : i32
      %get3A_43 = arith.constant 2 : i32
      %get3A_44 = arith.index_cast %get3A_43 : i32 to index
      %get3A_45 = arith.index_cast %mul3A_42 : i32 to index
      %get3A_46 = tpu.vector_load %arg6[%get3A_44, %get3A_45] {strides = array<i32>} : memref<16x640xf32, #tpu.memory_space<vmem>>, vector<16xf32>,
      %add3A_47 = arith.addf %add3A_40, %get3A_46 : vector<16xf32>
      %mul3A_48 = arith.constant 16 : i32
      %mul3A_49 = arith.muli %scan3A_25, %mul3A_48 : i32
      %get3A_50 = arith.constant 3 : i32
      %get3A_51 = arith.index_cast %get3A_50 : i32 to index
      %get3A_52 = arith.index_cast %mul3A_49 : i32 to index
      %get3A_53 = tpu.vector_load %arg6[%get3A_51, %get3A_52] {strides = array<i32>} : memref<16x640xf32, #tpu.memory_space<vmem>>, vector<16xf32>,
      %add3A_54 = arith.addf %add3A_47, %get3A_53 : vector<16xf32>
      %mul3A_55 = arith.constant 16 : i32
      %mul3A_56 = arith.muli %scan3A_25, %mul3A_55 : i32
      %get3A_57 = arith.constant 4 : i32
      %get3A_58 = arith.index_cast %get3A_57 : i32 to index
      %get3A_59 = arith.index_cast %mul3A_56 : i32 to index
      %get3A_60 = tpu.vector_load %arg6[%get3A_58, %get3A_59] {strides = array<i32>} : memref<16x640xf32, #tpu.memory_space<vmem>>, vector<16xf32>,
      %add3A_61 = arith.addf %add3A_54, %get3A_60 : vector<16xf32>
      %mul3A_62 = arith.constant 16 : i32
      %mul3A_63 = arith.muli %scan3A_25, %mul3A_62 : i32
      %get3A_64 = arith.constant 5 : i32
      %get3A_65 = arith.index_cast %get3A_64 : i32 to index
      %get3A_66 = arith.index_cast %mul3A_63 : i32 to index
      %get3A_67 = tpu.vector_load %arg6[%get3A_65, %get3A_66] {strides = array<i32>} : memref<16x640xf32, #tpu.memory_space<vmem>>, vector<16xf32>,
      %add3A_68 = arith.addf %add3A_61, %get3A_67 : vector<16xf32>
      %mul3A_69 = arith.constant 16 : i32
      %mul3A_70 = arith.muli %scan3A_25, %mul3A_69 : i32
      %get3A_71 = arith.constant 6 : i32
      %get3A_72 = arith.index_cast %get3A_71 : i32 to index
      %get3A_73 = arith.index_cast %mul3A_70 : i32 to index
      %get3A_74 = tpu.vector_load %arg6[%get3A_72, %get3A_73] {strides = array<i32>} : memref<16x640xf32, #tpu.memory_space<vmem>>, vector<16xf32>,
      %add3A_75 = arith.addf %add3A_68, %get3A_74 : vector<16xf32>
      %mul3A_76 = arith.constant 16 : i32
      %mul3A_77 = arith.muli %scan3A_25, %mul3A_76 : i32
      %get3A_78 = arith.constant 7 : i32
      %get3A_79 = arith.index_cast %get3A_78 : i32 to index
      %get3A_80 = arith.index_cast %mul3A_77 : i32 to index
      %get3A_81 = tpu.vector_load %arg6[%get3A_79, %get3A_80] {strides = array<i32>} : memref<16x640xf32, #tpu.memory_space<vmem>>, vector<16xf32>,
      %add3A_82 = arith.addf %add3A_75, %get3A_81 : vector<16xf32>
      %mul3A_83 = arith.constant 16 : i32
      %mul3A_84 = arith.muli %scan3A_25, %mul3A_83 : i32
      %get3A_85 = arith.constant 8 : i32
      %get3A_86 = arith.index_cast %get3A_85 : i32 to index
      %get3A_87 = arith.index_cast %mul3A_84 : i32 to index
      %get3A_88 = tpu.vector_load %arg6[%get3A_86, %get3A_87] {strides = array<i32>} : memref<16x640xf32, #tpu.memory_space<vmem>>, vector<16xf32>,
      %add3A_89 = arith.addf %add3A_82, %get3A_88 : vector<16xf32>
      %mul3A_90 = arith.constant 16 : i32
      %mul3A_91 = arith.muli %scan3A_25, %mul3A_90 : i32
      %get3A_92 = arith.constant 9 : i32
      %get3A_93 = arith.index_cast %get3A_92 : i32 to index
      %get3A_94 = arith.index_cast %mul3A_91 : i32 to index
      %get3A_95 = tpu.vector_load %arg6[%get3A_93, %get3A_94] {strides = array<i32>} : memref<16x640xf32, #tpu.memory_space<vmem>>, vector<16xf32>,
      %add3A_96 = arith.addf %add3A_89, %get3A_95 : vector<16xf32>
      %mul3A_97 = arith.constant 16 : i32
      %mul3A_98 = arith.muli %scan3A_25, %mul3A_97 : i32
      %get3A_99 = arith.constant 10 : i32
      %get3A_100 = arith.index_cast %get3A_99 : i32 to index
      %get3A_101 = arith.index_cast %mul3A_98 : i32 to index
      %get3A_102 = tpu.vector_load %arg6[%get3A_100, %get3A_101] {strides = array<i32>} : memref<16x640xf32, #tpu.memory_space<vmem>>, vector<16xf32>,
      %add3A_103 = arith.addf %add3A_96, %get3A_102 : vector<16xf32>
      %mul3A_104 = arith.constant 16 : i32
      %mul3A_105 = arith.muli %scan3A_25, %mul3A_104 : i32
      %get3A_106 = arith.constant 11 : i32
      %get3A_107 = arith.index_cast %get3A_106 : i32 to index
      %get3A_108 = arith.index_cast %mul3A_105 : i32 to index
      %get3A_109 = tpu.vector_load %arg6[%get3A_107, %get3A_108] {strides = array<i32>} : memref<16x640xf32, #tpu.memory_space<vmem>>, vector<16xf32>,
      %add3A_110 = arith.addf %add3A_103, %get3A_109 : vector<16xf32>
      %mul3A_111 = arith.constant 16 : i32
      %mul3A_112 = arith.muli %scan3A_25, %mul3A_111 : i32
      %get3A_113 = arith.constant 12 : i32
      %get3A_114 = arith.index_cast %get3A_113 : i32 to index
      %get3A_115 = arith.index_cast %mul3A_112 : i32 to index
      %get3A_116 = tpu.vector_load %arg6[%get3A_114, %get3A_115] {strides = array<i32>} : memref<16x640xf32, #tpu.memory_space<vmem>>, vector<16xf32>,
      %add3A_117 = arith.addf %add3A_110, %get3A_116 : vector<16xf32>
      %mul3A_118 = arith.constant 16 : i32
      %mul3A_119 = arith.muli %scan3A_25, %mul3A_118 : i32
      %get3A_120 = arith.constant 13 : i32
      %get3A_121 = arith.index_cast %get3A_120 : i32 to index
      %get3A_122 = arith.index_cast %mul3A_119 : i32 to index
      %get3A_123 = tpu.vector_load %arg6[%get3A_121, %get3A_122] {strides = array<i32>} : memref<16x640xf32, #tpu.memory_space<vmem>>, vector<16xf32>,
      %add3A_124 = arith.addf %add3A_117, %get3A_123 : vector<16xf32>
      %mul3A_125 = arith.constant 16 : i32
      %mul3A_126 = arith.muli %scan3A_25, %mul3A_125 : i32
      %get3A_127 = arith.constant 14 : i32
      %get3A_128 = arith.index_cast %get3A_127 : i32 to index
      %get3A_129 = arith.index_cast %mul3A_126 : i32 to index
      %get3A_130 = tpu.vector_load %arg6[%get3A_128, %get3A_129] {strides = array<i32>} : memref<16x640xf32, #tpu.memory_space<vmem>>, vector<16xf32>,
      %add3A_131 = arith.addf %add3A_124, %get3A_130 : vector<16xf32>
      %mul3A_132 = arith.constant 16 : i32
      %mul3A_133 = arith.muli %scan3A_25, %mul3A_132 : i32
      %get3A_134 = arith.constant 15 : i32
      %get3A_135 = arith.index_cast %get3A_134 : i32 to index
      %get3A_136 = arith.index_cast %mul3A_133 : i32 to index
      %get3A_137 = tpu.vector_load %arg6[%get3A_135, %get3A_136] {strides = array<i32>} : memref<16x640xf32, #tpu.memory_space<vmem>>, vector<16xf32>,
      %add3A_138 = arith.addf %add3A_131, %get3A_137 : vector<16xf32>
      %mul3A_139 = arith.constant 16 : i32
      %mul3A_140 = arith.muli %scan3A_25, %mul3A_139 : i32
      %swap3A = arith.index_cast %mul3A_140 : i32 to index
      %swap3A_141 = tpu.vector_load %arg7[%swap3A] {strides = array<i32>} : memref<640xf32, #tpu.memory_space<vmem>>, vector<16xf32>,
      tpu.vector_store %arg7[%swap3A], %add3A_138 {strides = array<i32>} : memref<640xf32, #tpu.memory_space<vmem>>, vector<16xf32>,
    }
    %scan3A_22 = arith.constant 40 : i32
    %mul3A_23 = arith.constant 640 : i32
    %mul3A_24 = arith.muli %arg1, %mul3A_23 : i32
    "tpu.region"() ({
      %run_scoped3A = tpu.sem_alloc : memref<!tpu.dma_semaphore, #tpu.memory_space<semaphore_mem>>
      %dma_start3A = tpu.memref_slice %arg3[%arg0, %mul3A_24] : memref<2x10240xf32, #tpu.memory_space<hbm>> -> memref<1x640xf32, #tpu.memory_space<hbm>>
      %dma_start3A_25 = tpu.memref_squeeze %dma_start3A : memref<1x640xf32, #tpu.memory_space<hbm>> -> memref<640xf32, #tpu.memory_space<hbm>>
      %dma_start3A_26 = tpu.memref_slice %arg3[%arg0, %mul3A_24] : memref<2x10240xf32, #tpu.memory_space<hbm>> -> memref<1x640xf32, #tpu.memory_space<hbm>>
      %dma_start3A_27 = tpu.memref_squeeze %dma_start3A_26 : memref<1x640xf32, #tpu.memory_space<hbm>> -> memref<640xf32, #tpu.memory_space<hbm>>
      tpu.enqueue_dma source(%arg7 : memref<640xf32, #tpu.memory_space<vmem>>) target(%dma_start3A_27 : memref<640xf32, #tpu.memory_space<hbm>>) target_semaphore(%run_scoped3A : memref<!tpu.dma_semaphore, #tpu.memory_space<semaphore_mem>>)
      %dma_wait3A = tpu.memref_slice %arg3[%arg0, %mul3A_24] : memref<2x10240xf32, #tpu.memory_space<hbm>> -> memref<1x640xf32, #tpu.memory_space<hbm>>
      %dma_wait3A_28 = tpu.memref_squeeze %dma_wait3A : memref<1x640xf32, #tpu.memory_space<hbm>> -> memref<640xf32, #tpu.memory_space<hbm>>
      %dma_wait3A_29 = tpu.memref_slice %arg3[%arg0, %mul3A_24] : memref<2x10240xf32, #tpu.memory_space<hbm>> -> memref<1x640xf32, #tpu.memory_space<hbm>>
      %dma_wait3A_30 = tpu.memref_squeeze %dma_wait3A_29 : memref<1x640xf32, #tpu.memory_space<hbm>> -> memref<640xf32, #tpu.memory_space<hbm>>
      tpu.wait_dma2 semaphore(%run_scoped3A : memref<!tpu.dma_semaphore, #tpu.memory_space<semaphore_mem>>) src(%arg7 : memref<640xf32, #tpu.memory_space<vmem>>) dst(%dma_wait3A_30 : memref<640xf32, #tpu.memory_space<hbm>>)
      tpu.yield
    }) : () -> ()
    return
  }
}

#map = affine_map<(d0, d1) -> (0, 0, 0)>
#map1 = affine_map<(d0, d1) -> (0, 0)>
module attributes {stable_mosaic.version = 14 : i64} {
  func.func @_sc_scatter_body(%arg0: i32, %arg1: i32, %arg2: memref<2x10000x64xf32, #tpu.memory_space<hbm>>, %arg3: memref<2560x128xi32, #tpu.memory_space<hbm>>, %arg4: memref<2560x128xi32, #tpu.memory_space<hbm>>, %arg5: memref<2x10240x64xf32, #tpu.memory_space<hbm>>, %arg6: memref<160x128xi32, #tpu.memory_space<vmem>>, %arg7: memref<160x128xi32, #tpu.memory_space<vmem>>, %arg8: memref<128x64xf32, #tpu.memory_space<vmem>>, %arg9: memref<128x64xf32, #tpu.memory_space<vmem>>, %arg10: memref<128x64xf32, #tpu.memory_space<vmem>>, %arg11: memref<10240x64xf32, #tpu.memory_space<vmem_shared>>, %arg12: memref<!tpu.dma_semaphore, #tpu.memory_space<semaphore_mem>>, %arg13: memref<!tpu.dma_semaphore, #tpu.memory_space<semaphore_mem>>) attributes {dimension_semantics = [#tpu.dimension_semantics<core_parallel>, #tpu.dimension_semantics<subcore_parallel>], iteration_bounds = array<i64: 2, 16>, scalar_prefetch = 0 : i64, scratch_operands = 8 : i64, tpu.core_type = #tpu.core_type<sc_vector_subcore>, window_params = [{transform_indices = #map}, {transform_indices = #map1}, {transform_indices = #map1}, {transform_indices = #map}]} {
    %scan3A = arith.constant 0 : i32
    %scan3A_0 = arith.constant 0 : i32
    %scan3A_1 = arith.constant 128 : i32
    %scan3A_2 = arith.addi %scan3A_0, %scan3A_1 : i32
    %scan3A_3 = arith.constant 1 : i32
    scf.for %scan3A_48 = %scan3A_0 to %scan3A_2 step %scan3A_3  : i32 {
      %broadcast_in_dim3A = arith.constant 0.000000e+00 : f32
      %broadcast_in_dim3A_49 = vector.broadcast %broadcast_in_dim3A : f32 to vector<16xf32>
      %swap3A = arith.index_cast %scan3A_48 : i32 to index
      %swap3A_50 = arith.constant 0 : index
      %swap3A_51 = tpu.vector_load %arg10[%swap3A, %swap3A_50] {strides = array<i32>} : memref<128x64xf32, #tpu.memory_space<vmem>>, vector<16xf32>,
      tpu.vector_store %arg10[%swap3A, %swap3A_50], %broadcast_in_dim3A_49 {strides = array<i32>} : memref<128x64xf32, #tpu.memory_space<vmem>>, vector<16xf32>,
      %broadcast_in_dim3A_52 = arith.constant 0.000000e+00 : f32
      %broadcast_in_dim3A_53 = vector.broadcast %broadcast_in_dim3A_52 : f32 to vector<16xf32>
      %swap3A_54 = arith.index_cast %scan3A_48 : i32 to index
      %swap3A_55 = arith.constant 16 : index
      %swap3A_56 = tpu.vector_load %arg10[%swap3A_54, %swap3A_55] {strides = array<i32>} : memref<128x64xf32, #tpu.memory_space<vmem>>, vector<16xf32>,
      tpu.vector_store %arg10[%swap3A_54, %swap3A_55], %broadcast_in_dim3A_53 {strides = array<i32>} : memref<128x64xf32, #tpu.memory_space<vmem>>, vector<16xf32>,
      %broadcast_in_dim3A_57 = arith.constant 0.000000e+00 : f32
      %broadcast_in_dim3A_58 = vector.broadcast %broadcast_in_dim3A_57 : f32 to vector<16xf32>
      %swap3A_59 = arith.index_cast %scan3A_48 : i32 to index
      %swap3A_60 = arith.constant 32 : index
      %swap3A_61 = tpu.vector_load %arg10[%swap3A_59, %swap3A_60] {strides = array<i32>} : memref<128x64xf32, #tpu.memory_space<vmem>>, vector<16xf32>,
      tpu.vector_store %arg10[%swap3A_59, %swap3A_60], %broadcast_in_dim3A_58 {strides = array<i32>} : memref<128x64xf32, #tpu.memory_space<vmem>>, vector<16xf32>,
      %broadcast_in_dim3A_62 = arith.constant 0.000000e+00 : f32
      %broadcast_in_dim3A_63 = vector.broadcast %broadcast_in_dim3A_62 : f32 to vector<16xf32>
      %swap3A_64 = arith.index_cast %scan3A_48 : i32 to index
      %swap3A_65 = arith.constant 48 : index
      %swap3A_66 = tpu.vector_load %arg10[%swap3A_64, %swap3A_65] {strides = array<i32>} : memref<128x64xf32, #tpu.memory_space<vmem>>, vector<16xf32>,
      tpu.vector_store %arg10[%swap3A_64, %swap3A_65], %broadcast_in_dim3A_63 {strides = array<i32>} : memref<128x64xf32, #tpu.memory_space<vmem>>, vector<16xf32>,
    }
    %scan3A_4 = arith.constant 128 : i32
    %mul3A = arith.constant 640 : i32
    %mul3A_5 = arith.muli %arg1, %mul3A : i32
    %add3A = arith.constant 0 : i32
    %add3A_6 = arith.addi %mul3A_5, %add3A : i32
    "tpu.region"() ({
      %run_scoped3A = tpu.sem_alloc : memref<!tpu.dma_semaphore, #tpu.memory_space<semaphore_mem>>
      %dma_start3A_48 = arith.constant 0 : i32
      %dma_start3A_49 = tpu.memref_slice %arg11[%add3A_6, %dma_start3A_48] : memref<10240x64xf32, #tpu.memory_space<vmem_shared>> -> memref<128x64xf32, #tpu.memory_space<vmem_shared>>
      %dma_start3A_50 = arith.constant 0 : i32
      %dma_start3A_51 = tpu.memref_slice %arg11[%add3A_6, %dma_start3A_50] : memref<10240x64xf32, #tpu.memory_space<vmem_shared>> -> memref<128x64xf32, #tpu.memory_space<vmem_shared>>
      tpu.enqueue_dma source(%arg10 : memref<128x64xf32, #tpu.memory_space<vmem>>) target(%dma_start3A_51 : memref<128x64xf32, #tpu.memory_space<vmem_shared>>) target_semaphore(%run_scoped3A : memref<!tpu.dma_semaphore, #tpu.memory_space<semaphore_mem>>)
      %dma_wait3A = arith.constant 0 : i32
      %dma_wait3A_52 = tpu.memref_slice %arg11[%add3A_6, %dma_wait3A] : memref<10240x64xf32, #tpu.memory_space<vmem_shared>> -> memref<128x64xf32, #tpu.memory_space<vmem_shared>>
      %dma_wait3A_53 = arith.constant 0 : i32
      %dma_wait3A_54 = tpu.memref_slice %arg11[%add3A_6, %dma_wait3A_53] : memref<10240x64xf32, #tpu.memory_space<vmem_shared>> -> memref<128x64xf32, #tpu.memory_space<vmem_shared>>
      tpu.wait_dma2 semaphore(%run_scoped3A : memref<!tpu.dma_semaphore, #tpu.memory_space<semaphore_mem>>) src(%arg10 : memref<128x64xf32, #tpu.memory_space<vmem>>) dst(%dma_wait3A_54 : memref<128x64xf32, #tpu.memory_space<vmem_shared>>)
      tpu.yield
    }) : () -> ()
    %mul3A_7 = arith.constant 640 : i32
    %mul3A_8 = arith.muli %arg1, %mul3A_7 : i32
    %add3A_9 = arith.constant 128 : i32
    %add3A_10 = arith.addi %mul3A_8, %add3A_9 : i32
    "tpu.region"() ({
      %run_scoped3A = tpu.sem_alloc : memref<!tpu.dma_semaphore, #tpu.memory_space<semaphore_mem>>
      %dma_start3A_48 = arith.constant 0 : i32
      %dma_start3A_49 = tpu.memref_slice %arg11[%add3A_10, %dma_start3A_48] : memref<10240x64xf32, #tpu.memory_space<vmem_shared>> -> memref<128x64xf32, #tpu.memory_space<vmem_shared>>
      %dma_start3A_50 = arith.constant 0 : i32
      %dma_start3A_51 = tpu.memref_slice %arg11[%add3A_10, %dma_start3A_50] : memref<10240x64xf32, #tpu.memory_space<vmem_shared>> -> memref<128x64xf32, #tpu.memory_space<vmem_shared>>
      tpu.enqueue_dma source(%arg10 : memref<128x64xf32, #tpu.memory_space<vmem>>) target(%dma_start3A_51 : memref<128x64xf32, #tpu.memory_space<vmem_shared>>) target_semaphore(%run_scoped3A : memref<!tpu.dma_semaphore, #tpu.memory_space<semaphore_mem>>)
      %dma_wait3A = arith.constant 0 : i32
      %dma_wait3A_52 = tpu.memref_slice %arg11[%add3A_10, %dma_wait3A] : memref<10240x64xf32, #tpu.memory_space<vmem_shared>> -> memref<128x64xf32, #tpu.memory_space<vmem_shared>>
      %dma_wait3A_53 = arith.constant 0 : i32
      %dma_wait3A_54 = tpu.memref_slice %arg11[%add3A_10, %dma_wait3A_53] : memref<10240x64xf32, #tpu.memory_space<vmem_shared>> -> memref<128x64xf32, #tpu.memory_space<vmem_shared>>
      tpu.wait_dma2 semaphore(%run_scoped3A : memref<!tpu.dma_semaphore, #tpu.memory_space<semaphore_mem>>) src(%arg10 : memref<128x64xf32, #tpu.memory_space<vmem>>) dst(%dma_wait3A_54 : memref<128x64xf32, #tpu.memory_space<vmem_shared>>)
      tpu.yield
    }) : () -> ()
    %mul3A_11 = arith.constant 640 : i32
    %mul3A_12 = arith.muli %arg1, %mul3A_11 : i32
    %add3A_13 = arith.constant 256 : i32
    %add3A_14 = arith.addi %mul3A_12, %add3A_13 : i32
    "tpu.region"() ({
      %run_scoped3A = tpu.sem_alloc : memref<!tpu.dma_semaphore, #tpu.memory_space<semaphore_mem>>
      %dma_start3A_48 = arith.constant 0 : i32
      %dma_start3A_49 = tpu.memref_slice %arg11[%add3A_14, %dma_start3A_48] : memref<10240x64xf32, #tpu.memory_space<vmem_shared>> -> memref<128x64xf32, #tpu.memory_space<vmem_shared>>
      %dma_start3A_50 = arith.constant 0 : i32
      %dma_start3A_51 = tpu.memref_slice %arg11[%add3A_14, %dma_start3A_50] : memref<10240x64xf32, #tpu.memory_space<vmem_shared>> -> memref<128x64xf32, #tpu.memory_space<vmem_shared>>
      tpu.enqueue_dma source(%arg10 : memref<128x64xf32, #tpu.memory_space<vmem>>) target(%dma_start3A_51 : memref<128x64xf32, #tpu.memory_space<vmem_shared>>) target_semaphore(%run_scoped3A : memref<!tpu.dma_semaphore, #tpu.memory_space<semaphore_mem>>)
      %dma_wait3A = arith.constant 0 : i32
      %dma_wait3A_52 = tpu.memref_slice %arg11[%add3A_14, %dma_wait3A] : memref<10240x64xf32, #tpu.memory_space<vmem_shared>> -> memref<128x64xf32, #tpu.memory_space<vmem_shared>>
      %dma_wait3A_53 = arith.constant 0 : i32
      %dma_wait3A_54 = tpu.memref_slice %arg11[%add3A_14, %dma_wait3A_53] : memref<10240x64xf32, #tpu.memory_space<vmem_shared>> -> memref<128x64xf32, #tpu.memory_space<vmem_shared>>
      tpu.wait_dma2 semaphore(%run_scoped3A : memref<!tpu.dma_semaphore, #tpu.memory_space<semaphore_mem>>) src(%arg10 : memref<128x64xf32, #tpu.memory_space<vmem>>) dst(%dma_wait3A_54 : memref<128x64xf32, #tpu.memory_space<vmem_shared>>)
      tpu.yield
    }) : () -> ()
    %mul3A_15 = arith.constant 640 : i32
    %mul3A_16 = arith.muli %arg1, %mul3A_15 : i32
    %add3A_17 = arith.constant 384 : i32
    %add3A_18 = arith.addi %mul3A_16, %add3A_17 : i32
    "tpu.region"() ({
      %run_scoped3A = tpu.sem_alloc : memref<!tpu.dma_semaphore, #tpu.memory_space<semaphore_mem>>
      %dma_start3A_48 = arith.constant 0 : i32
      %dma_start3A_49 = tpu.memref_slice %arg11[%add3A_18, %dma_start3A_48] : memref<10240x64xf32, #tpu.memory_space<vmem_shared>> -> memref<128x64xf32, #tpu.memory_space<vmem_shared>>
      %dma_start3A_50 = arith.constant 0 : i32
      %dma_start3A_51 = tpu.memref_slice %arg11[%add3A_18, %dma_start3A_50] : memref<10240x64xf32, #tpu.memory_space<vmem_shared>> -> memref<128x64xf32, #tpu.memory_space<vmem_shared>>
      tpu.enqueue_dma source(%arg10 : memref<128x64xf32, #tpu.memory_space<vmem>>) target(%dma_start3A_51 : memref<128x64xf32, #tpu.memory_space<vmem_shared>>) target_semaphore(%run_scoped3A : memref<!tpu.dma_semaphore, #tpu.memory_space<semaphore_mem>>)
      %dma_wait3A = arith.constant 0 : i32
      %dma_wait3A_52 = tpu.memref_slice %arg11[%add3A_18, %dma_wait3A] : memref<10240x64xf32, #tpu.memory_space<vmem_shared>> -> memref<128x64xf32, #tpu.memory_space<vmem_shared>>
      %dma_wait3A_53 = arith.constant 0 : i32
      %dma_wait3A_54 = tpu.memref_slice %arg11[%add3A_18, %dma_wait3A_53] : memref<10240x64xf32, #tpu.memory_space<vmem_shared>> -> memref<128x64xf32, #tpu.memory_space<vmem_shared>>
      tpu.wait_dma2 semaphore(%run_scoped3A : memref<!tpu.dma_semaphore, #tpu.memory_space<semaphore_mem>>) src(%arg10 : memref<128x64xf32, #tpu.memory_space<vmem>>) dst(%dma_wait3A_54 : memref<128x64xf32, #tpu.memory_space<vmem_shared>>)
      tpu.yield
    }) : () -> ()
    %mul3A_19 = arith.constant 640 : i32
    %mul3A_20 = arith.muli %arg1, %mul3A_19 : i32
    %add3A_21 = arith.constant 512 : i32
    %add3A_22 = arith.addi %mul3A_20, %add3A_21 : i32
    "tpu.region"() ({
      %run_scoped3A = tpu.sem_alloc : memref<!tpu.dma_semaphore, #tpu.memory_space<semaphore_mem>>
      %dma_start3A_48 = arith.constant 0 : i32
      %dma_start3A_49 = tpu.memref_slice %arg11[%add3A_22, %dma_start3A_48] : memref<10240x64xf32, #tpu.memory_space<vmem_shared>> -> memref<128x64xf32, #tpu.memory_space<vmem_shared>>
      %dma_start3A_50 = arith.constant 0 : i32
      %dma_start3A_51 = tpu.memref_slice %arg11[%add3A_22, %dma_start3A_50] : memref<10240x64xf32, #tpu.memory_space<vmem_shared>> -> memref<128x64xf32, #tpu.memory_space<vmem_shared>>
      tpu.enqueue_dma source(%arg10 : memref<128x64xf32, #tpu.memory_space<vmem>>) target(%dma_start3A_51 : memref<128x64xf32, #tpu.memory_space<vmem_shared>>) target_semaphore(%run_scoped3A : memref<!tpu.dma_semaphore, #tpu.memory_space<semaphore_mem>>)
      %dma_wait3A = arith.constant 0 : i32
      %dma_wait3A_52 = tpu.memref_slice %arg11[%add3A_22, %dma_wait3A] : memref<10240x64xf32, #tpu.memory_space<vmem_shared>> -> memref<128x64xf32, #tpu.memory_space<vmem_shared>>
      %dma_wait3A_53 = arith.constant 0 : i32
      %dma_wait3A_54 = tpu.memref_slice %arg11[%add3A_22, %dma_wait3A_53] : memref<10240x64xf32, #tpu.memory_space<vmem_shared>> -> memref<128x64xf32, #tpu.memory_space<vmem_shared>>
      tpu.wait_dma2 semaphore(%run_scoped3A : memref<!tpu.dma_semaphore, #tpu.memory_space<semaphore_mem>>) src(%arg10 : memref<128x64xf32, #tpu.memory_space<vmem>>) dst(%dma_wait3A_54 : memref<128x64xf32, #tpu.memory_space<vmem_shared>>)
      tpu.yield
    }) : () -> ()
    %mul3A_23 = arith.constant 160 : i32
    %mul3A_24 = arith.muli %arg1, %mul3A_23 : i32
    "tpu.region"() ({
      %run_scoped3A = tpu.sem_alloc : memref<!tpu.dma_semaphore, #tpu.memory_space<semaphore_mem>>
      %dma_start3A_48 = arith.constant 0 : i32
      %dma_start3A_49 = tpu.memref_slice %arg3[%mul3A_24, %dma_start3A_48] : memref<2560x128xi32, #tpu.memory_space<hbm>> -> memref<160x128xi32, #tpu.memory_space<hbm>>
      %dma_start3A_50 = arith.constant 0 : i32
      %dma_start3A_51 = tpu.memref_slice %arg3[%mul3A_24, %dma_start3A_50] : memref<2560x128xi32, #tpu.memory_space<hbm>> -> memref<160x128xi32, #tpu.memory_space<hbm>>
      tpu.enqueue_dma source(%dma_start3A_51 : memref<160x128xi32, #tpu.memory_space<hbm>>) target(%arg6 : memref<160x128xi32, #tpu.memory_space<vmem>>) target_semaphore(%run_scoped3A : memref<!tpu.dma_semaphore, #tpu.memory_space<semaphore_mem>>)
      %dma_wait3A = arith.constant 0 : i32
      %dma_wait3A_52 = tpu.memref_slice %arg3[%mul3A_24, %dma_wait3A] : memref<2560x128xi32, #tpu.memory_space<hbm>> -> memref<160x128xi32, #tpu.memory_space<hbm>>
      %dma_wait3A_53 = arith.constant 0 : i32
      %dma_wait3A_54 = tpu.memref_slice %arg3[%mul3A_24, %dma_wait3A_53] : memref<2560x128xi32, #tpu.memory_space<hbm>> -> memref<160x128xi32, #tpu.memory_space<hbm>>
      tpu.wait_dma2 semaphore(%run_scoped3A : memref<!tpu.dma_semaphore, #tpu.memory_space<semaphore_mem>>) src(%dma_wait3A_54 : memref<160x128xi32, #tpu.memory_space<hbm>>) dst(%arg6 : memref<160x128xi32, #tpu.memory_space<vmem>>)
      tpu.yield
    }) : () -> ()
    %mul3A_25 = arith.constant 160 : i32
    %mul3A_26 = arith.muli %arg1, %mul3A_25 : i32
    "tpu.region"() ({
      %run_scoped3A = tpu.sem_alloc : memref<!tpu.dma_semaphore, #tpu.memory_space<semaphore_mem>>
      %dma_start3A_48 = arith.constant 0 : i32
      %dma_start3A_49 = tpu.memref_slice %arg4[%mul3A_26, %dma_start3A_48] : memref<2560x128xi32, #tpu.memory_space<hbm>> -> memref<160x128xi32, #tpu.memory_space<hbm>>
      %dma_start3A_50 = arith.constant 0 : i32
      %dma_start3A_51 = tpu.memref_slice %arg4[%mul3A_26, %dma_start3A_50] : memref<2560x128xi32, #tpu.memory_space<hbm>> -> memref<160x128xi32, #tpu.memory_space<hbm>>
      tpu.enqueue_dma source(%dma_start3A_51 : memref<160x128xi32, #tpu.memory_space<hbm>>) target(%arg7 : memref<160x128xi32, #tpu.memory_space<vmem>>) target_semaphore(%run_scoped3A : memref<!tpu.dma_semaphore, #tpu.memory_space<semaphore_mem>>)
      %dma_wait3A = arith.constant 0 : i32
      %dma_wait3A_52 = tpu.memref_slice %arg4[%mul3A_26, %dma_wait3A] : memref<2560x128xi32, #tpu.memory_space<hbm>> -> memref<160x128xi32, #tpu.memory_space<hbm>>
      %dma_wait3A_53 = arith.constant 0 : i32
      %dma_wait3A_54 = tpu.memref_slice %arg4[%mul3A_26, %dma_wait3A_53] : memref<2560x128xi32, #tpu.memory_space<hbm>> -> memref<160x128xi32, #tpu.memory_space<hbm>>
      tpu.wait_dma2 semaphore(%run_scoped3A : memref<!tpu.dma_semaphore, #tpu.memory_space<semaphore_mem>>) src(%dma_wait3A_54 : memref<160x128xi32, #tpu.memory_space<hbm>>) dst(%arg7 : memref<160x128xi32, #tpu.memory_space<vmem>>)
      tpu.yield
    }) : () -> ()
    %barrier3A = arith.constant 0 : index
    tpu.barrier barrier_id(%barrier3A)
    %dma_start3A = arith.constant 0 : i32
    %dma_start3A_27 = arith.constant 0 : i32
    %dma_start3A_28 = tpu.memref_slice %arg6[%dma_start3A, %dma_start3A_27] : memref<160x128xi32, #tpu.memory_space<vmem>> -> memref<1x128xi32, #tpu.memory_space<vmem>>
    %dma_start3A_29 = tpu.memref_squeeze %dma_start3A_28 : memref<1x128xi32, #tpu.memory_space<vmem>> -> memref<128xi32, #tpu.memory_space<vmem>>
    %dma_start3A_30 = arith.constant 0 : i32
    %dma_start3A_31 = arith.constant 0 : i32
    %dma_start3A_32 = tpu.memref_slice %arg2[%arg0, %dma_start3A_30, %dma_start3A_31] : memref<2x10000x64xf32, #tpu.memory_space<hbm>> -> memref<1x10000x64xf32, #tpu.memory_space<hbm>>
    %dma_start3A_33 = tpu.memref_squeeze %dma_start3A_32 : memref<1x10000x64xf32, #tpu.memory_space<hbm>> -> memref<10000x64xf32, #tpu.memory_space<hbm>>
    %dma_start3A_34 = arith.constant 0 : i32
    %dma_start3A_35 = arith.constant 0 : i32
    %dma_start3A_36 = tpu.memref_slice %dma_start3A_33[%dma_start3A_34, %dma_start3A_35] : memref<10000x64xf32, #tpu.memory_space<hbm>> -> memref<10000x64xf32, #tpu.memory_space<hbm>>
    tpu.enqueue_indirect_dma source(%dma_start3A_36 : memref<10000x64xf32, #tpu.memory_space<hbm>>) target(%arg8 : memref<128x64xf32, #tpu.memory_space<vmem>>) offsets(%dma_start3A_29 : memref<128xi32, #tpu.memory_space<vmem>>) semaphore(%arg12 : memref<!tpu.dma_semaphore, #tpu.memory_space<semaphore_mem>>)
    %scan3A_37 = arith.constant 0 : i32
    %scan3A_38 = arith.constant 0 : i32
    %scan3A_39 = arith.constant 80 : i32
    %scan3A_40 = arith.addi %scan3A_38, %scan3A_39 : i32
    %scan3A_41 = arith.constant 1 : i32
    scf.for %scan3A_48 = %scan3A_38 to %scan3A_40 step %scan3A_41  : i32 {
      %mul3A_49 = arith.constant 2 : i32
      %mul3A_50 = arith.muli %mul3A_49, %scan3A_48 : i32
      %add3A_51 = arith.constant 1 : i32
      %add3A_52 = arith.addi %mul3A_50, %add3A_51 : i32
      %dma_start3A_53 = arith.constant 0 : i32
      %dma_start3A_54 = tpu.memref_slice %arg6[%add3A_52, %dma_start3A_53] : memref<160x128xi32, #tpu.memory_space<vmem>> -> memref<1x128xi32, #tpu.memory_space<vmem>>
      %dma_start3A_55 = tpu.memref_squeeze %dma_start3A_54 : memref<1x128xi32, #tpu.memory_space<vmem>> -> memref<128xi32, #tpu.memory_space<vmem>>
      %dma_start3A_56 = arith.constant 0 : i32
      %dma_start3A_57 = arith.constant 0 : i32
      %dma_start3A_58 = tpu.memref_slice %arg2[%arg0, %dma_start3A_56, %dma_start3A_57] : memref<2x10000x64xf32, #tpu.memory_space<hbm>> -> memref<1x10000x64xf32, #tpu.memory_space<hbm>>
      %dma_start3A_59 = tpu.memref_squeeze %dma_start3A_58 : memref<1x10000x64xf32, #tpu.memory_space<hbm>> -> memref<10000x64xf32, #tpu.memory_space<hbm>>
      %dma_start3A_60 = arith.constant 0 : i32
      %dma_start3A_61 = arith.constant 0 : i32
      %dma_start3A_62 = tpu.memref_slice %dma_start3A_59[%dma_start3A_60, %dma_start3A_61] : memref<10000x64xf32, #tpu.memory_space<hbm>> -> memref<10000x64xf32, #tpu.memory_space<hbm>>
      tpu.enqueue_indirect_dma source(%dma_start3A_62 : memref<10000x64xf32, #tpu.memory_space<hbm>>) target(%arg9 : memref<128x64xf32, #tpu.memory_space<vmem>>) offsets(%dma_start3A_55 : memref<128xi32, #tpu.memory_space<vmem>>) semaphore(%arg13 : memref<!tpu.dma_semaphore, #tpu.memory_space<semaphore_mem>>)
      %dma_wait3A = arith.constant 0 : i32
      %dma_wait3A_63 = tpu.memref_slice %arg6[%mul3A_50, %dma_wait3A] : memref<160x128xi32, #tpu.memory_space<vmem>> -> memref<1x128xi32, #tpu.memory_space<vmem>>
      %dma_wait3A_64 = tpu.memref_squeeze %dma_wait3A_63 : memref<1x128xi32, #tpu.memory_space<vmem>> -> memref<128xi32, #tpu.memory_space<vmem>>
      %dma_wait3A_65 = arith.constant 0 : i32
      %dma_wait3A_66 = arith.constant 0 : i32
      %dma_wait3A_67 = tpu.memref_slice %arg2[%arg0, %dma_wait3A_65, %dma_wait3A_66] : memref<2x10000x64xf32, #tpu.memory_space<hbm>> -> memref<1x10000x64xf32, #tpu.memory_space<hbm>>
      %dma_wait3A_68 = tpu.memref_squeeze %dma_wait3A_67 : memref<1x10000x64xf32, #tpu.memory_space<hbm>> -> memref<10000x64xf32, #tpu.memory_space<hbm>>
      %dma_wait3A_69 = arith.constant 0 : i32
      %dma_wait3A_70 = arith.constant 0 : i32
      %dma_wait3A_71 = tpu.memref_slice %dma_wait3A_68[%dma_wait3A_69, %dma_wait3A_70] : memref<10000x64xf32, #tpu.memory_space<hbm>> -> memref<10000x64xf32, #tpu.memory_space<hbm>>
      tpu.wait_indirect_dma semaphore(%arg12 : memref<!tpu.dma_semaphore, #tpu.memory_space<semaphore_mem>>) src(%dma_wait3A_71 : memref<10000x64xf32, #tpu.memory_space<hbm>>) dst(%arg8 : memref<128x64xf32, #tpu.memory_space<vmem>>)
      "tpu.region"() ({
        %run_scoped3A = tpu.sem_alloc : memref<!tpu.dma_semaphore, #tpu.memory_space<semaphore_mem>>
        %dma_start3A_84 = arith.constant 0 : i32
        %dma_start3A_85 = tpu.memref_slice %arg7[%mul3A_50, %dma_start3A_84] : memref<160x128xi32, #tpu.memory_space<vmem>> -> memref<1x128xi32, #tpu.memory_space<vmem>>
        %dma_start3A_86 = tpu.memref_squeeze %dma_start3A_85 : memref<1x128xi32, #tpu.memory_space<vmem>> -> memref<128xi32, #tpu.memory_space<vmem>>
        %dma_start3A_87 = arith.constant 0 : i32
        %dma_start3A_88 = arith.constant 0 : i32
        %dma_start3A_89 = tpu.memref_slice %arg11[%dma_start3A_87, %dma_start3A_88] : memref<10240x64xf32, #tpu.memory_space<vmem_shared>> -> memref<10240x64xf32, #tpu.memory_space<vmem_shared>>
        tpu.enqueue_indirect_dma source(%arg8 : memref<128x64xf32, #tpu.memory_space<vmem>>) target(%dma_start3A_89 : memref<10240x64xf32, #tpu.memory_space<vmem_shared>>) offsets(%dma_start3A_86 : memref<128xi32, #tpu.memory_space<vmem>>) semaphore(%run_scoped3A : memref<!tpu.dma_semaphore, #tpu.memory_space<semaphore_mem>>) {add = true}
        %dma_wait3A_90 = arith.constant 0 : i32
        %dma_wait3A_91 = tpu.memref_slice %arg7[%mul3A_50, %dma_wait3A_90] : memref<160x128xi32, #tpu.memory_space<vmem>> -> memref<1x128xi32, #tpu.memory_space<vmem>>
        %dma_wait3A_92 = tpu.memref_squeeze %dma_wait3A_91 : memref<1x128xi32, #tpu.memory_space<vmem>> -> memref<128xi32, #tpu.memory_space<vmem>>
        %dma_wait3A_93 = arith.constant 0 : i32
        %dma_wait3A_94 = arith.constant 0 : i32
        %dma_wait3A_95 = tpu.memref_slice %arg11[%dma_wait3A_93, %dma_wait3A_94] : memref<10240x64xf32, #tpu.memory_space<vmem_shared>> -> memref<10240x64xf32, #tpu.memory_space<vmem_shared>>
        tpu.wait_indirect_dma semaphore(%run_scoped3A : memref<!tpu.dma_semaphore, #tpu.memory_space<semaphore_mem>>) src(%arg8 : memref<128x64xf32, #tpu.memory_space<vmem>>) dst(%dma_wait3A_95 : memref<10240x64xf32, #tpu.memory_space<vmem_shared>>)
        tpu.yield
      }) : () -> ()
      %lt3A = arith.constant 79 : i32
      %lt3A_72 = arith.cmpi slt, %scan3A_48, %lt3A : i32
      %convert_element_type3A = arith.extui %lt3A_72 : i1 to i32
      %cond3A = arith.constant 0 : i32
      %cond3A_73 = arith.cmpi ne, %convert_element_type3A, %cond3A : i32
      scf.if %cond3A_73 {
        %add3A_84 = arith.constant 2 : i32
        %add3A_85 = arith.addi %mul3A_50, %add3A_84 : i32
        %dma_start3A_86 = arith.constant 0 : i32
        %dma_start3A_87 = tpu.memref_slice %arg6[%add3A_85, %dma_start3A_86] : memref<160x128xi32, #tpu.memory_space<vmem>> -> memref<1x128xi32, #tpu.memory_space<vmem>>
        %dma_start3A_88 = tpu.memref_squeeze %dma_start3A_87 : memref<1x128xi32, #tpu.memory_space<vmem>> -> memref<128xi32, #tpu.memory_space<vmem>>
        %dma_start3A_89 = arith.constant 0 : i32
        %dma_start3A_90 = arith.constant 0 : i32
        %dma_start3A_91 = tpu.memref_slice %arg2[%arg0, %dma_start3A_89, %dma_start3A_90] : memref<2x10000x64xf32, #tpu.memory_space<hbm>> -> memref<1x10000x64xf32, #tpu.memory_space<hbm>>
        %dma_start3A_92 = tpu.memref_squeeze %dma_start3A_91 : memref<1x10000x64xf32, #tpu.memory_space<hbm>> -> memref<10000x64xf32, #tpu.memory_space<hbm>>
        %dma_start3A_93 = arith.constant 0 : i32
        %dma_start3A_94 = arith.constant 0 : i32
        %dma_start3A_95 = tpu.memref_slice %dma_start3A_92[%dma_start3A_93, %dma_start3A_94] : memref<10000x64xf32, #tpu.memory_space<hbm>> -> memref<10000x64xf32, #tpu.memory_space<hbm>>
        tpu.enqueue_indirect_dma source(%dma_start3A_95 : memref<10000x64xf32, #tpu.memory_space<hbm>>) target(%arg8 : memref<128x64xf32, #tpu.memory_space<vmem>>) offsets(%dma_start3A_88 : memref<128xi32, #tpu.memory_space<vmem>>) semaphore(%arg12 : memref<!tpu.dma_semaphore, #tpu.memory_space<semaphore_mem>>)
      } else {
      }
      %dma_wait3A_74 = arith.constant 0 : i32
      %dma_wait3A_75 = tpu.memref_slice %arg6[%add3A_52, %dma_wait3A_74] : memref<160x128xi32, #tpu.memory_space<vmem>> -> memref<1x128xi32, #tpu.memory_space<vmem>>
      %dma_wait3A_76 = tpu.memref_squeeze %dma_wait3A_75 : memref<1x128xi32, #tpu.memory_space<vmem>> -> memref<128xi32, #tpu.memory_space<vmem>>
      %dma_wait3A_77 = arith.constant 0 : i32
      %dma_wait3A_78 = arith.constant 0 : i32
      %dma_wait3A_79 = tpu.memref_slice %arg2[%arg0, %dma_wait3A_77, %dma_wait3A_78] : memref<2x10000x64xf32, #tpu.memory_space<hbm>> -> memref<1x10000x64xf32, #tpu.memory_space<hbm>>
      %dma_wait3A_80 = tpu.memref_squeeze %dma_wait3A_79 : memref<1x10000x64xf32, #tpu.memory_space<hbm>> -> memref<10000x64xf32, #tpu.memory_space<hbm>>
      %dma_wait3A_81 = arith.constant 0 : i32
      %dma_wait3A_82 = arith.constant 0 : i32
      %dma_wait3A_83 = tpu.memref_slice %dma_wait3A_80[%dma_wait3A_81, %dma_wait3A_82] : memref<10000x64xf32, #tpu.memory_space<hbm>> -> memref<10000x64xf32, #tpu.memory_space<hbm>>
      tpu.wait_indirect_dma semaphore(%arg13 : memref<!tpu.dma_semaphore, #tpu.memory_space<semaphore_mem>>) src(%dma_wait3A_83 : memref<10000x64xf32, #tpu.memory_space<hbm>>) dst(%arg9 : memref<128x64xf32, #tpu.memory_space<vmem>>)
      "tpu.region"() ({
        %run_scoped3A = tpu.sem_alloc : memref<!tpu.dma_semaphore, #tpu.memory_space<semaphore_mem>>
        %dma_start3A_84 = arith.constant 0 : i32
        %dma_start3A_85 = tpu.memref_slice %arg7[%add3A_52, %dma_start3A_84] : memref<160x128xi32, #tpu.memory_space<vmem>> -> memref<1x128xi32, #tpu.memory_space<vmem>>
        %dma_start3A_86 = tpu.memref_squeeze %dma_start3A_85 : memref<1x128xi32, #tpu.memory_space<vmem>> -> memref<128xi32, #tpu.memory_space<vmem>>
        %dma_start3A_87 = arith.constant 0 : i32
        %dma_start3A_88 = arith.constant 0 : i32
        %dma_start3A_89 = tpu.memref_slice %arg11[%dma_start3A_87, %dma_start3A_88] : memref<10240x64xf32, #tpu.memory_space<vmem_shared>> -> memref<10240x64xf32, #tpu.memory_space<vmem_shared>>
        tpu.enqueue_indirect_dma source(%arg9 : memref<128x64xf32, #tpu.memory_space<vmem>>) target(%dma_start3A_89 : memref<10240x64xf32, #tpu.memory_space<vmem_shared>>) offsets(%dma_start3A_86 : memref<128xi32, #tpu.memory_space<vmem>>) semaphore(%run_scoped3A : memref<!tpu.dma_semaphore, #tpu.memory_space<semaphore_mem>>) {add = true}
        %dma_wait3A_90 = arith.constant 0 : i32
        %dma_wait3A_91 = tpu.memref_slice %arg7[%add3A_52, %dma_wait3A_90] : memref<160x128xi32, #tpu.memory_space<vmem>> -> memref<1x128xi32, #tpu.memory_space<vmem>>
        %dma_wait3A_92 = tpu.memref_squeeze %dma_wait3A_91 : memref<1x128xi32, #tpu.memory_space<vmem>> -> memref<128xi32, #tpu.memory_space<vmem>>
        %dma_wait3A_93 = arith.constant 0 : i32
        %dma_wait3A_94 = arith.constant 0 : i32
        %dma_wait3A_95 = tpu.memref_slice %arg11[%dma_wait3A_93, %dma_wait3A_94] : memref<10240x64xf32, #tpu.memory_space<vmem_shared>> -> memref<10240x64xf32, #tpu.memory_space<vmem_shared>>
        tpu.wait_indirect_dma semaphore(%run_scoped3A : memref<!tpu.dma_semaphore, #tpu.memory_space<semaphore_mem>>) src(%arg9 : memref<128x64xf32, #tpu.memory_space<vmem>>) dst(%dma_wait3A_95 : memref<10240x64xf32, #tpu.memory_space<vmem_shared>>)
        tpu.yield
      }) : () -> ()
    }
    %scan3A_42 = arith.constant 80 : i32
    %barrier3A_43 = arith.constant 0 : index
    tpu.barrier barrier_id(%barrier3A_43)
    %mul3A_44 = arith.constant 640 : i32
    %mul3A_45 = arith.muli %arg1, %mul3A_44 : i32
    %mul3A_46 = arith.constant 640 : i32
    %mul3A_47 = arith.muli %arg1, %mul3A_46 : i32
    "tpu.region"() ({
      %run_scoped3A = tpu.sem_alloc : memref<!tpu.dma_semaphore, #tpu.memory_space<semaphore_mem>>
      %dma_start3A_48 = arith.constant 0 : i32
      %dma_start3A_49 = tpu.memref_slice %arg5[%arg0, %mul3A_47, %dma_start3A_48] : memref<2x10240x64xf32, #tpu.memory_space<hbm>> -> memref<1x640x64xf32, #tpu.memory_space<hbm>>
      %dma_start3A_50 = tpu.memref_squeeze %dma_start3A_49 : memref<1x640x64xf32, #tpu.memory_space<hbm>> -> memref<640x64xf32, #tpu.memory_space<hbm>>
      %dma_start3A_51 = arith.constant 0 : i32
      %dma_start3A_52 = tpu.memref_slice %arg11[%mul3A_45, %dma_start3A_51] : memref<10240x64xf32, #tpu.memory_space<vmem_shared>> -> memref<640x64xf32, #tpu.memory_space<vmem_shared>>
      tpu.enqueue_dma source(%dma_start3A_52 : memref<640x64xf32, #tpu.memory_space<vmem_shared>>) target(%dma_start3A_50 : memref<640x64xf32, #tpu.memory_space<hbm>>) target_semaphore(%run_scoped3A : memref<!tpu.dma_semaphore, #tpu.memory_space<semaphore_mem>>)
      %dma_wait3A = arith.constant 0 : i32
      %dma_wait3A_53 = tpu.memref_slice %arg5[%arg0, %mul3A_47, %dma_wait3A] : memref<2x10240x64xf32, #tpu.memory_space<hbm>> -> memref<1x640x64xf32, #tpu.memory_space<hbm>>
      %dma_wait3A_54 = tpu.memref_squeeze %dma_wait3A_53 : memref<1x640x64xf32, #tpu.memory_space<hbm>> -> memref<640x64xf32, #tpu.memory_space<hbm>>
      %dma_wait3A_55 = arith.constant 0 : i32
      %dma_wait3A_56 = tpu.memref_slice %arg11[%mul3A_45, %dma_wait3A_55] : memref<10240x64xf32, #tpu.memory_space<vmem_shared>> -> memref<640x64xf32, #tpu.memory_space<vmem_shared>>
      tpu.wait_dma2 semaphore(%run_scoped3A : memref<!tpu.dma_semaphore, #tpu.memory_space<semaphore_mem>>) src(%dma_wait3A_56 : memref<640x64xf32, #tpu.memory_space<vmem_shared>>) dst(%dma_wait3A_54 : memref<640x64xf32, #tpu.memory_space<hbm>>)
      tpu.yield
    }) : () -> ()
    return
  }
}

module attributes {stable_mosaic.version = 14 : i64} {
  func.func @_tc1_body(%arg0: i32, %arg1: memref<2000x128xf32, #tpu.memory_space<vmem>>, %arg2: memref<2000x1xf32, #tpu.memory_space<vmem>>, %arg3: memref<2000x1xf32, #tpu.memory_space<vmem>>, %arg4: memref<128x128xf32, #tpu.memory_space<vmem>>, %arg5: memref<2x2000x64xf32, #tpu.memory_space<vmem>>, %arg6: memref<2000x1xf32, #tpu.memory_space<vmem>>) attributes {dimension_semantics = [#tpu.dimension_semantics<arbitrary>], iteration_bounds = array<i64: 5>, scalar_prefetch = 0 : i64, scratch_operands = 0 : i64, tpu.core_type = #tpu.core_type<tc>, window_params = [{transform_indices = @transform_0, window_bounds = array<i64: 2000, 128>}, {transform_indices = @transform_1, window_bounds = array<i64: 2000, 1>}, {transform_indices = @transform_2, window_bounds = array<i64: 2000, 1>}, {pipeline_mode = #tpu.pipeline_mode<synchronous>, transform_indices = @transform_3, window_bounds = array<i64: 128, 128>}, {transform_indices = @transform_4, window_bounds = array<i64: 2, 2000, 64>}, {transform_indices = @transform_5, window_bounds = array<i64: 2000, 1>}]} {
    %get3A = arith.constant 0 : index
    %get3A_0 = arith.constant 0 : index
    %get3A_1 = vector.load %arg2[%get3A, %get3A_0] : memref<2000x1xf32, #tpu.memory_space<vmem>>, vector<2000x1xf32>
    %get3A_2 = arith.constant 0 : index
    %get3A_3 = arith.constant 0 : index
    %get3A_4 = vector.load %arg3[%get3A_2, %get3A_3] : memref<2000x1xf32, #tpu.memory_space<vmem>>, vector<2000x1xf32>
    %add3A = arith.addf %get3A_1, %get3A_4 : vector<2000x1xf32>
    %add3A_5 = arith.constant 1.000000e+00 : f32
    %add3A_6 = vector.broadcast %add3A_5 : f32 to vector<2000x1xf32>
    %add3A_7 = arith.addf %add3A, %add3A_6 : vector<2000x1xf32>
    %rsqrt3A = math.rsqrt %add3A_7 : vector<2000x1xf32>
    %get3A_8 = arith.constant 0 : index
    %get3A_9 = arith.constant 0 : index
    %get3A_10 = vector.load %arg1[%get3A_8, %get3A_9] : memref<2000x128xf32, #tpu.memory_space<vmem>>, vector<2000x128xf32>
    %get3A_11 = arith.constant 0 : index
    %get3A_12 = arith.constant 0 : index
    %get3A_13 = vector.load %arg4[%get3A_11, %get3A_12] : memref<128x128xf32, #tpu.memory_space<vmem>>, vector<128x128xf32>
    %dot_general3A = arith.constant dense<0.000000e+00> : vector<2000x128xf32>
    %dot_general3A_14 = tpu.matmul %get3A_10, %get3A_13, %dot_general3A {dimension_numbers = #tpu.dot_dimension_numbers<[1], [0], [0], [1], [0, 0, 1, 1], [], []>, transpose_lhs_hint = false} : vector<2000x128xf32>, vector<128x128xf32>, vector<2000x128xf32> -> vector<2000x128xf32>
    %mul3A = vector.broadcast %rsqrt3A : vector<2000x1xf32> to vector<2000x128xf32>
    %mul3A_15 = arith.mulf %dot_general3A_14, %mul3A : vector<2000x128xf32>
    %slice3A = vector.extract_strided_slice %mul3A_15 {offsets = [0, 0], sizes = [2000, 64], strides = [1, 1]} : vector<2000x128xf32> to vector<2000x64xf32>
    %swap3A = arith.constant 0 : index
    %swap3A_16 = arith.constant 0 : index
    %swap3A_17 = arith.constant 0 : index
    %swap3A_18 = vector.load %arg5[%swap3A, %swap3A_16, %swap3A_17] : memref<2x2000x64xf32, #tpu.memory_space<vmem>>, vector<1x2000x64xf32>
    %swap3A_19 = vector.shape_cast %swap3A_18 : vector<1x2000x64xf32> to vector<2000x64xf32>
    %swap3A_20 = vector.shape_cast %slice3A : vector<2000x64xf32> to vector<1x2000x64xf32>
    tpu.vector_store %arg5[%swap3A, %swap3A_16, %swap3A_17], %swap3A_20 {strides = array<i32>} : memref<2x2000x64xf32, #tpu.memory_space<vmem>>, vector<1x2000x64xf32>,
    %slice3A_21 = vector.extract_strided_slice %mul3A_15 {offsets = [0, 64], sizes = [2000, 64], strides = [1, 1]} : vector<2000x128xf32> to vector<2000x64xf32>
    %swap3A_22 = arith.constant 1 : index
    %swap3A_23 = arith.constant 0 : index
    %swap3A_24 = arith.constant 0 : index
    %swap3A_25 = vector.load %arg5[%swap3A_22, %swap3A_23, %swap3A_24] : memref<2x2000x64xf32, #tpu.memory_space<vmem>>, vector<1x2000x64xf32>
    %swap3A_26 = vector.shape_cast %swap3A_25 : vector<1x2000x64xf32> to vector<2000x64xf32>
    %swap3A_27 = vector.shape_cast %slice3A_21 : vector<2000x64xf32> to vector<1x2000x64xf32>
    tpu.vector_store %arg5[%swap3A_22, %swap3A_23, %swap3A_24], %swap3A_27 {strides = array<i32>} : memref<2x2000x64xf32, #tpu.memory_space<vmem>>, vector<1x2000x64xf32>,
    %swap3A_28 = arith.constant 0 : index
    %swap3A_29 = arith.constant 0 : index
    %swap3A_30 = vector.load %arg6[%swap3A_28, %swap3A_29] : memref<2000x1xf32, #tpu.memory_space<vmem>>, vector<2000x1xf32>
    tpu.vector_store %arg6[%swap3A_28, %swap3A_29], %rsqrt3A {strides = array<i32>} : memref<2000x1xf32, #tpu.memory_space<vmem>>, vector<2000x1xf32>,
    return
  }
  func.func @transform_0(%arg0: i32) -> (i32, i32) {
    %c0_i32 = arith.constant 0 : i32
    %c0_i32_0 = arith.constant 0 : i32
    return %arg0, %c0_i32 : i32, i32
  }
  func.func @transform_1(%arg0: i32) -> (i32, i32) {
    %c0_i32 = arith.constant 0 : i32
    %c0_i32_0 = arith.constant 0 : i32
    return %arg0, %c0_i32 : i32, i32
  }
  func.func @transform_2(%arg0: i32) -> (i32, i32) {
    %c0_i32 = arith.constant 0 : i32
    %c0_i32_0 = arith.constant 0 : i32
    return %arg0, %c0_i32 : i32, i32
  }
  func.func @transform_3(%arg0: i32) -> (i32, i32) {
    %c0_i32 = arith.constant 0 : i32
    %c0_i32_0 = arith.constant 0 : i32
    %c0_i32_1 = arith.constant 0 : i32
    return %c0_i32, %c0_i32_0 : i32, i32
  }
  func.func @transform_4(%arg0: i32) -> (i32, i32, i32) {
    %c0_i32 = arith.constant 0 : i32
    %c0_i32_0 = arith.constant 0 : i32
    %c0_i32_1 = arith.constant 0 : i32
    return %c0_i32, %arg0, %c0_i32_0 : i32, i32, i32
  }
  func.func @transform_5(%arg0: i32) -> (i32, i32) {
    %c0_i32 = arith.constant 0 : i32
    %c0_i32_0 = arith.constant 0 : i32
    return %arg0, %c0_i32 : i32, i32
  }
}

module attributes {stable_mosaic.version = 14 : i64} {
  func.func @_tc2_body(%arg0: i32, %arg1: memref<2000x128xf32, #tpu.memory_space<vmem>>, %arg2: memref<2x2000x64xf32, #tpu.memory_space<vmem>>, %arg3: memref<2x2000x64xf32, #tpu.memory_space<vmem>>, %arg4: memref<2000x1xf32, #tpu.memory_space<vmem>>, %arg5: memref<1x128xf32, #tpu.memory_space<vmem>>, %arg6: memref<128x512xbf16, #tpu.memory_space<vmem>>, %arg7: memref<128x512xbf16, #tpu.memory_space<vmem>>, %arg8: memref<1x512xf32, #tpu.memory_space<vmem>>, %arg9: memref<128x512xbf16, #tpu.memory_space<vmem>>, %arg10: memref<128x512xbf16, #tpu.memory_space<vmem>>, %arg11: memref<1x512xf32, #tpu.memory_space<vmem>>, %arg12: memref<128x1xf32, #tpu.memory_space<vmem>>, %arg13: memref<128x1xf32, #tpu.memory_space<vmem>>, %arg14: memref<128x128xf32, #tpu.memory_space<vmem>>, %arg15: memref<2000x128xf32, #tpu.memory_space<vmem>>, %arg16: memref<2x2000x64xf32, #tpu.memory_space<vmem>>) attributes {dimension_semantics = [#tpu.dimension_semantics<arbitrary>], iteration_bounds = array<i64: 5>, scalar_prefetch = 0 : i64, scratch_operands = 0 : i64, tpu.core_type = #tpu.core_type<tc>, window_params = [{transform_indices = @transform_0, window_bounds = array<i64: 2000, 128>}, {transform_indices = @transform_1, window_bounds = array<i64: 2, 2000, 64>}, {transform_indices = @transform_2, window_bounds = array<i64: 2, 2000, 64>}, {transform_indices = @transform_3, window_bounds = array<i64: 2000, 1>}, {pipeline_mode = #tpu.pipeline_mode<synchronous>, transform_indices = @transform_4, window_bounds = array<i64: 1, 128>}, {pipeline_mode = #tpu.pipeline_mode<synchronous>, transform_indices = @transform_5, window_bounds = array<i64: 128, 512>}, {pipeline_mode = #tpu.pipeline_mode<synchronous>, transform_indices = @transform_6, window_bounds = array<i64: 128, 512>}, {pipeline_mode = #tpu.pipeline_mode<synchronous>, transform_indices = @transform_7, window_bounds = array<i64: 1, 512>}, {pipeline_mode = #tpu.pipeline_mode<synchronous>, transform_indices = @transform_8, window_bounds = array<i64: 128, 512>}, {pipeline_mode = #tpu.pipeline_mode<synchronous>, transform_indices = @transform_9, window_bounds = array<i64: 128, 512>}, {pipeline_mode = #tpu.pipeline_mode<synchronous>, transform_indices = @transform_10, window_bounds = array<i64: 1, 512>}, {pipeline_mode = #tpu.pipeline_mode<synchronous>, transform_indices = @transform_11, window_bounds = array<i64: 128, 1>}, {pipeline_mode = #tpu.pipeline_mode<synchronous>, transform_indices = @transform_12, window_bounds = array<i64: 128, 1>}, {pipeline_mode = #tpu.pipeline_mode<synchronous>, transform_indices = @transform_13, window_bounds = array<i64: 128, 128>}, {transform_indices = @transform_14, window_bounds = array<i64: 2000, 128>}, {transform_indices = @transform_15, window_bounds = array<i64: 2, 2000, 64>}]} {
    %get3A = arith.constant 0 : index
    %get3A_0 = arith.constant 0 : index
    %get3A_1 = vector.load %arg1[%get3A, %get3A_0] : memref<2000x128xf32, #tpu.memory_space<vmem>>, vector<2000x128xf32>
    %get3A_2 = arith.constant 0 : index
    %get3A_3 = arith.constant 0 : index
    %get3A_4 = vector.load %arg4[%get3A_2, %get3A_3] : memref<2000x1xf32, #tpu.memory_space<vmem>>, vector<2000x1xf32>
    %get3A_5 = arith.constant 0 : index
    %get3A_6 = arith.constant 0 : index
    %get3A_7 = arith.constant 0 : index
    %get3A_8 = vector.load %arg3[%get3A_5, %get3A_6, %get3A_7] : memref<2x2000x64xf32, #tpu.memory_space<vmem>>, vector<1x2000x64xf32>
    %get3A_9 = vector.shape_cast %get3A_8 : vector<1x2000x64xf32> to vector<2000x64xf32>
    %get3A_10 = arith.constant 1 : index
    %get3A_11 = arith.constant 0 : index
    %get3A_12 = arith.constant 0 : index
    %get3A_13 = vector.load %arg3[%get3A_10, %get3A_11, %get3A_12] : memref<2x2000x64xf32, #tpu.memory_space<vmem>>, vector<1x2000x64xf32>
    %get3A_14 = vector.shape_cast %get3A_13 : vector<1x2000x64xf32> to vector<2000x64xf32>
    %concatenate3A = tpu.concatenate %get3A_9, %get3A_14 in 1 : vector<2000x64xf32>, vector<2000x64xf32> -> vector<2000x128xf32>
    %get3A_15 = arith.constant 0 : index
    %get3A_16 = arith.constant 0 : index
    %get3A_17 = arith.constant 0 : index
    %get3A_18 = vector.load %arg2[%get3A_15, %get3A_16, %get3A_17] : memref<2x2000x64xf32, #tpu.memory_space<vmem>>, vector<1x2000x64xf32>
    %get3A_19 = vector.shape_cast %get3A_18 : vector<1x2000x64xf32> to vector<2000x64xf32>
    %get3A_20 = arith.constant 1 : index
    %get3A_21 = arith.constant 0 : index
    %get3A_22 = arith.constant 0 : index
    %get3A_23 = vector.load %arg2[%get3A_20, %get3A_21, %get3A_22] : memref<2x2000x64xf32, #tpu.memory_space<vmem>>, vector<1x2000x64xf32>
    %get3A_24 = vector.shape_cast %get3A_23 : vector<1x2000x64xf32> to vector<2000x64xf32>
    %concatenate3A_25 = tpu.concatenate %get3A_19, %get3A_24 in 1 : vector<2000x64xf32>, vector<2000x64xf32> -> vector<2000x128xf32>
    %add3A = arith.addf %concatenate3A, %concatenate3A_25 : vector<2000x128xf32>
    %mul3A = vector.broadcast %get3A_4 : vector<2000x1xf32> to vector<2000x128xf32>
    %mul3A_26 = arith.mulf %add3A, %mul3A : vector<2000x128xf32>
    %get3A_27 = arith.constant 0 : index
    %get3A_28 = arith.constant 0 : index
    %get3A_29 = vector.load %arg5[%get3A_27, %get3A_28] : memref<1x128xf32, #tpu.memory_space<vmem>>, vector<1x128xf32>
    %add3A_30 = vector.broadcast %get3A_29 : vector<1x128xf32> to vector<2000x128xf32>
    %add3A_31 = arith.addf %mul3A_26, %add3A_30 : vector<2000x128xf32>
    %max3A = arith.constant 0.000000e+00 : f32
    %max3A_32 = vector.broadcast %max3A : f32 to vector<2000x128xf32>
    %max3A_33 = arith.maximumf %add3A_31, %max3A_32 : vector<2000x128xf32>
    %get3A_34 = arith.constant 0 : index
    %get3A_35 = arith.constant 0 : index
    %get3A_36 = vector.load %arg6[%get3A_34, %get3A_35] : memref<128x512xbf16, #tpu.memory_space<vmem>>, vector<128x512xbf16>
    %get3A_37 = arith.constant 0 : index
    %get3A_38 = arith.constant 0 : index
    %get3A_39 = vector.load %arg7[%get3A_37, %get3A_38] : memref<128x512xbf16, #tpu.memory_space<vmem>>, vector<128x512xbf16>
    %get3A_40 = arith.constant 0 : index
    %get3A_41 = arith.constant 0 : index
    %get3A_42 = vector.load %arg8[%get3A_40, %get3A_41] : memref<1x512xf32, #tpu.memory_space<vmem>>, vector<1x512xf32>
    %convert_element_type3A = arith.truncf %get3A_1 : vector<2000x128xf32> to vector<2000x128xbf16>
    %dot_general3A = arith.constant dense<0.000000e+00> : vector<2000x512xf32>
    %dot_general3A_43 = tpu.matmul %convert_element_type3A, %get3A_36, %dot_general3A {dimension_numbers = #tpu.dot_dimension_numbers<[1], [0], [0], [1], [0, 0, 1, 1], [], []>, transpose_lhs_hint = false} : vector<2000x128xbf16>, vector<128x512xbf16>, vector<2000x512xf32> -> vector<2000x512xf32>
    %add3A_44 = vector.broadcast %get3A_42 : vector<1x512xf32> to vector<2000x512xf32>
    %add3A_45 = arith.addf %dot_general3A_43, %add3A_44 : vector<2000x512xf32>
    %slice3A = vector.extract_strided_slice %add3A_45 {offsets = [0, 0], sizes = [2000, 128], strides = [1, 1]} : vector<2000x512xf32> to vector<2000x128xf32>
    %logistic3A = arith.negf %slice3A : vector<2000x128xf32>
    %logistic3A_46 = math.exp %logistic3A : vector<2000x128xf32>
    %logistic3A_47 = arith.constant 1.000000e+00 : f32
    %logistic3A_48 = vector.broadcast %logistic3A_47 : f32 to vector<2000x128xf32>
    %logistic3A_49 = arith.addf %logistic3A_48, %logistic3A_46 : vector<2000x128xf32>
    %logistic3A_50 = arith.divf %logistic3A_48, %logistic3A_49 : vector<2000x128xf32>
    %slice3A_51 = vector.extract_strided_slice %add3A_45 {offsets = [0, 256], sizes = [2000, 128], strides = [1, 1]} : vector<2000x512xf32> to vector<2000x128xf32>
    %tanh3A = math.tanh %slice3A_51 : vector<2000x128xf32>
    %slice3A_52 = vector.extract_strided_slice %add3A_45 {offsets = [0, 384], sizes = [2000, 128], strides = [1, 1]} : vector<2000x512xf32> to vector<2000x128xf32>
    %logistic3A_53 = arith.negf %slice3A_52 : vector<2000x128xf32>
    %logistic3A_54 = math.exp %logistic3A_53 : vector<2000x128xf32>
    %logistic3A_55 = arith.constant 1.000000e+00 : f32
    %logistic3A_56 = vector.broadcast %logistic3A_55 : f32 to vector<2000x128xf32>
    %logistic3A_57 = arith.addf %logistic3A_56, %logistic3A_54 : vector<2000x128xf32>
    %logistic3A_58 = arith.divf %logistic3A_56, %logistic3A_57 : vector<2000x128xf32>
    %mul3A_59 = arith.mulf %logistic3A_50, %tanh3A : vector<2000x128xf32>
    %tanh3A_60 = math.tanh %mul3A_59 : vector<2000x128xf32>
    %mul3A_61 = arith.mulf %logistic3A_58, %tanh3A_60 : vector<2000x128xf32>
    %convert_element_type3A_62 = arith.truncf %max3A_33 : vector<2000x128xf32> to vector<2000x128xbf16>
    %dot_general3A_63 = arith.constant dense<0.000000e+00> : vector<2000x512xf32>
    %dot_general3A_64 = tpu.matmul %convert_element_type3A_62, %get3A_36, %dot_general3A_63 {dimension_numbers = #tpu.dot_dimension_numbers<[1], [0], [0], [1], [0, 0, 1, 1], [], []>, transpose_lhs_hint = false} : vector<2000x128xbf16>, vector<128x512xbf16>, vector<2000x512xf32> -> vector<2000x512xf32>
    %add3A_65 = vector.broadcast %get3A_42 : vector<1x512xf32> to vector<2000x512xf32>
    %add3A_66 = arith.addf %dot_general3A_64, %add3A_65 : vector<2000x512xf32>
    %convert_element_type3A_67 = arith.truncf %mul3A_61 : vector<2000x128xf32> to vector<2000x128xbf16>
    %dot_general3A_68 = arith.constant dense<0.000000e+00> : vector<2000x512xf32>
    %dot_general3A_69 = tpu.matmul %convert_element_type3A_67, %get3A_39, %dot_general3A_68 {dimension_numbers = #tpu.dot_dimension_numbers<[1], [0], [0], [1], [0, 0, 1, 1], [], []>, transpose_lhs_hint = false} : vector<2000x128xbf16>, vector<128x512xbf16>, vector<2000x512xf32> -> vector<2000x512xf32>
    %add3A_70 = arith.addf %add3A_66, %dot_general3A_69 : vector<2000x512xf32>
    %slice3A_71 = vector.extract_strided_slice %add3A_70 {offsets = [0, 0], sizes = [2000, 128], strides = [1, 1]} : vector<2000x512xf32> to vector<2000x128xf32>
    %logistic3A_72 = arith.negf %slice3A_71 : vector<2000x128xf32>
    %logistic3A_73 = math.exp %logistic3A_72 : vector<2000x128xf32>
    %logistic3A_74 = arith.constant 1.000000e+00 : f32
    %logistic3A_75 = vector.broadcast %logistic3A_74 : f32 to vector<2000x128xf32>
    %logistic3A_76 = arith.addf %logistic3A_75, %logistic3A_73 : vector<2000x128xf32>
    %logistic3A_77 = arith.divf %logistic3A_75, %logistic3A_76 : vector<2000x128xf32>
    %slice3A_78 = vector.extract_strided_slice %add3A_70 {offsets = [0, 128], sizes = [2000, 128], strides = [1, 1]} : vector<2000x512xf32> to vector<2000x128xf32>
    %logistic3A_79 = arith.negf %slice3A_78 : vector<2000x128xf32>
    %logistic3A_80 = math.exp %logistic3A_79 : vector<2000x128xf32>
    %logistic3A_81 = arith.constant 1.000000e+00 : f32
    %logistic3A_82 = vector.broadcast %logistic3A_81 : f32 to vector<2000x128xf32>
    %logistic3A_83 = arith.addf %logistic3A_82, %logistic3A_80 : vector<2000x128xf32>
    %logistic3A_84 = arith.divf %logistic3A_82, %logistic3A_83 : vector<2000x128xf32>
    %slice3A_85 = vector.extract_strided_slice %add3A_70 {offsets = [0, 256], sizes = [2000, 128], strides = [1, 1]} : vector<2000x512xf32> to vector<2000x128xf32>
    %tanh3A_86 = math.tanh %slice3A_85 : vector<2000x128xf32>
    %slice3A_87 = vector.extract_strided_slice %add3A_70 {offsets = [0, 384], sizes = [2000, 128], strides = [1, 1]} : vector<2000x512xf32> to vector<2000x128xf32>
    %logistic3A_88 = arith.negf %slice3A_87 : vector<2000x128xf32>
    %logistic3A_89 = math.exp %logistic3A_88 : vector<2000x128xf32>
    %logistic3A_90 = arith.constant 1.000000e+00 : f32
    %logistic3A_91 = vector.broadcast %logistic3A_90 : f32 to vector<2000x128xf32>
    %logistic3A_92 = arith.addf %logistic3A_91, %logistic3A_89 : vector<2000x128xf32>
    %logistic3A_93 = arith.divf %logistic3A_91, %logistic3A_92 : vector<2000x128xf32>
    %mul3A_94 = arith.mulf %logistic3A_84, %mul3A_59 : vector<2000x128xf32>
    %mul3A_95 = arith.mulf %logistic3A_77, %tanh3A_86 : vector<2000x128xf32>
    %add3A_96 = arith.addf %mul3A_94, %mul3A_95 : vector<2000x128xf32>
    %tanh3A_97 = math.tanh %add3A_96 : vector<2000x128xf32>
    %mul3A_98 = arith.mulf %logistic3A_93, %tanh3A_97 : vector<2000x128xf32>
    %get3A_99 = arith.constant 0 : index
    %get3A_100 = arith.constant 0 : index
    %get3A_101 = vector.load %arg9[%get3A_99, %get3A_100] : memref<128x512xbf16, #tpu.memory_space<vmem>>, vector<128x512xbf16>
    %get3A_102 = arith.constant 0 : index
    %get3A_103 = arith.constant 0 : index
    %get3A_104 = vector.load %arg10[%get3A_102, %get3A_103] : memref<128x512xbf16, #tpu.memory_space<vmem>>, vector<128x512xbf16>
    %get3A_105 = arith.constant 0 : index
    %get3A_106 = arith.constant 0 : index
    %get3A_107 = vector.load %arg11[%get3A_105, %get3A_106] : memref<1x512xf32, #tpu.memory_space<vmem>>, vector<1x512xf32>
    %convert_element_type3A_108 = arith.truncf %max3A_33 : vector<2000x128xf32> to vector<2000x128xbf16>
    %dot_general3A_109 = arith.constant dense<0.000000e+00> : vector<2000x512xf32>
    %dot_general3A_110 = tpu.matmul %convert_element_type3A_108, %get3A_101, %dot_general3A_109 {dimension_numbers = #tpu.dot_dimension_numbers<[1], [0], [0], [1], [0, 0, 1, 1], [], []>, transpose_lhs_hint = false} : vector<2000x128xbf16>, vector<128x512xbf16>, vector<2000x512xf32> -> vector<2000x512xf32>
    %add3A_111 = vector.broadcast %get3A_107 : vector<1x512xf32> to vector<2000x512xf32>
    %add3A_112 = arith.addf %dot_general3A_110, %add3A_111 : vector<2000x512xf32>
    %slice3A_113 = vector.extract_strided_slice %add3A_112 {offsets = [0, 0], sizes = [2000, 128], strides = [1, 1]} : vector<2000x512xf32> to vector<2000x128xf32>
    %logistic3A_114 = arith.negf %slice3A_113 : vector<2000x128xf32>
    %logistic3A_115 = math.exp %logistic3A_114 : vector<2000x128xf32>
    %logistic3A_116 = arith.constant 1.000000e+00 : f32
    %logistic3A_117 = vector.broadcast %logistic3A_116 : f32 to vector<2000x128xf32>
    %logistic3A_118 = arith.addf %logistic3A_117, %logistic3A_115 : vector<2000x128xf32>
    %logistic3A_119 = arith.divf %logistic3A_117, %logistic3A_118 : vector<2000x128xf32>
    %slice3A_120 = vector.extract_strided_slice %add3A_112 {offsets = [0, 256], sizes = [2000, 128], strides = [1, 1]} : vector<2000x512xf32> to vector<2000x128xf32>
    %tanh3A_121 = math.tanh %slice3A_120 : vector<2000x128xf32>
    %slice3A_122 = vector.extract_strided_slice %add3A_112 {offsets = [0, 384], sizes = [2000, 128], strides = [1, 1]} : vector<2000x512xf32> to vector<2000x128xf32>
    %logistic3A_123 = arith.negf %slice3A_122 : vector<2000x128xf32>
    %logistic3A_124 = math.exp %logistic3A_123 : vector<2000x128xf32>
    %logistic3A_125 = arith.constant 1.000000e+00 : f32
    %logistic3A_126 = vector.broadcast %logistic3A_125 : f32 to vector<2000x128xf32>
    %logistic3A_127 = arith.addf %logistic3A_126, %logistic3A_124 : vector<2000x128xf32>
    %logistic3A_128 = arith.divf %logistic3A_126, %logistic3A_127 : vector<2000x128xf32>
    %mul3A_129 = arith.mulf %logistic3A_119, %tanh3A_121 : vector<2000x128xf32>
    %tanh3A_130 = math.tanh %mul3A_129 : vector<2000x128xf32>
    %mul3A_131 = arith.mulf %logistic3A_128, %tanh3A_130 : vector<2000x128xf32>
    %convert_element_type3A_132 = arith.truncf %get3A_1 : vector<2000x128xf32> to vector<2000x128xbf16>
    %dot_general3A_133 = arith.constant dense<0.000000e+00> : vector<2000x512xf32>
    %dot_general3A_134 = tpu.matmul %convert_element_type3A_132, %get3A_101, %dot_general3A_133 {dimension_numbers = #tpu.dot_dimension_numbers<[1], [0], [0], [1], [0, 0, 1, 1], [], []>, transpose_lhs_hint = false} : vector<2000x128xbf16>, vector<128x512xbf16>, vector<2000x512xf32> -> vector<2000x512xf32>
    %add3A_135 = vector.broadcast %get3A_107 : vector<1x512xf32> to vector<2000x512xf32>
    %add3A_136 = arith.addf %dot_general3A_134, %add3A_135 : vector<2000x512xf32>
    %convert_element_type3A_137 = arith.truncf %mul3A_131 : vector<2000x128xf32> to vector<2000x128xbf16>
    %dot_general3A_138 = arith.constant dense<0.000000e+00> : vector<2000x512xf32>
    %dot_general3A_139 = tpu.matmul %convert_element_type3A_137, %get3A_104, %dot_general3A_138 {dimension_numbers = #tpu.dot_dimension_numbers<[1], [0], [0], [1], [0, 0, 1, 1], [], []>, transpose_lhs_hint = false} : vector<2000x128xbf16>, vector<128x512xbf16>, vector<2000x512xf32> -> vector<2000x512xf32>
    %add3A_140 = arith.addf %add3A_136, %dot_general3A_139 : vector<2000x512xf32>
    %slice3A_141 = vector.extract_strided_slice %add3A_140 {offsets = [0, 0], sizes = [2000, 128], strides = [1, 1]} : vector<2000x512xf32> to vector<2000x128xf32>
    %logistic3A_142 = arith.negf %slice3A_141 : vector<2000x128xf32>
    %logistic3A_143 = math.exp %logistic3A_142 : vector<2000x128xf32>
    %logistic3A_144 = arith.constant 1.000000e+00 : f32
    %logistic3A_145 = vector.broadcast %logistic3A_144 : f32 to vector<2000x128xf32>
    %logistic3A_146 = arith.addf %logistic3A_145, %logistic3A_143 : vector<2000x128xf32>
    %logistic3A_147 = arith.divf %logistic3A_145, %logistic3A_146 : vector<2000x128xf32>
    %slice3A_148 = vector.extract_strided_slice %add3A_140 {offsets = [0, 128], sizes = [2000, 128], strides = [1, 1]} : vector<2000x512xf32> to vector<2000x128xf32>
    %logistic3A_149 = arith.negf %slice3A_148 : vector<2000x128xf32>
    %logistic3A_150 = math.exp %logistic3A_149 : vector<2000x128xf32>
    %logistic3A_151 = arith.constant 1.000000e+00 : f32
    %logistic3A_152 = vector.broadcast %logistic3A_151 : f32 to vector<2000x128xf32>
    %logistic3A_153 = arith.addf %logistic3A_152, %logistic3A_150 : vector<2000x128xf32>
    %logistic3A_154 = arith.divf %logistic3A_152, %logistic3A_153 : vector<2000x128xf32>
    %slice3A_155 = vector.extract_strided_slice %add3A_140 {offsets = [0, 256], sizes = [2000, 128], strides = [1, 1]} : vector<2000x512xf32> to vector<2000x128xf32>
    %tanh3A_156 = math.tanh %slice3A_155 : vector<2000x128xf32>
    %slice3A_157 = vector.extract_strided_slice %add3A_140 {offsets = [0, 384], sizes = [2000, 128], strides = [1, 1]} : vector<2000x512xf32> to vector<2000x128xf32>
    %logistic3A_158 = arith.negf %slice3A_157 : vector<2000x128xf32>
    %logistic3A_159 = math.exp %logistic3A_158 : vector<2000x128xf32>
    %logistic3A_160 = arith.constant 1.000000e+00 : f32
    %logistic3A_161 = vector.broadcast %logistic3A_160 : f32 to vector<2000x128xf32>
    %logistic3A_162 = arith.addf %logistic3A_161, %logistic3A_159 : vector<2000x128xf32>
    %logistic3A_163 = arith.divf %logistic3A_161, %logistic3A_162 : vector<2000x128xf32>
    %mul3A_164 = arith.mulf %logistic3A_154, %mul3A_129 : vector<2000x128xf32>
    %mul3A_165 = arith.mulf %logistic3A_147, %tanh3A_156 : vector<2000x128xf32>
    %add3A_166 = arith.addf %mul3A_164, %mul3A_165 : vector<2000x128xf32>
    %tanh3A_167 = math.tanh %add3A_166 : vector<2000x128xf32>
    %mul3A_168 = arith.mulf %logistic3A_163, %tanh3A_167 : vector<2000x128xf32>
    %get3A_169 = arith.constant 0 : index
    %get3A_170 = arith.constant 0 : index
    %get3A_171 = vector.load %arg12[%get3A_169, %get3A_170] : memref<128x1xf32, #tpu.memory_space<vmem>>, vector<128x1xf32>
    %get3A_172 = arith.constant 0 : index
    %get3A_173 = arith.constant 0 : index
    %get3A_174 = vector.load %arg13[%get3A_172, %get3A_173] : memref<128x1xf32, #tpu.memory_space<vmem>>, vector<128x1xf32>
    %dot_general3A_175 = arith.constant dense<0.000000e+00> : vector<2000x1xf32>
    %dot_general3A_176 = tpu.matmul %mul3A_61, %get3A_171, %dot_general3A_175 {dimension_numbers = #tpu.dot_dimension_numbers<[1], [0], [0], [1], [0, 0, 1, 1], [], []>, transpose_lhs_hint = false} : vector<2000x128xf32>, vector<128x1xf32>, vector<2000x1xf32> -> vector<2000x1xf32>
    %dot_general3A_177 = arith.constant dense<0.000000e+00> : vector<2000x1xf32>
    %dot_general3A_178 = tpu.matmul %mul3A_168, %get3A_174, %dot_general3A_177 {dimension_numbers = #tpu.dot_dimension_numbers<[1], [0], [0], [1], [0, 0, 1, 1], [], []>, transpose_lhs_hint = false} : vector<2000x128xf32>, vector<128x1xf32>, vector<2000x1xf32> -> vector<2000x1xf32>
    %add3A_179 = arith.addf %dot_general3A_176, %dot_general3A_178 : vector<2000x1xf32>
    %dot_general3A_180 = arith.constant dense<0.000000e+00> : vector<2000x1xf32>
    %dot_general3A_181 = tpu.matmul %mul3A_98, %get3A_171, %dot_general3A_180 {dimension_numbers = #tpu.dot_dimension_numbers<[1], [0], [0], [1], [0, 0, 1, 1], [], []>, transpose_lhs_hint = false} : vector<2000x128xf32>, vector<128x1xf32>, vector<2000x1xf32> -> vector<2000x1xf32>
    %dot_general3A_182 = arith.constant dense<0.000000e+00> : vector<2000x1xf32>
    %dot_general3A_183 = tpu.matmul %mul3A_131, %get3A_174, %dot_general3A_182 {dimension_numbers = #tpu.dot_dimension_numbers<[1], [0], [0], [1], [0, 0, 1, 1], [], []>, transpose_lhs_hint = false} : vector<2000x128xf32>, vector<128x1xf32>, vector<2000x1xf32> -> vector<2000x1xf32>
    %add3A_184 = arith.addf %dot_general3A_181, %dot_general3A_183 : vector<2000x1xf32>
    %max3A_185 = arith.maximumf %add3A_179, %add3A_184 : vector<2000x1xf32>
    %sub3A = arith.subf %add3A_179, %max3A_185 : vector<2000x1xf32>
    %exp3A = math.exp %sub3A : vector<2000x1xf32>
    %sub3A_186 = arith.subf %add3A_184, %max3A_185 : vector<2000x1xf32>
    %exp3A_187 = math.exp %sub3A_186 : vector<2000x1xf32>
    %mul3A_188 = vector.broadcast %exp3A : vector<2000x1xf32> to vector<2000x128xf32>
    %mul3A_189 = arith.mulf %mul3A_188, %get3A_1 : vector<2000x128xf32>
    %mul3A_190 = vector.broadcast %exp3A_187 : vector<2000x1xf32> to vector<2000x128xf32>
    %mul3A_191 = arith.mulf %mul3A_190, %max3A_33 : vector<2000x128xf32>
    %add3A_192 = arith.addf %mul3A_189, %mul3A_191 : vector<2000x128xf32>
    %add3A_193 = arith.addf %exp3A, %exp3A_187 : vector<2000x1xf32>
    %div3A = vector.broadcast %add3A_193 : vector<2000x1xf32> to vector<2000x128xf32>
    %div3A_194 = arith.divf %add3A_192, %div3A : vector<2000x128xf32>
    %swap3A = arith.constant 0 : index
    %swap3A_195 = arith.constant 0 : index
    %swap3A_196 = vector.load %arg15[%swap3A, %swap3A_195] : memref<2000x128xf32, #tpu.memory_space<vmem>>, vector<2000x128xf32>
    tpu.vector_store %arg15[%swap3A, %swap3A_195], %max3A_33 {strides = array<i32>} : memref<2000x128xf32, #tpu.memory_space<vmem>>, vector<2000x128xf32>,
    %get3A_197 = arith.constant 0 : index
    %get3A_198 = arith.constant 0 : index
    %get3A_199 = vector.load %arg14[%get3A_197, %get3A_198] : memref<128x128xf32, #tpu.memory_space<vmem>>, vector<128x128xf32>
    %dot_general3A_200 = arith.constant dense<0.000000e+00> : vector<2000x128xf32>
    %dot_general3A_201 = tpu.matmul %div3A_194, %get3A_199, %dot_general3A_200 {dimension_numbers = #tpu.dot_dimension_numbers<[1], [0], [0], [1], [0, 0, 1, 1], [], []>, transpose_lhs_hint = false} : vector<2000x128xf32>, vector<128x128xf32>, vector<2000x128xf32> -> vector<2000x128xf32>
    %mul3A_202 = vector.broadcast %get3A_4 : vector<2000x1xf32> to vector<2000x128xf32>
    %mul3A_203 = arith.mulf %dot_general3A_201, %mul3A_202 : vector<2000x128xf32>
    %slice3A_204 = vector.extract_strided_slice %mul3A_203 {offsets = [0, 0], sizes = [2000, 64], strides = [1, 1]} : vector<2000x128xf32> to vector<2000x64xf32>
    %swap3A_205 = arith.constant 0 : index
    %swap3A_206 = arith.constant 0 : index
    %swap3A_207 = arith.constant 0 : index
    %swap3A_208 = vector.load %arg16[%swap3A_205, %swap3A_206, %swap3A_207] : memref<2x2000x64xf32, #tpu.memory_space<vmem>>, vector<1x2000x64xf32>
    %swap3A_209 = vector.shape_cast %swap3A_208 : vector<1x2000x64xf32> to vector<2000x64xf32>
    %swap3A_210 = vector.shape_cast %slice3A_204 : vector<2000x64xf32> to vector<1x2000x64xf32>
    tpu.vector_store %arg16[%swap3A_205, %swap3A_206, %swap3A_207], %swap3A_210 {strides = array<i32>} : memref<2x2000x64xf32, #tpu.memory_space<vmem>>, vector<1x2000x64xf32>,
    %slice3A_211 = vector.extract_strided_slice %mul3A_203 {offsets = [0, 64], sizes = [2000, 64], strides = [1, 1]} : vector<2000x128xf32> to vector<2000x64xf32>
    %swap3A_212 = arith.constant 1 : index
    %swap3A_213 = arith.constant 0 : index
    %swap3A_214 = arith.constant 0 : index
    %swap3A_215 = vector.load %arg16[%swap3A_212, %swap3A_213, %swap3A_214] : memref<2x2000x64xf32, #tpu.memory_space<vmem>>, vector<1x2000x64xf32>
    %swap3A_216 = vector.shape_cast %swap3A_215 : vector<1x2000x64xf32> to vector<2000x64xf32>
    %swap3A_217 = vector.shape_cast %slice3A_211 : vector<2000x64xf32> to vector<1x2000x64xf32>
    tpu.vector_store %arg16[%swap3A_212, %swap3A_213, %swap3A_214], %swap3A_217 {strides = array<i32>} : memref<2x2000x64xf32, #tpu.memory_space<vmem>>, vector<1x2000x64xf32>,
    return
  }
  func.func @transform_0(%arg0: i32) -> (i32, i32) {
    %c0_i32 = arith.constant 0 : i32
    %c0_i32_0 = arith.constant 0 : i32
    return %arg0, %c0_i32 : i32, i32
  }
  func.func @transform_1(%arg0: i32) -> (i32, i32, i32) {
    %c0_i32 = arith.constant 0 : i32
    %c0_i32_0 = arith.constant 0 : i32
    %c0_i32_1 = arith.constant 0 : i32
    return %c0_i32, %arg0, %c0_i32_0 : i32, i32, i32
  }
  func.func @transform_2(%arg0: i32) -> (i32, i32, i32) {
    %c0_i32 = arith.constant 0 : i32
    %c0_i32_0 = arith.constant 0 : i32
    %c0_i32_1 = arith.constant 0 : i32
    return %c0_i32, %arg0, %c0_i32_0 : i32, i32, i32
  }
  func.func @transform_3(%arg0: i32) -> (i32, i32) {
    %c0_i32 = arith.constant 0 : i32
    %c0_i32_0 = arith.constant 0 : i32
    return %arg0, %c0_i32 : i32, i32
  }
  func.func @transform_4(%arg0: i32) -> (i32, i32) {
    %c0_i32 = arith.constant 0 : i32
    %c0_i32_0 = arith.constant 0 : i32
    %c0_i32_1 = arith.constant 0 : i32
    return %c0_i32, %c0_i32_0 : i32, i32
  }
  func.func @transform_5(%arg0: i32) -> (i32, i32) {
    %c0_i32 = arith.constant 0 : i32
    %c0_i32_0 = arith.constant 0 : i32
    %c0_i32_1 = arith.constant 0 : i32
    return %c0_i32, %c0_i32_0 : i32, i32
  }
  func.func @transform_6(%arg0: i32) -> (i32, i32) {
    %c0_i32 = arith.constant 0 : i32
    %c0_i32_0 = arith.constant 0 : i32
    %c0_i32_1 = arith.constant 0 : i32
    return %c0_i32, %c0_i32_0 : i32, i32
  }
  func.func @transform_7(%arg0: i32) -> (i32, i32) {
    %c0_i32 = arith.constant 0 : i32
    %c0_i32_0 = arith.constant 0 : i32
    %c0_i32_1 = arith.constant 0 : i32
    return %c0_i32, %c0_i32_0 : i32, i32
  }
  func.func @transform_8(%arg0: i32) -> (i32, i32) {
    %c0_i32 = arith.constant 0 : i32
    %c0_i32_0 = arith.constant 0 : i32
    %c0_i32_1 = arith.constant 0 : i32
    return %c0_i32, %c0_i32_0 : i32, i32
  }
  func.func @transform_9(%arg0: i32) -> (i32, i32) {
    %c0_i32 = arith.constant 0 : i32
    %c0_i32_0 = arith.constant 0 : i32
    %c0_i32_1 = arith.constant 0 : i32
    return %c0_i32, %c0_i32_0 : i32, i32
  }
  func.func @transform_10(%arg0: i32) -> (i32, i32) {
    %c0_i32 = arith.constant 0 : i32
    %c0_i32_0 = arith.constant 0 : i32
    %c0_i32_1 = arith.constant 0 : i32
    return %c0_i32, %c0_i32_0 : i32, i32
  }
  func.func @transform_11(%arg0: i32) -> (i32, i32) {
    %c0_i32 = arith.constant 0 : i32
    %c0_i32_0 = arith.constant 0 : i32
    %c0_i32_1 = arith.constant 0 : i32
    return %c0_i32, %c0_i32_0 : i32, i32
  }
  func.func @transform_12(%arg0: i32) -> (i32, i32) {
    %c0_i32 = arith.constant 0 : i32
    %c0_i32_0 = arith.constant 0 : i32
    %c0_i32_1 = arith.constant 0 : i32
    return %c0_i32, %c0_i32_0 : i32, i32
  }
  func.func @transform_13(%arg0: i32) -> (i32, i32) {
    %c0_i32 = arith.constant 0 : i32
    %c0_i32_0 = arith.constant 0 : i32
    %c0_i32_1 = arith.constant 0 : i32
    return %c0_i32, %c0_i32_0 : i32, i32
  }
  func.func @transform_14(%arg0: i32) -> (i32, i32) {
    %c0_i32 = arith.constant 0 : i32
    %c0_i32_0 = arith.constant 0 : i32
    return %arg0, %c0_i32 : i32, i32
  }
  func.func @transform_15(%arg0: i32) -> (i32, i32, i32) {
    %c0_i32 = arith.constant 0 : i32
    %c0_i32_0 = arith.constant 0 : i32
    %c0_i32_1 = arith.constant 0 : i32
    return %c0_i32, %arg0, %c0_i32_0 : i32, i32, i32
  }
}

module attributes {stable_mosaic.version = 14 : i64} {
  func.func @_tc3_body(%arg0: i32, %arg1: memref<2000x128xf32, #tpu.memory_space<vmem>>, %arg2: memref<2000x128xf32, #tpu.memory_space<vmem>>, %arg3: memref<2x2000x64xf32, #tpu.memory_space<vmem>>, %arg4: memref<2x2000x64xf32, #tpu.memory_space<vmem>>, %arg5: memref<2000x1xf32, #tpu.memory_space<vmem>>, %arg6: memref<1x128xf32, #tpu.memory_space<vmem>>, %arg7: memref<128x768xbf16, #tpu.memory_space<vmem>>, %arg8: memref<192x768xbf16, #tpu.memory_space<vmem>>, %arg9: memref<1x768xf32, #tpu.memory_space<vmem>>, %arg10: memref<128x768xbf16, #tpu.memory_space<vmem>>, %arg11: memref<192x768xbf16, #tpu.memory_space<vmem>>, %arg12: memref<1x768xf32, #tpu.memory_space<vmem>>, %arg13: memref<192x1xf32, #tpu.memory_space<vmem>>, %arg14: memref<192x1xf32, #tpu.memory_space<vmem>>, %arg15: memref<128x7xf32, #tpu.memory_space<vmem>>, %arg16: memref<1x7xf32, #tpu.memory_space<vmem>>, %arg17: memref<2000x7xf32, #tpu.memory_space<vmem>>) attributes {dimension_semantics = [#tpu.dimension_semantics<arbitrary>], iteration_bounds = array<i64: 5>, scalar_prefetch = 0 : i64, scratch_operands = 0 : i64, tpu.core_type = #tpu.core_type<tc>, window_params = [{transform_indices = @transform_0, window_bounds = array<i64: 2000, 128>}, {transform_indices = @transform_1, window_bounds = array<i64: 2000, 128>}, {transform_indices = @transform_2, window_bounds = array<i64: 2, 2000, 64>}, {transform_indices = @transform_3, window_bounds = array<i64: 2, 2000, 64>}, {transform_indices = @transform_4, window_bounds = array<i64: 2000, 1>}, {pipeline_mode = #tpu.pipeline_mode<synchronous>, transform_indices = @transform_5, window_bounds = array<i64: 1, 128>}, {pipeline_mode = #tpu.pipeline_mode<synchronous>, transform_indices = @transform_6, window_bounds = array<i64: 128, 768>}, {pipeline_mode = #tpu.pipeline_mode<synchronous>, transform_indices = @transform_7, window_bounds = array<i64: 192, 768>}, {pipeline_mode = #tpu.pipeline_mode<synchronous>, transform_indices = @transform_8, window_bounds = array<i64: 1, 768>}, {pipeline_mode = #tpu.pipeline_mode<synchronous>, transform_indices = @transform_9, window_bounds = array<i64: 128, 768>}, {pipeline_mode = #tpu.pipeline_mode<synchronous>, transform_indices = @transform_10, window_bounds = array<i64: 192, 768>}, {pipeline_mode = #tpu.pipeline_mode<synchronous>, transform_indices = @transform_11, window_bounds = array<i64: 1, 768>}, {pipeline_mode = #tpu.pipeline_mode<synchronous>, transform_indices = @transform_12, window_bounds = array<i64: 192, 1>}, {pipeline_mode = #tpu.pipeline_mode<synchronous>, transform_indices = @transform_13, window_bounds = array<i64: 192, 1>}, {pipeline_mode = #tpu.pipeline_mode<synchronous>, transform_indices = @transform_14, window_bounds = array<i64: 128, 7>}, {pipeline_mode = #tpu.pipeline_mode<synchronous>, transform_indices = @transform_15, window_bounds = array<i64: 1, 7>}, {transform_indices = @transform_16, window_bounds = array<i64: 2000, 7>}]} {
    %get3A = arith.constant 0 : index
    %get3A_0 = arith.constant 0 : index
    %get3A_1 = vector.load %arg1[%get3A, %get3A_0] : memref<2000x128xf32, #tpu.memory_space<vmem>>, vector<2000x128xf32>
    %get3A_2 = arith.constant 0 : index
    %get3A_3 = arith.constant 0 : index
    %get3A_4 = vector.load %arg2[%get3A_2, %get3A_3] : memref<2000x128xf32, #tpu.memory_space<vmem>>, vector<2000x128xf32>
    %get3A_5 = arith.constant 0 : index
    %get3A_6 = arith.constant 0 : index
    %get3A_7 = arith.constant 0 : index
    %get3A_8 = vector.load %arg4[%get3A_5, %get3A_6, %get3A_7] : memref<2x2000x64xf32, #tpu.memory_space<vmem>>, vector<1x2000x64xf32>
    %get3A_9 = vector.shape_cast %get3A_8 : vector<1x2000x64xf32> to vector<2000x64xf32>
    %get3A_10 = arith.constant 1 : index
    %get3A_11 = arith.constant 0 : index
    %get3A_12 = arith.constant 0 : index
    %get3A_13 = vector.load %arg4[%get3A_10, %get3A_11, %get3A_12] : memref<2x2000x64xf32, #tpu.memory_space<vmem>>, vector<1x2000x64xf32>
    %get3A_14 = vector.shape_cast %get3A_13 : vector<1x2000x64xf32> to vector<2000x64xf32>
    %concatenate3A = tpu.concatenate %get3A_9, %get3A_14 in 1 : vector<2000x64xf32>, vector<2000x64xf32> -> vector<2000x128xf32>
    %get3A_15 = arith.constant 0 : index
    %get3A_16 = arith.constant 0 : index
    %get3A_17 = arith.constant 0 : index
    %get3A_18 = vector.load %arg3[%get3A_15, %get3A_16, %get3A_17] : memref<2x2000x64xf32, #tpu.memory_space<vmem>>, vector<1x2000x64xf32>
    %get3A_19 = vector.shape_cast %get3A_18 : vector<1x2000x64xf32> to vector<2000x64xf32>
    %get3A_20 = arith.constant 1 : index
    %get3A_21 = arith.constant 0 : index
    %get3A_22 = arith.constant 0 : index
    %get3A_23 = vector.load %arg3[%get3A_20, %get3A_21, %get3A_22] : memref<2x2000x64xf32, #tpu.memory_space<vmem>>, vector<1x2000x64xf32>
    %get3A_24 = vector.shape_cast %get3A_23 : vector<1x2000x64xf32> to vector<2000x64xf32>
    %concatenate3A_25 = tpu.concatenate %get3A_19, %get3A_24 in 1 : vector<2000x64xf32>, vector<2000x64xf32> -> vector<2000x128xf32>
    %add3A = arith.addf %concatenate3A, %concatenate3A_25 : vector<2000x128xf32>
    %get3A_26 = arith.constant 0 : index
    %get3A_27 = arith.constant 0 : index
    %get3A_28 = vector.load %arg5[%get3A_26, %get3A_27] : memref<2000x1xf32, #tpu.memory_space<vmem>>, vector<2000x1xf32>
    %mul3A = vector.broadcast %get3A_28 : vector<2000x1xf32> to vector<2000x128xf32>
    %mul3A_29 = arith.mulf %add3A, %mul3A : vector<2000x128xf32>
    %get3A_30 = arith.constant 0 : index
    %get3A_31 = arith.constant 0 : index
    %get3A_32 = vector.load %arg6[%get3A_30, %get3A_31] : memref<1x128xf32, #tpu.memory_space<vmem>>, vector<1x128xf32>
    %add3A_33 = vector.broadcast %get3A_32 : vector<1x128xf32> to vector<2000x128xf32>
    %add3A_34 = arith.addf %mul3A_29, %add3A_33 : vector<2000x128xf32>
    %max3A = arith.constant 0.000000e+00 : f32
    %max3A_35 = vector.broadcast %max3A : f32 to vector<2000x128xf32>
    %max3A_36 = arith.maximumf %add3A_34, %max3A_35 : vector<2000x128xf32>
    %get3A_37 = arith.constant 0 : index
    %get3A_38 = arith.constant 0 : index
    %get3A_39 = vector.load %arg7[%get3A_37, %get3A_38] : memref<128x768xbf16, #tpu.memory_space<vmem>>, vector<128x768xbf16>
    %get3A_40 = arith.constant 0 : index
    %get3A_41 = arith.constant 0 : index
    %get3A_42 = vector.load %arg8[%get3A_40, %get3A_41] : memref<192x768xbf16, #tpu.memory_space<vmem>>, vector<192x768xbf16>
    %get3A_43 = arith.constant 0 : index
    %get3A_44 = arith.constant 0 : index
    %get3A_45 = vector.load %arg9[%get3A_43, %get3A_44] : memref<1x768xf32, #tpu.memory_space<vmem>>, vector<1x768xf32>
    %convert_element_type3A = arith.truncf %get3A_1 : vector<2000x128xf32> to vector<2000x128xbf16>
    %dot_general3A = arith.constant dense<0.000000e+00> : vector<2000x768xf32>
    %dot_general3A_46 = tpu.matmul %convert_element_type3A, %get3A_39, %dot_general3A {dimension_numbers = #tpu.dot_dimension_numbers<[1], [0], [0], [1], [0, 0, 1, 1], [], []>, transpose_lhs_hint = false} : vector<2000x128xbf16>, vector<128x768xbf16>, vector<2000x768xf32> -> vector<2000x768xf32>
    %add3A_47 = vector.broadcast %get3A_45 : vector<1x768xf32> to vector<2000x768xf32>
    %add3A_48 = arith.addf %dot_general3A_46, %add3A_47 : vector<2000x768xf32>
    %slice3A = vector.extract_strided_slice %add3A_48 {offsets = [0, 0], sizes = [2000, 192], strides = [1, 1]} : vector<2000x768xf32> to vector<2000x192xf32>
    %logistic3A = arith.negf %slice3A : vector<2000x192xf32>
    %logistic3A_49 = math.exp %logistic3A : vector<2000x192xf32>
    %logistic3A_50 = arith.constant 1.000000e+00 : f32
    %logistic3A_51 = vector.broadcast %logistic3A_50 : f32 to vector<2000x192xf32>
    %logistic3A_52 = arith.addf %logistic3A_51, %logistic3A_49 : vector<2000x192xf32>
    %logistic3A_53 = arith.divf %logistic3A_51, %logistic3A_52 : vector<2000x192xf32>
    %slice3A_54 = vector.extract_strided_slice %add3A_48 {offsets = [0, 384], sizes = [2000, 192], strides = [1, 1]} : vector<2000x768xf32> to vector<2000x192xf32>
    %tanh3A = math.tanh %slice3A_54 : vector<2000x192xf32>
    %slice3A_55 = vector.extract_strided_slice %add3A_48 {offsets = [0, 576], sizes = [2000, 192], strides = [1, 1]} : vector<2000x768xf32> to vector<2000x192xf32>
    %logistic3A_56 = arith.negf %slice3A_55 : vector<2000x192xf32>
    %logistic3A_57 = math.exp %logistic3A_56 : vector<2000x192xf32>
    %logistic3A_58 = arith.constant 1.000000e+00 : f32
    %logistic3A_59 = vector.broadcast %logistic3A_58 : f32 to vector<2000x192xf32>
    %logistic3A_60 = arith.addf %logistic3A_59, %logistic3A_57 : vector<2000x192xf32>
    %logistic3A_61 = arith.divf %logistic3A_59, %logistic3A_60 : vector<2000x192xf32>
    %mul3A_62 = arith.mulf %logistic3A_53, %tanh3A : vector<2000x192xf32>
    %tanh3A_63 = math.tanh %mul3A_62 : vector<2000x192xf32>
    %mul3A_64 = arith.mulf %logistic3A_61, %tanh3A_63 : vector<2000x192xf32>
    %convert_element_type3A_65 = arith.truncf %get3A_4 : vector<2000x128xf32> to vector<2000x128xbf16>
    %dot_general3A_66 = arith.constant dense<0.000000e+00> : vector<2000x768xf32>
    %dot_general3A_67 = tpu.matmul %convert_element_type3A_65, %get3A_39, %dot_general3A_66 {dimension_numbers = #tpu.dot_dimension_numbers<[1], [0], [0], [1], [0, 0, 1, 1], [], []>, transpose_lhs_hint = false} : vector<2000x128xbf16>, vector<128x768xbf16>, vector<2000x768xf32> -> vector<2000x768xf32>
    %add3A_68 = vector.broadcast %get3A_45 : vector<1x768xf32> to vector<2000x768xf32>
    %add3A_69 = arith.addf %dot_general3A_67, %add3A_68 : vector<2000x768xf32>
    %convert_element_type3A_70 = arith.truncf %mul3A_64 : vector<2000x192xf32> to vector<2000x192xbf16>
    %dot_general3A_71 = arith.constant dense<0.000000e+00> : vector<2000x768xf32>
    %dot_general3A_72 = tpu.matmul %convert_element_type3A_70, %get3A_42, %dot_general3A_71 {dimension_numbers = #tpu.dot_dimension_numbers<[1], [0], [0], [1], [0, 0, 1, 1], [], []>, transpose_lhs_hint = false} : vector<2000x192xbf16>, vector<192x768xbf16>, vector<2000x768xf32> -> vector<2000x768xf32>
    %add3A_73 = arith.addf %add3A_69, %dot_general3A_72 : vector<2000x768xf32>
    %slice3A_74 = vector.extract_strided_slice %add3A_73 {offsets = [0, 0], sizes = [2000, 192], strides = [1, 1]} : vector<2000x768xf32> to vector<2000x192xf32>
    %logistic3A_75 = arith.negf %slice3A_74 : vector<2000x192xf32>
    %logistic3A_76 = math.exp %logistic3A_75 : vector<2000x192xf32>
    %logistic3A_77 = arith.constant 1.000000e+00 : f32
    %logistic3A_78 = vector.broadcast %logistic3A_77 : f32 to vector<2000x192xf32>
    %logistic3A_79 = arith.addf %logistic3A_78, %logistic3A_76 : vector<2000x192xf32>
    %logistic3A_80 = arith.divf %logistic3A_78, %logistic3A_79 : vector<2000x192xf32>
    %slice3A_81 = vector.extract_strided_slice %add3A_73 {offsets = [0, 192], sizes = [2000, 192], strides = [1, 1]} : vector<2000x768xf32> to vector<2000x192xf32>
    %logistic3A_82 = arith.negf %slice3A_81 : vector<2000x192xf32>
    %logistic3A_83 = math.exp %logistic3A_82 : vector<2000x192xf32>
    %logistic3A_84 = arith.constant 1.000000e+00 : f32
    %logistic3A_85 = vector.broadcast %logistic3A_84 : f32 to vector<2000x192xf32>
    %logistic3A_86 = arith.addf %logistic3A_85, %logistic3A_83 : vector<2000x192xf32>
    %logistic3A_87 = arith.divf %logistic3A_85, %logistic3A_86 : vector<2000x192xf32>
    %slice3A_88 = vector.extract_strided_slice %add3A_73 {offsets = [0, 384], sizes = [2000, 192], strides = [1, 1]} : vector<2000x768xf32> to vector<2000x192xf32>
    %tanh3A_89 = math.tanh %slice3A_88 : vector<2000x192xf32>
    %slice3A_90 = vector.extract_strided_slice %add3A_73 {offsets = [0, 576], sizes = [2000, 192], strides = [1, 1]} : vector<2000x768xf32> to vector<2000x192xf32>
    %logistic3A_91 = arith.negf %slice3A_90 : vector<2000x192xf32>
    %logistic3A_92 = math.exp %logistic3A_91 : vector<2000x192xf32>
    %logistic3A_93 = arith.constant 1.000000e+00 : f32
    %logistic3A_94 = vector.broadcast %logistic3A_93 : f32 to vector<2000x192xf32>
    %logistic3A_95 = arith.addf %logistic3A_94, %logistic3A_92 : vector<2000x192xf32>
    %logistic3A_96 = arith.divf %logistic3A_94, %logistic3A_95 : vector<2000x192xf32>
    %mul3A_97 = arith.mulf %logistic3A_87, %mul3A_62 : vector<2000x192xf32>
    %mul3A_98 = arith.mulf %logistic3A_80, %tanh3A_89 : vector<2000x192xf32>
    %add3A_99 = arith.addf %mul3A_97, %mul3A_98 : vector<2000x192xf32>
    %tanh3A_100 = math.tanh %add3A_99 : vector<2000x192xf32>
    %mul3A_101 = arith.mulf %logistic3A_96, %tanh3A_100 : vector<2000x192xf32>
    %convert_element_type3A_102 = arith.truncf %max3A_36 : vector<2000x128xf32> to vector<2000x128xbf16>
    %dot_general3A_103 = arith.constant dense<0.000000e+00> : vector<2000x768xf32>
    %dot_general3A_104 = tpu.matmul %convert_element_type3A_102, %get3A_39, %dot_general3A_103 {dimension_numbers = #tpu.dot_dimension_numbers<[1], [0], [0], [1], [0, 0, 1, 1], [], []>, transpose_lhs_hint = false} : vector<2000x128xbf16>, vector<128x768xbf16>, vector<2000x768xf32> -> vector<2000x768xf32>
    %add3A_105 = vector.broadcast %get3A_45 : vector<1x768xf32> to vector<2000x768xf32>
    %add3A_106 = arith.addf %dot_general3A_104, %add3A_105 : vector<2000x768xf32>
    %convert_element_type3A_107 = arith.truncf %mul3A_101 : vector<2000x192xf32> to vector<2000x192xbf16>
    %dot_general3A_108 = arith.constant dense<0.000000e+00> : vector<2000x768xf32>
    %dot_general3A_109 = tpu.matmul %convert_element_type3A_107, %get3A_42, %dot_general3A_108 {dimension_numbers = #tpu.dot_dimension_numbers<[1], [0], [0], [1], [0, 0, 1, 1], [], []>, transpose_lhs_hint = false} : vector<2000x192xbf16>, vector<192x768xbf16>, vector<2000x768xf32> -> vector<2000x768xf32>
    %add3A_110 = arith.addf %add3A_106, %dot_general3A_109 : vector<2000x768xf32>
    %slice3A_111 = vector.extract_strided_slice %add3A_110 {offsets = [0, 0], sizes = [2000, 192], strides = [1, 1]} : vector<2000x768xf32> to vector<2000x192xf32>
    %logistic3A_112 = arith.negf %slice3A_111 : vector<2000x192xf32>
    %logistic3A_113 = math.exp %logistic3A_112 : vector<2000x192xf32>
    %logistic3A_114 = arith.constant 1.000000e+00 : f32
    %logistic3A_115 = vector.broadcast %logistic3A_114 : f32 to vector<2000x192xf32>
    %logistic3A_116 = arith.addf %logistic3A_115, %logistic3A_113 : vector<2000x192xf32>
    %logistic3A_117 = arith.divf %logistic3A_115, %logistic3A_116 : vector<2000x192xf32>
    %slice3A_118 = vector.extract_strided_slice %add3A_110 {offsets = [0, 192], sizes = [2000, 192], strides = [1, 1]} : vector<2000x768xf32> to vector<2000x192xf32>
    %logistic3A_119 = arith.negf %slice3A_118 : vector<2000x192xf32>
    %logistic3A_120 = math.exp %logistic3A_119 : vector<2000x192xf32>
    %logistic3A_121 = arith.constant 1.000000e+00 : f32
    %logistic3A_122 = vector.broadcast %logistic3A_121 : f32 to vector<2000x192xf32>
    %logistic3A_123 = arith.addf %logistic3A_122, %logistic3A_120 : vector<2000x192xf32>
    %logistic3A_124 = arith.divf %logistic3A_122, %logistic3A_123 : vector<2000x192xf32>
    %slice3A_125 = vector.extract_strided_slice %add3A_110 {offsets = [0, 384], sizes = [2000, 192], strides = [1, 1]} : vector<2000x768xf32> to vector<2000x192xf32>
    %tanh3A_126 = math.tanh %slice3A_125 : vector<2000x192xf32>
    %slice3A_127 = vector.extract_strided_slice %add3A_110 {offsets = [0, 576], sizes = [2000, 192], strides = [1, 1]} : vector<2000x768xf32> to vector<2000x192xf32>
    %logistic3A_128 = arith.negf %slice3A_127 : vector<2000x192xf32>
    %logistic3A_129 = math.exp %logistic3A_128 : vector<2000x192xf32>
    %logistic3A_130 = arith.constant 1.000000e+00 : f32
    %logistic3A_131 = vector.broadcast %logistic3A_130 : f32 to vector<2000x192xf32>
    %logistic3A_132 = arith.addf %logistic3A_131, %logistic3A_129 : vector<2000x192xf32>
    %logistic3A_133 = arith.divf %logistic3A_131, %logistic3A_132 : vector<2000x192xf32>
    %mul3A_134 = arith.mulf %logistic3A_124, %add3A_99 : vector<2000x192xf32>
    %mul3A_135 = arith.mulf %logistic3A_117, %tanh3A_126 : vector<2000x192xf32>
    %add3A_136 = arith.addf %mul3A_134, %mul3A_135 : vector<2000x192xf32>
    %tanh3A_137 = math.tanh %add3A_136 : vector<2000x192xf32>
    %mul3A_138 = arith.mulf %logistic3A_133, %tanh3A_137 : vector<2000x192xf32>
    %get3A_139 = arith.constant 0 : index
    %get3A_140 = arith.constant 0 : index
    %get3A_141 = vector.load %arg10[%get3A_139, %get3A_140] : memref<128x768xbf16, #tpu.memory_space<vmem>>, vector<128x768xbf16>
    %get3A_142 = arith.constant 0 : index
    %get3A_143 = arith.constant 0 : index
    %get3A_144 = vector.load %arg11[%get3A_142, %get3A_143] : memref<192x768xbf16, #tpu.memory_space<vmem>>, vector<192x768xbf16>
    %get3A_145 = arith.constant 0 : index
    %get3A_146 = arith.constant 0 : index
    %get3A_147 = vector.load %arg12[%get3A_145, %get3A_146] : memref<1x768xf32, #tpu.memory_space<vmem>>, vector<1x768xf32>
    %convert_element_type3A_148 = arith.truncf %max3A_36 : vector<2000x128xf32> to vector<2000x128xbf16>
    %dot_general3A_149 = arith.constant dense<0.000000e+00> : vector<2000x768xf32>
    %dot_general3A_150 = tpu.matmul %convert_element_type3A_148, %get3A_141, %dot_general3A_149 {dimension_numbers = #tpu.dot_dimension_numbers<[1], [0], [0], [1], [0, 0, 1, 1], [], []>, transpose_lhs_hint = false} : vector<2000x128xbf16>, vector<128x768xbf16>, vector<2000x768xf32> -> vector<2000x768xf32>
    %add3A_151 = vector.broadcast %get3A_147 : vector<1x768xf32> to vector<2000x768xf32>
    %add3A_152 = arith.addf %dot_general3A_150, %add3A_151 : vector<2000x768xf32>
    %slice3A_153 = vector.extract_strided_slice %add3A_152 {offsets = [0, 0], sizes = [2000, 192], strides = [1, 1]} : vector<2000x768xf32> to vector<2000x192xf32>
    %logistic3A_154 = arith.negf %slice3A_153 : vector<2000x192xf32>
    %logistic3A_155 = math.exp %logistic3A_154 : vector<2000x192xf32>
    %logistic3A_156 = arith.constant 1.000000e+00 : f32
    %logistic3A_157 = vector.broadcast %logistic3A_156 : f32 to vector<2000x192xf32>
    %logistic3A_158 = arith.addf %logistic3A_157, %logistic3A_155 : vector<2000x192xf32>
    %logistic3A_159 = arith.divf %logistic3A_157, %logistic3A_158 : vector<2000x192xf32>
    %slice3A_160 = vector.extract_strided_slice %add3A_152 {offsets = [0, 384], sizes = [2000, 192], strides = [1, 1]} : vector<2000x768xf32> to vector<2000x192xf32>
    %tanh3A_161 = math.tanh %slice3A_160 : vector<2000x192xf32>
    %slice3A_162 = vector.extract_strided_slice %add3A_152 {offsets = [0, 576], sizes = [2000, 192], strides = [1, 1]} : vector<2000x768xf32> to vector<2000x192xf32>
    %logistic3A_163 = arith.negf %slice3A_162 : vector<2000x192xf32>
    %logistic3A_164 = math.exp %logistic3A_163 : vector<2000x192xf32>
    %logistic3A_165 = arith.constant 1.000000e+00 : f32
    %logistic3A_166 = vector.broadcast %logistic3A_165 : f32 to vector<2000x192xf32>
    %logistic3A_167 = arith.addf %logistic3A_166, %logistic3A_164 : vector<2000x192xf32>
    %logistic3A_168 = arith.divf %logistic3A_166, %logistic3A_167 : vector<2000x192xf32>
    %mul3A_169 = arith.mulf %logistic3A_159, %tanh3A_161 : vector<2000x192xf32>
    %tanh3A_170 = math.tanh %mul3A_169 : vector<2000x192xf32>
    %mul3A_171 = arith.mulf %logistic3A_168, %tanh3A_170 : vector<2000x192xf32>
    %convert_element_type3A_172 = arith.truncf %get3A_4 : vector<2000x128xf32> to vector<2000x128xbf16>
    %dot_general3A_173 = arith.constant dense<0.000000e+00> : vector<2000x768xf32>
    %dot_general3A_174 = tpu.matmul %convert_element_type3A_172, %get3A_141, %dot_general3A_173 {dimension_numbers = #tpu.dot_dimension_numbers<[1], [0], [0], [1], [0, 0, 1, 1], [], []>, transpose_lhs_hint = false} : vector<2000x128xbf16>, vector<128x768xbf16>, vector<2000x768xf32> -> vector<2000x768xf32>
    %add3A_175 = vector.broadcast %get3A_147 : vector<1x768xf32> to vector<2000x768xf32>
    %add3A_176 = arith.addf %dot_general3A_174, %add3A_175 : vector<2000x768xf32>
    %convert_element_type3A_177 = arith.truncf %mul3A_171 : vector<2000x192xf32> to vector<2000x192xbf16>
    %dot_general3A_178 = arith.constant dense<0.000000e+00> : vector<2000x768xf32>
    %dot_general3A_179 = tpu.matmul %convert_element_type3A_177, %get3A_144, %dot_general3A_178 {dimension_numbers = #tpu.dot_dimension_numbers<[1], [0], [0], [1], [0, 0, 1, 1], [], []>, transpose_lhs_hint = false} : vector<2000x192xbf16>, vector<192x768xbf16>, vector<2000x768xf32> -> vector<2000x768xf32>
    %add3A_180 = arith.addf %add3A_176, %dot_general3A_179 : vector<2000x768xf32>
    %slice3A_181 = vector.extract_strided_slice %add3A_180 {offsets = [0, 0], sizes = [2000, 192], strides = [1, 1]} : vector<2000x768xf32> to vector<2000x192xf32>
    %logistic3A_182 = arith.negf %slice3A_181 : vector<2000x192xf32>
    %logistic3A_183 = math.exp %logistic3A_182 : vector<2000x192xf32>
    %logistic3A_184 = arith.constant 1.000000e+00 : f32
    %logistic3A_185 = vector.broadcast %logistic3A_184 : f32 to vector<2000x192xf32>
    %logistic3A_186 = arith.addf %logistic3A_185, %logistic3A_183 : vector<2000x192xf32>
    %logistic3A_187 = arith.divf %logistic3A_185, %logistic3A_186 : vector<2000x192xf32>
    %slice3A_188 = vector.extract_strided_slice %add3A_180 {offsets = [0, 192], sizes = [2000, 192], strides = [1, 1]} : vector<2000x768xf32> to vector<2000x192xf32>
    %logistic3A_189 = arith.negf %slice3A_188 : vector<2000x192xf32>
    %logistic3A_190 = math.exp %logistic3A_189 : vector<2000x192xf32>
    %logistic3A_191 = arith.constant 1.000000e+00 : f32
    %logistic3A_192 = vector.broadcast %logistic3A_191 : f32 to vector<2000x192xf32>
    %logistic3A_193 = arith.addf %logistic3A_192, %logistic3A_190 : vector<2000x192xf32>
    %logistic3A_194 = arith.divf %logistic3A_192, %logistic3A_193 : vector<2000x192xf32>
    %slice3A_195 = vector.extract_strided_slice %add3A_180 {offsets = [0, 384], sizes = [2000, 192], strides = [1, 1]} : vector<2000x768xf32> to vector<2000x192xf32>
    %tanh3A_196 = math.tanh %slice3A_195 : vector<2000x192xf32>
    %slice3A_197 = vector.extract_strided_slice %add3A_180 {offsets = [0, 576], sizes = [2000, 192], strides = [1, 1]} : vector<2000x768xf32> to vector<2000x192xf32>
    %logistic3A_198 = arith.negf %slice3A_197 : vector<2000x192xf32>
    %logistic3A_199 = math.exp %logistic3A_198 : vector<2000x192xf32>
    %logistic3A_200 = arith.constant 1.000000e+00 : f32
    %logistic3A_201 = vector.broadcast %logistic3A_200 : f32 to vector<2000x192xf32>
    %logistic3A_202 = arith.addf %logistic3A_201, %logistic3A_199 : vector<2000x192xf32>
    %logistic3A_203 = arith.divf %logistic3A_201, %logistic3A_202 : vector<2000x192xf32>
    %mul3A_204 = arith.mulf %logistic3A_194, %mul3A_169 : vector<2000x192xf32>
    %mul3A_205 = arith.mulf %logistic3A_187, %tanh3A_196 : vector<2000x192xf32>
    %add3A_206 = arith.addf %mul3A_204, %mul3A_205 : vector<2000x192xf32>
    %tanh3A_207 = math.tanh %add3A_206 : vector<2000x192xf32>
    %mul3A_208 = arith.mulf %logistic3A_203, %tanh3A_207 : vector<2000x192xf32>
    %convert_element_type3A_209 = arith.truncf %get3A_1 : vector<2000x128xf32> to vector<2000x128xbf16>
    %dot_general3A_210 = arith.constant dense<0.000000e+00> : vector<2000x768xf32>
    %dot_general3A_211 = tpu.matmul %convert_element_type3A_209, %get3A_141, %dot_general3A_210 {dimension_numbers = #tpu.dot_dimension_numbers<[1], [0], [0], [1], [0, 0, 1, 1], [], []>, transpose_lhs_hint = false} : vector<2000x128xbf16>, vector<128x768xbf16>, vector<2000x768xf32> -> vector<2000x768xf32>
    %add3A_212 = vector.broadcast %get3A_147 : vector<1x768xf32> to vector<2000x768xf32>
    %add3A_213 = arith.addf %dot_general3A_211, %add3A_212 : vector<2000x768xf32>
    %convert_element_type3A_214 = arith.truncf %mul3A_208 : vector<2000x192xf32> to vector<2000x192xbf16>
    %dot_general3A_215 = arith.constant dense<0.000000e+00> : vector<2000x768xf32>
    %dot_general3A_216 = tpu.matmul %convert_element_type3A_214, %get3A_144, %dot_general3A_215 {dimension_numbers = #tpu.dot_dimension_numbers<[1], [0], [0], [1], [0, 0, 1, 1], [], []>, transpose_lhs_hint = false} : vector<2000x192xbf16>, vector<192x768xbf16>, vector<2000x768xf32> -> vector<2000x768xf32>
    %add3A_217 = arith.addf %add3A_213, %dot_general3A_216 : vector<2000x768xf32>
    %slice3A_218 = vector.extract_strided_slice %add3A_217 {offsets = [0, 0], sizes = [2000, 192], strides = [1, 1]} : vector<2000x768xf32> to vector<2000x192xf32>
    %logistic3A_219 = arith.negf %slice3A_218 : vector<2000x192xf32>
    %logistic3A_220 = math.exp %logistic3A_219 : vector<2000x192xf32>
    %logistic3A_221 = arith.constant 1.000000e+00 : f32
    %logistic3A_222 = vector.broadcast %logistic3A_221 : f32 to vector<2000x192xf32>
    %logistic3A_223 = arith.addf %logistic3A_222, %logistic3A_220 : vector<2000x192xf32>
    %logistic3A_224 = arith.divf %logistic3A_222, %logistic3A_223 : vector<2000x192xf32>
    %slice3A_225 = vector.extract_strided_slice %add3A_217 {offsets = [0, 192], sizes = [2000, 192], strides = [1, 1]} : vector<2000x768xf32> to vector<2000x192xf32>
    %logistic3A_226 = arith.negf %slice3A_225 : vector<2000x192xf32>
    %logistic3A_227 = math.exp %logistic3A_226 : vector<2000x192xf32>
    %logistic3A_228 = arith.constant 1.000000e+00 : f32
    %logistic3A_229 = vector.broadcast %logistic3A_228 : f32 to vector<2000x192xf32>
    %logistic3A_230 = arith.addf %logistic3A_229, %logistic3A_227 : vector<2000x192xf32>
    %logistic3A_231 = arith.divf %logistic3A_229, %logistic3A_230 : vector<2000x192xf32>
    %slice3A_232 = vector.extract_strided_slice %add3A_217 {offsets = [0, 384], sizes = [2000, 192], strides = [1, 1]} : vector<2000x768xf32> to vector<2000x192xf32>
    %tanh3A_233 = math.tanh %slice3A_232 : vector<2000x192xf32>
    %slice3A_234 = vector.extract_strided_slice %add3A_217 {offsets = [0, 576], sizes = [2000, 192], strides = [1, 1]} : vector<2000x768xf32> to vector<2000x192xf32>
    %logistic3A_235 = arith.negf %slice3A_234 : vector<2000x192xf32>
    %logistic3A_236 = math.exp %logistic3A_235 : vector<2000x192xf32>
    %logistic3A_237 = arith.constant 1.000000e+00 : f32
    %logistic3A_238 = vector.broadcast %logistic3A_237 : f32 to vector<2000x192xf32>
    %logistic3A_239 = arith.addf %logistic3A_238, %logistic3A_236 : vector<2000x192xf32>
    %logistic3A_240 = arith.divf %logistic3A_238, %logistic3A_239 : vector<2000x192xf32>
    %mul3A_241 = arith.mulf %logistic3A_231, %add3A_206 : vector<2000x192xf32>
    %mul3A_242 = arith.mulf %logistic3A_224, %tanh3A_233 : vector<2000x192xf32>
    %add3A_243 = arith.addf %mul3A_241, %mul3A_242 : vector<2000x192xf32>
    %tanh3A_244 = math.tanh %add3A_243 : vector<2000x192xf32>
    %mul3A_245 = arith.mulf %logistic3A_240, %tanh3A_244 : vector<2000x192xf32>
    %get3A_246 = arith.constant 0 : index
    %get3A_247 = arith.constant 0 : index
    %get3A_248 = vector.load %arg13[%get3A_246, %get3A_247] : memref<192x1xf32, #tpu.memory_space<vmem>>, vector<192x1xf32>
    %get3A_249 = arith.constant 0 : index
    %get3A_250 = arith.constant 0 : index
    %get3A_251 = vector.load %arg14[%get3A_249, %get3A_250] : memref<192x1xf32, #tpu.memory_space<vmem>>, vector<192x1xf32>
    %dot_general3A_252 = arith.constant dense<0.000000e+00> : vector<2000x1xf32>
    %dot_general3A_253 = tpu.matmul %mul3A_64, %get3A_248, %dot_general3A_252 {dimension_numbers = #tpu.dot_dimension_numbers<[1], [0], [0], [1], [0, 0, 1, 1], [], []>, transpose_lhs_hint = false} : vector<2000x192xf32>, vector<192x1xf32>, vector<2000x1xf32> -> vector<2000x1xf32>
    %dot_general3A_254 = arith.constant dense<0.000000e+00> : vector<2000x1xf32>
    %dot_general3A_255 = tpu.matmul %mul3A_245, %get3A_251, %dot_general3A_254 {dimension_numbers = #tpu.dot_dimension_numbers<[1], [0], [0], [1], [0, 0, 1, 1], [], []>, transpose_lhs_hint = false} : vector<2000x192xf32>, vector<192x1xf32>, vector<2000x1xf32> -> vector<2000x1xf32>
    %add3A_256 = arith.addf %dot_general3A_253, %dot_general3A_255 : vector<2000x1xf32>
    %dot_general3A_257 = arith.constant dense<0.000000e+00> : vector<2000x1xf32>
    %dot_general3A_258 = tpu.matmul %mul3A_101, %get3A_248, %dot_general3A_257 {dimension_numbers = #tpu.dot_dimension_numbers<[1], [0], [0], [1], [0, 0, 1, 1], [], []>, transpose_lhs_hint = false} : vector<2000x192xf32>, vector<192x1xf32>, vector<2000x1xf32> -> vector<2000x1xf32>
    %dot_general3A_259 = arith.constant dense<0.000000e+00> : vector<2000x1xf32>
    %dot_general3A_260 = tpu.matmul %mul3A_208, %get3A_251, %dot_general3A_259 {dimension_numbers = #tpu.dot_dimension_numbers<[1], [0], [0], [1], [0, 0, 1, 1], [], []>, transpose_lhs_hint = false} : vector<2000x192xf32>, vector<192x1xf32>, vector<2000x1xf32> -> vector<2000x1xf32>
    %add3A_261 = arith.addf %dot_general3A_258, %dot_general3A_260 : vector<2000x1xf32>
    %dot_general3A_262 = arith.constant dense<0.000000e+00> : vector<2000x1xf32>
    %dot_general3A_263 = tpu.matmul %mul3A_138, %get3A_248, %dot_general3A_262 {dimension_numbers = #tpu.dot_dimension_numbers<[1], [0], [0], [1], [0, 0, 1, 1], [], []>, transpose_lhs_hint = false} : vector<2000x192xf32>, vector<192x1xf32>, vector<2000x1xf32> -> vector<2000x1xf32>
    %dot_general3A_264 = arith.constant dense<0.000000e+00> : vector<2000x1xf32>
    %dot_general3A_265 = tpu.matmul %mul3A_171, %get3A_251, %dot_general3A_264 {dimension_numbers = #tpu.dot_dimension_numbers<[1], [0], [0], [1], [0, 0, 1, 1], [], []>, transpose_lhs_hint = false} : vector<2000x192xf32>, vector<192x1xf32>, vector<2000x1xf32> -> vector<2000x1xf32>
    %add3A_266 = arith.addf %dot_general3A_263, %dot_general3A_265 : vector<2000x1xf32>
    %max3A_267 = arith.maximumf %add3A_256, %add3A_261 : vector<2000x1xf32>
    %max3A_268 = arith.maximumf %max3A_267, %add3A_266 : vector<2000x1xf32>
    %sub3A = arith.subf %add3A_256, %max3A_268 : vector<2000x1xf32>
    %exp3A = math.exp %sub3A : vector<2000x1xf32>
    %sub3A_269 = arith.subf %add3A_261, %max3A_268 : vector<2000x1xf32>
    %exp3A_270 = math.exp %sub3A_269 : vector<2000x1xf32>
    %sub3A_271 = arith.subf %add3A_266, %max3A_268 : vector<2000x1xf32>
    %exp3A_272 = math.exp %sub3A_271 : vector<2000x1xf32>
    %mul3A_273 = vector.broadcast %exp3A : vector<2000x1xf32> to vector<2000x128xf32>
    %mul3A_274 = arith.mulf %mul3A_273, %get3A_1 : vector<2000x128xf32>
    %mul3A_275 = vector.broadcast %exp3A_270 : vector<2000x1xf32> to vector<2000x128xf32>
    %mul3A_276 = arith.mulf %mul3A_275, %get3A_4 : vector<2000x128xf32>
    %add3A_277 = arith.addf %mul3A_274, %mul3A_276 : vector<2000x128xf32>
    %mul3A_278 = vector.broadcast %exp3A_272 : vector<2000x1xf32> to vector<2000x128xf32>
    %mul3A_279 = arith.mulf %mul3A_278, %max3A_36 : vector<2000x128xf32>
    %add3A_280 = arith.addf %add3A_277, %mul3A_279 : vector<2000x128xf32>
    %add3A_281 = arith.addf %exp3A, %exp3A_270 : vector<2000x1xf32>
    %add3A_282 = arith.addf %add3A_281, %exp3A_272 : vector<2000x1xf32>
    %div3A = vector.broadcast %add3A_282 : vector<2000x1xf32> to vector<2000x128xf32>
    %div3A_283 = arith.divf %add3A_280, %div3A : vector<2000x128xf32>
    %get3A_284 = arith.constant 0 : index
    %get3A_285 = arith.constant 0 : index
    %get3A_286 = vector.load %arg15[%get3A_284, %get3A_285] : memref<128x7xf32, #tpu.memory_space<vmem>>, vector<128x7xf32>
    %dot_general3A_287 = arith.constant dense<0.000000e+00> : vector<2000x7xf32>
    %dot_general3A_288 = tpu.matmul %div3A_283, %get3A_286, %dot_general3A_287 {dimension_numbers = #tpu.dot_dimension_numbers<[1], [0], [0], [1], [0, 0, 1, 1], [], []>, transpose_lhs_hint = false} : vector<2000x128xf32>, vector<128x7xf32>, vector<2000x7xf32> -> vector<2000x7xf32>
    %get3A_289 = arith.constant 0 : index
    %get3A_290 = arith.constant 0 : index
    %get3A_291 = vector.load %arg16[%get3A_289, %get3A_290] : memref<1x7xf32, #tpu.memory_space<vmem>>, vector<1x7xf32>
    %add3A_292 = vector.broadcast %get3A_291 : vector<1x7xf32> to vector<2000x7xf32>
    %add3A_293 = arith.addf %dot_general3A_288, %add3A_292 : vector<2000x7xf32>
    %reduce_max3A = arith.constant dense<0xFF800000> : vector<2000xf32>
    %reduce_max3A_294 = vector.multi_reduction <maximumf>, %add3A_293, %reduce_max3A [1] : vector<2000x7xf32> to vector<2000xf32>
    %broadcast_in_dim3A = vector.shape_cast %reduce_max3A_294 : vector<2000xf32> to vector<2000x1xf32>
    %sub3A_295 = vector.broadcast %broadcast_in_dim3A : vector<2000x1xf32> to vector<2000x7xf32>
    %sub3A_296 = arith.subf %add3A_293, %sub3A_295 : vector<2000x7xf32>
    %exp3A_297 = math.exp %sub3A_296 : vector<2000x7xf32>
    %reduce_sum3A = arith.constant dense<0.000000e+00> : vector<2000xf32>
    %reduce_sum3A_298 = vector.multi_reduction <add>, %exp3A_297, %reduce_sum3A [1] : vector<2000x7xf32> to vector<2000xf32>
    %broadcast_in_dim3A_299 = vector.shape_cast %reduce_sum3A_298 : vector<2000xf32> to vector<2000x1xf32>
    %log3A = math.log %broadcast_in_dim3A_299 : vector<2000x1xf32>
    %sub3A_300 = vector.broadcast %log3A : vector<2000x1xf32> to vector<2000x7xf32>
    %sub3A_301 = arith.subf %sub3A_296, %sub3A_300 : vector<2000x7xf32>
    %swap3A = arith.constant 0 : index
    %swap3A_302 = arith.constant 0 : index
    %swap3A_303 = vector.load %arg17[%swap3A, %swap3A_302] : memref<2000x7xf32, #tpu.memory_space<vmem>>, vector<2000x7xf32>
    tpu.vector_store %arg17[%swap3A, %swap3A_302], %sub3A_301 {strides = array<i32>} : memref<2000x7xf32, #tpu.memory_space<vmem>>, vector<2000x7xf32>,
    return
  }
  func.func @transform_0(%arg0: i32) -> (i32, i32) {
    %c0_i32 = arith.constant 0 : i32
    %c0_i32_0 = arith.constant 0 : i32
    return %arg0, %c0_i32 : i32, i32
  }
  func.func @transform_1(%arg0: i32) -> (i32, i32) {
    %c0_i32 = arith.constant 0 : i32
    %c0_i32_0 = arith.constant 0 : i32
    return %arg0, %c0_i32 : i32, i32
  }
  func.func @transform_2(%arg0: i32) -> (i32, i32, i32) {
    %c0_i32 = arith.constant 0 : i32
    %c0_i32_0 = arith.constant 0 : i32
    %c0_i32_1 = arith.constant 0 : i32
    return %c0_i32, %arg0, %c0_i32_0 : i32, i32, i32
  }
  func.func @transform_3(%arg0: i32) -> (i32, i32, i32) {
    %c0_i32 = arith.constant 0 : i32
    %c0_i32_0 = arith.constant 0 : i32
    %c0_i32_1 = arith.constant 0 : i32
    return %c0_i32, %arg0, %c0_i32_0 : i32, i32, i32
  }
  func.func @transform_4(%arg0: i32) -> (i32, i32) {
    %c0_i32 = arith.constant 0 : i32
    %c0_i32_0 = arith.constant 0 : i32
    return %arg0, %c0_i32 : i32, i32
  }
  func.func @transform_5(%arg0: i32) -> (i32, i32) {
    %c0_i32 = arith.constant 0 : i32
    %c0_i32_0 = arith.constant 0 : i32
    %c0_i32_1 = arith.constant 0 : i32
    return %c0_i32, %c0_i32_0 : i32, i32
  }
  func.func @transform_6(%arg0: i32) -> (i32, i32) {
    %c0_i32 = arith.constant 0 : i32
    %c0_i32_0 = arith.constant 0 : i32
    %c0_i32_1 = arith.constant 0 : i32
    return %c0_i32, %c0_i32_0 : i32, i32
  }
  func.func @transform_7(%arg0: i32) -> (i32, i32) {
    %c0_i32 = arith.constant 0 : i32
    %c0_i32_0 = arith.constant 0 : i32
    %c0_i32_1 = arith.constant 0 : i32
    return %c0_i32, %c0_i32_0 : i32, i32
  }
  func.func @transform_8(%arg0: i32) -> (i32, i32) {
    %c0_i32 = arith.constant 0 : i32
    %c0_i32_0 = arith.constant 0 : i32
    %c0_i32_1 = arith.constant 0 : i32
    return %c0_i32, %c0_i32_0 : i32, i32
  }
  func.func @transform_9(%arg0: i32) -> (i32, i32) {
    %c0_i32 = arith.constant 0 : i32
    %c0_i32_0 = arith.constant 0 : i32
    %c0_i32_1 = arith.constant 0 : i32
    return %c0_i32, %c0_i32_0 : i32, i32
  }
  func.func @transform_10(%arg0: i32) -> (i32, i32) {
    %c0_i32 = arith.constant 0 : i32
    %c0_i32_0 = arith.constant 0 : i32
    %c0_i32_1 = arith.constant 0 : i32
    return %c0_i32, %c0_i32_0 : i32, i32
  }
  func.func @transform_11(%arg0: i32) -> (i32, i32) {
    %c0_i32 = arith.constant 0 : i32
    %c0_i32_0 = arith.constant 0 : i32
    %c0_i32_1 = arith.constant 0 : i32
    return %c0_i32, %c0_i32_0 : i32, i32
  }
  func.func @transform_12(%arg0: i32) -> (i32, i32) {
    %c0_i32 = arith.constant 0 : i32
    %c0_i32_0 = arith.constant 0 : i32
    %c0_i32_1 = arith.constant 0 : i32
    return %c0_i32, %c0_i32_0 : i32, i32
  }
  func.func @transform_13(%arg0: i32) -> (i32, i32) {
    %c0_i32 = arith.constant 0 : i32
    %c0_i32_0 = arith.constant 0 : i32
    %c0_i32_1 = arith.constant 0 : i32
    return %c0_i32, %c0_i32_0 : i32, i32
  }
  func.func @transform_14(%arg0: i32) -> (i32, i32) {
    %c0_i32 = arith.constant 0 : i32
    %c0_i32_0 = arith.constant 0 : i32
    %c0_i32_1 = arith.constant 0 : i32
    return %c0_i32, %c0_i32_0 : i32, i32
  }
  func.func @transform_15(%arg0: i32) -> (i32, i32) {
    %c0_i32 = arith.constant 0 : i32
    %c0_i32_0 = arith.constant 0 : i32
    %c0_i32_1 = arith.constant 0 : i32
    return %c0_i32, %c0_i32_0 : i32, i32
  }
  func.func @transform_16(%arg0: i32) -> (i32, i32) {
    %c0_i32 = arith.constant 0 : i32
    %c0_i32_0 = arith.constant 0 : i32
    return %arg0, %c0_i32 : i32, i32
  }
}

</mosaic_0001>

<sc_bundles>
// kernel: kernel.11.cloned.1.call-start
scs
__scs_entry_jumppad:
0x0: {  	(pc) =	sbr.rel $0x88, $3  }
0x1: {  	(tag) =	ssettag $0x0;
	lr =	simm.s32 $0x1  }
0x2: {  	[smem:$0x3F87] =	sst lr;
	_ =	strace $0xD0000000  }
0x3: {  	_ = 	snop  }
0x4: {  	_ = 	snop  }
0x5: {  	_ = 	snop  }
0x6: {  	_ = 	snop  }
0x7: {  	_ = 	snop  }
__scs_overlays_trampoline_lowered:
0x8: {  	[smem:$0x3F96] =	sst s0  }
0x9: {  	[smem:$0x3F97] =	sst s1  }
0xa: {  	[smem:$0x3F98] =	sst s2  }
0xb: {  	[smem:$0x3F99] =	sst s3  }
0xc: {  	[smem:$0x3F9A] =	sst s4  }
0xd: {  	[smem:$0x3F9B] =	sst s5  }
0xe: {  	[smem:$0x3F9C] =	sst s6  }
0xf: {  	[smem:$0x3F9D] =	sst s7  }
0x10: {  	[smem:$0x3F9E] =	sst s8  }
0x11: {  	[smem:$0x3F9F] =	sst s9;
	s0 =	simm.s32 @!p0 $0x0  }
0x12: {  	s1 =	sld [smem:$0x3F85];
	s0 =	simm.s32 @p0 $0x1  }
0x13: {  	[smem:$0x3FA0] =	sst s0;
	s0 =	simm.s32 @!p1 $0x0  }
0x14: {  	s2 =	sld [smem:$0x3F84];
	s0 =	simm.s32 @p1 $0x1  }
0x15: {  	[smem:$0x3FA1] =	sst s0;
	s0 =	simm.s32 @!p2 $0x0  }
0x16: {  	s3 =	sld [smem:$0x3FDB];
	s0 =	simm.s32 @p2 $0x1  }
0x17: {  	s4 =	simm.s32 $0x1BF5;
	[smem:$0x3FA3] =	sst s0  }
0x18: {  	s0 =	sld [smem:$0x3F86];
	_ =	swait.ge [sflag:s4], $0x0  }
0x19: {  	s7 =	sld [smem:$0x3F87]  }
0x1a: {  	s8 =	sadd.s32 $0xFFFFE003, lr  }
0x1b: {  	s9 =	sadd.s32 $0xFFFFFEF7, lr;
	s5 =	simm.s32 $0xFFFFFFFF;
	p2 =	slt.u32 s8, $0xFFFFF086  }
0x1c: {  	p1 =	slt.u32 s9, $0xF7A;
	s5 =	simm.s32 @!p2 $0x0  }
0x1d: {  	s5 =	simm.s32 @p1 $0x1;
	p0 =	seq.s32 s7, s2  }
0x1e: {  	s7 =	smul.u32 @!p0 $0xF7A, s2;
	p2 =	seq.s32 @!p0 s5, $0x0  }
0x1f: {  	s9 =	smul.u32 $0xF7A, s1;
	s8 =	simm.s32 @!p0 $0x1BF5;
	p2 =	por !p2, p0  }
0x20: {  	[sflag:s8] =	ssyncset.s32 @!p0 $0xFFFFF086;
	s6 =	sadd.s32 @!p0 s3, s7;
	s7 =	simm.s32 @!p0 $0x108  }
0x21: {  	s3 =	sadd.s32 s3, s9;
	s6 =	sadd.s32 @!p0 $0x88, s6;
	s7 =	simm.s32 @p2 $0x1082  }
0x22: {  	[simem:s7], [sflag:s8] =	dma.local @!p0 [hbm:s6], $0xF7A  }
0x23: {  	s9 =	sor.u32 $0xD0000000, s2;
	s6 =	simm.s32 $0x108;
	_ =	swait.ge @!p0 [sflag:s8], $0x0  }
0x24: {  	s3 =	sadd.s32 $0x88, s3;
	s6 =	simm.s32 @!p1 $0x1082;
	[sflag:s4] =	ssyncset.s32 $0xFFFFF086  }
0x25: {  	[simem:s6], [sflag:s4] =	dma.local [hbm:s3], $0xF7A  }
0x26: {  	[smem:$0x3F87] =	sst s1;
	(tag) =	ssettag s2;
	_ =	strace s9  }
0x27: {  	s1 =	sld [smem:$0x3F97]  }
0x28: {  	s2 =	sld [smem:$0x3F98]  }
0x29: {  	s4 =	sld [smem:$0x3F9A]  }
0x2a: {  	p0 =	seq.s32 s5, $0x0;
	s5 =	sld [smem:$0x3F9B]  }
0x2b: {  	s6 =	sld [smem:$0x3F9C]  }
0x2c: {  	s7 =	sld [smem:$0x3F9D]  }
0x2d: {  	s3 =	simm.s32 $0x108;
	s8 =	sld [smem:$0x3F9E]  }
0x2e: {  	s3 =	simm.s32 @!p0 $0x1082;
	s9 =	sld [smem:$0x3F9F]  }
0x2f: {  	lr =	sadd.s32 s0, s3;
	s0 =	sld [smem:$0x3F96]  }
0x30: {  	s3 =	sld [smem:$0x3F99]  }
0x31: {  	[smem:$0x3FA2] =	sst s10  }
0x32: {  	s10 =	sld [smem:$0x3FA0];
	_ =	sdelay $0x3  }
0x33: {  	p0 =	seq.s32 s10, $0x1;
	s10 =	sld [smem:$0x3FA2];
	_ =	sdelay $0x3  }
0x34: {  	[smem:$0x3FA2] =	sst s10  }
0x35: {  	s10 =	sld [smem:$0x3FA1];
	_ =	sdelay $0x3  }
0x36: {  	p1 =	seq.s32 s10, $0x1;
	s10 =	sld [smem:$0x3FA2];
	_ =	sdelay $0x3  }
0x37: {  	[smem:$0x3FA2] =	sst s10  }
0x38: {  	s10 =	sld [smem:$0x3FA3]  }
0x39: {  	_ = 	snop;
	(pc) =	sbr.ind lr, $3  }
0x3a: {  	_ = 	snop  }
0x3b: {  	_ = 	snop  }
0x3c: {  	p2 =	seq.s32 s10, $0x1;
	s10 =	sld [smem:$0x3FA2]  }
0x3d: {  	_ =	shalt  }
0x3e: {  	_ =	shalt  }
0x3f: {  	_ =	shalt  }
0x40: {  	_ =	shalt  }
0x41: {  	_ =	shalt  }
0x42: {  	_ =	shalt  }
0x43: {  	_ =	shalt  }
0x44: {  	_ =	shalt  }
0x45: {  	_ =	shalt  }
0x46: {  	_ =	shalt  }
0x47: {  	_ =	shalt  }
0x48: {  	_ =	shalt  }
0x49: {  	_ =	shalt  }
0x4a: {  	_ =	shalt  }
0x4b: {  	_ =	shalt  }
0x4c: {  	_ =	shalt  }
0x4d: {  	_ =	shalt  }
0x4e: {  	_ =	shalt  }
0x4f: {  	_ =	shalt  }
0x50: {  	_ =	shalt  }
0x51: {  	_ =	shalt  }
0x52: {  	_ =	shalt  }
0x53: {  	_ =	shalt  }
0x54: {  	_ =	shalt  }
0x55: {  	_ =	shalt  }
0x56: {  	_ =	shalt  }
0x57: {  	_ =	shalt  }
0x58: {  	_ =	shalt  }
0x59: {  	_ =	shalt  }
0x5a: {  	_ =	shalt  }
0x5b: {  	_ =	shalt  }
0x5c: {  	_ =	shalt  }
0x5d: {  	_ =	shalt  }
0x5e: {  	_ =	shalt  }
0x5f: {  	_ =	shalt  }
0x60: {  	_ =	shalt  }
0x61: {  	_ =	shalt  }
0x62: {  	_ =	shalt  }
0x63: {  	_ =	shalt  }
0x64: {  	_ =	shalt  }
0x65: {  	_ =	shalt  }
0x66: {  	_ =	shalt  }
0x67: {  	_ =	shalt  }
0x68: {  	_ =	shalt  }
0x69: {  	_ =	shalt  }
0x6a: {  	_ =	shalt  }
0x6b: {  	_ =	shalt  }
0x6c: {  	_ =	shalt  }
0x6d: {  	_ =	shalt  }
0x6e: {  	_ =	shalt  }
0x6f: {  	_ =	shalt  }
0x70: {  	_ =	shalt  }
0x71: {  	_ =	shalt  }
0x72: {  	_ =	shalt  }
0x73: {  	_ =	shalt  }
0x74: {  	_ =	shalt  }
0x75: {  	_ =	shalt  }
0x76: {  	_ =	shalt  }
0x77: {  	_ =	shalt  }
0x78: {  	_ =	shalt  }
0x79: {  	_ =	shalt  }
0x7a: {  	_ =	shalt  }
0x7b: {  	_ =	shalt  }
0x7c: {  	_ =	shalt  }
0x7d: {  	_ =	shalt  }
0x7e: {  	_ =	shalt  }
0x7f: {  	_ =	shalt  }
0x80: {  	_ =	shalt  }
0x81: {  	_ =	shalt  }
0x82: {  	_ =	shalt  }
0x83: {  	_ =	shalt  }
0x84: {  	_ =	shalt  }
0x85: {  	_ =	shalt  }
0x86: {  	_ =	shalt  }
0x87: {  	_ =	shalt  }
.Lfunc_end0:
.L_simem_size_0:
called_computation.1_lowered:
.L_overlay_start_0:
0x88: {  	s2 =	sld [smem:$0x3FD9]  }
0x89: {  	s3 =	sld [smem:$0x3FFE];
	_ =	sdelay $0x1  }
0x8a: {  	s1 =	srdreg.scid  }
0x8b: {  	s0 =	sand.u32 $0x1, s1  }
0x8c: {  	s16 =	sshll.u32 s0, $0xA;
	s2 =	sadd.s32 s3, s2  }
0x8d: {  	s2 =	sadd.s32 s2, s16  }
0x8e: {  	[smem:$0x3FAE] =	sst s2  }
0x8f: {  	_ = 	snop  }
0x90: {  	(tm) =	ssettm $0x1  }
0x91: {  	s17 =	sld [smem:$0x3FFB];
	_ =	sdelay $0x3  }
0x92: {  	_ =	strace s17  }
0x93: {  	s2 =	sld [smem:$0x3FFC];
	_ =	sdelay $0x3  }
0x94: {  	_ =	strace s2  }
0x95: {  	s2 =	sld [smem:$0x3FFD];
	_ =	sdelay $0x3  }
0x96: {  	_ =	strace s2  }
0x97: {  	_ =	strace $0x8FFFFFFF  }
0x98: {  	s18 =	sld [smem:$0x3FDB];
	_ =	sdelay $0x1  }
0x99: {  	s19 =	simm.s32 $_scs_section_size  }
0x9a: {  	s4 =	simm.s32 $_size__tile_overlayer_lowered;
	s5 =	simm.s32 $_tile_overlayer_lowered  }
0x9b: {  	s22 =	simm.s32 $0x1BFF;
	s21 =	sshll.u32 s5, $0x1;
	s2 =	sadd.s32 s19, s18  }
0x9c: {  	s6 =	simm.s32 $0x0;
	s20 =	sshll.u32 s4, $0x1;
	s4 =	sadd.s32 s21, s2  }
0x9d: {  	[timem:s6], [sflag:s22] =	dma.local [hbm:s4], s20  }
0x9e: {  	_ =	swait.ge [sflag:s22], s20  }
0x9f: {  	s3 =	ssub.s32 $0x0, s20;
	[sflag:s22] =	ssyncset.done $0x0  }
0xa0: {  	[sflag:s22] =	ssyncadd.s32 s3;
	_ =	sdelay $0x1  }
0xa1: {  	s23 =	simm.s32 $0x1B8B  }
0xa2: {  	_ =	swait.ge [sflag:s23], $0x1  }
0xa3: {  	[sflag:s23] =	ssyncset.done $0x0  }
0xa4: {  	s25 =	simm.s32 $0x1B8E;
	s24 =	sld [smem:$0x3FFE];
	[sflag:s23] =	ssyncadd.s32 $0xFFFFFFFF  }
0xa5: {  	s26 =	simm.s32 $execute0_lowered;
	[smem:$0x3FD2] =	sst s25  }
0xa6: {  	s4 =	sshll.u32 s26, $0x1;
	_ =	strace $0x80000049;
	[dreg:$0x1] =	wrdreg $0xFFFFFFFF  }
0xa7: {  	s28 =	simm.s32 $_size_execute0_lowered;
	s2 =	sadd.s32 s2, s4;
	[dreg:$0x0] =	wrdreg $0x0  }
0xa8: {  	s4 =	sshll.u32 s28, $0x1;
	[dreg:$0x2] =	wrdreg s2  }
0xa9: {  	[dreg:$0x3] =	wrdreg s4  }
0xaa: {  	[dreg:$0x4] =	wrdreg $0xC0  }
0xab: {  	_ =	task [dreg:s6], $0x5FFFF  }
0xac: {  	[dreg:$0x1] =	wrdreg $0xFFFFFFFF  }
0xad: {  	[dreg:$0x0] =	wrdreg $0x60  }
0xae: {  	[dreg:$0x2] =	wrdreg s24  }
0xaf: {  	[dreg:$0x3] =	wrdreg $0x100000  }
0xb0: {  	[dreg:$0x4] =	wrdreg $0x9  }
0xb1: {  	_ =	task.clear_ibuf [dreg:s6], $0x5FFFF;
	_ =	strace $0x90000049  }
0xb2: {  	s29 =	simm.s32 $0x9;
	_ =	strace $0x8000004B  }
0xb3: {  	_ =	swait.ge [sflag:s29], $0x1  }
0xb4: {  	[sflag:s29] =	ssyncadd.s32 $0xFFFFFFFF  }
0xb5: {  	_ =	strace $0x9000004B  }
0xb6: {  	_ =	sfence  }
0xb7: {  	s30 =	sld [smem:$0x0];
	_ =	sdelay $0x2  }
0xb8: {  	s31 =	sshll.u32 s1, $0xD;
	s1 =	sshrl.u32 s1, $0x2  }
0xb9: {  	s3 =	sand.u32 $0x4000, s31;
	s1 =	sadd.s32 s1, s30  }
0xba: {  	s0 =	sor.u32 s3, s0;
	s1 =	sshll.u32 s1, $0x11  }
0xbb: {  	s0 =	sor.u32 s1, s0  }
0xbc: {  	s0 =	sadd.s32 $0x8F2B, s0  }
0xbd: {  	[sflag:s0] =	ssyncadd.remote.s32 $0x1  }
0xbe: {  	_ =	sfence.sel $0xFFFF  }
0xbf: {  	[dreg:$0x0] =	wrdreg $0xFFFFFFFF;
	(pc) =	sbr.abs _section_cstart, $3  }
0xc0: {  	[dreg:$0x1] =	wrdreg $0xFFFFFFFF  }
0xc1: {  	_ =	task.clear_ibuf [dreg:s6], $0x2FFFF;
	_ =	strace $0x9FFFFFFF  }
0xc2: {  	(tm) =	ssettm $0x7FFFFFFF  }
0xc3: {  	_ =	shalt  }
tec
execute0_lowered:
.L_overlay_start_1:
0x0: {  	(tag) =	ssettag $0x1  }
0x1: {  	s4 =	rddreg [dreg:$0x0]  }
0x2: {  	s0 =	srdreg.scid;
	s2 =	rddreg [dreg:$0x1]  }
0x3: {  	s1 =	rddreg [dreg:$0x2];
	s3 =	simm.s32 $0x0;
	s14 =	simm.s32 $0xE000  }
0x4: {  	s15 =	simm.s32 $0x3;
	s16 =	simm.s32 $0x5000;
	s17 =	simm.s32 $0x80  }
0x5: {  	s18 =	simm.s32 $0xA000;
	s19 =	simm.s32 $0xC000;
	s5 =	sand.u32 $0x1, s0  }
0x6: {  	s20 =	simm.s32 $0x1;
	s0 =	stileid.u32;
	s6 =	smul.u32 $0x13880, s5  }
0x7: {  	s21 =	simm.s32 $0x2;
	s22 =	simm.s32 $0x4F80;
	s7 =	smul.u32 $0xA00, s0  }
0x8: {  	s23 =	simm.s32 $0x9F00;
	s24 =	simm.s32 $0x9F80;
	s8 =	smul.u32 $0xA000, s0  }
0x9: {  	[smem:$0x7FF] =	sst s3;
	s9 =	smul.u32 $0xA0000, s5;
	s5 =	ssub.s32 $0x2, s5  }
0xa: {  	_ =	strace $0x8000004A;
	s28 =	smul.u32 $0x28000, s0;
	s30 =	sshrl.u32 s5, $0x1  }
0xb: {  	s11 =	sadd.s32 s6, s4;
	s10 =	sadd.s32 s7, s4;
	s29 =	sadd.s32 s8, s9  }
0xc: {  	s6 =	sshrl.u32 s28, $0x2;
	s13 =	ssub.s32 s5, s30;
	s7 =	sshrl.u32 s29, $0x3  }
0xd: {  	s31 =	sadd.s32 s6, s2;
	s9 =	sadd.s32 $0xEC00, s10;
	s10 =	sadd.s32 $0x4C00, s10  }
0xe: {  	s11 =	sadd.s32 $0x66E00, s11;
	s13 =	smax.u32 s13, $0x1;
	s12 =	sadd.s32 s7, s4  }
0xf: {  	s4 =	sadd.s32 s8, s2;
	s5 =	sadd.s32 $0x2000, s31;
	s6 =	sadd.s32 $0x4000, s31  }
0x10: {  	v0 =	vimm.f32 $0.0e+00;
	s7 =	sadd.s32 $0x6000, s31;
	s8 =	sadd.s32 $0x8000, s31;
	s12 =	sadd.s32 $0x8E000, s12  }
.LBB2_1:
0x11: {  	s26 =	simm.s32 $0x100;
	s25 =	simm.s32 $0x0  }
.LBB2_2:
0x12: {  	p0 =	sne.s32 s26, $0x7F00;
	[tilespmem:s25+$0xE030] =	vst v0;
	s28 =	smov.u32 s26;
	s26 =	sadd.s32 $0x100, s26  }
.Ltmp0:
0x13: {  	[tilespmem:s25+$0xE020] =	vst v0;
	(pc) =	sbr.rel @p0 .LBB2_2-.Ltmp0, $3  }
0x14: {  	[tilespmem:s25+$0xE000] =	vst v0  }
0x15: {  	[tilespmem:s25+$0xE010] =	vst v0;
	_ =	sdelay $0x1  }
0x16: {  	s25 =	sshra.s32 s28, $0x2  }
0x17: {  	[tilespmem:s25+$0xE030] =	vst v0  }
0x18: {  	[tilespmem:s25+$0xE020] =	vst v0  }
0x19: {  	[tilespmem:s25+$0xE000] =	vst v0  }
0x1a: {  	[tilespmem:s25+$0xE010] =	vst v0  }
0x1b: {  	[spmem:s4] =	stream.linear.scatter [tilespmem:s14], [sflag:$0x3], $0x2000, $0x38;
	[tilespmem:$0x1A000] =	vst v63  }
0x1c: {  	_ =	swait.ge [sflag:s15], $0x2000  }
0x1d: {  	[sflag:s15] =	ssyncset.done $0x0  }
0x1e: {  	[sflag:s15] =	ssyncadd.s32 $0xFFFFE000  }
0x1f: {  	[spmem:s5] =	stream.linear.scatter [tilespmem:s14], [sflag:$0x3], $0x2000, $0x38;
	[tilespmem:$0x1A000] =	vst v63  }
0x20: {  	_ =	swait.ge [sflag:s15], $0x2000  }
0x21: {  	[sflag:s15] =	ssyncset.done $0x0  }
0x22: {  	[sflag:s15] =	ssyncadd.s32 $0xFFFFE000  }
0x23: {  	[spmem:s6] =	stream.linear.scatter [tilespmem:s14], [sflag:$0x3], $0x2000, $0x38;
	[tilespmem:$0x1A000] =	vst v63  }
0x24: {  	_ =	swait.ge [sflag:s15], $0x2000  }
0x25: {  	[sflag:s15] =	ssyncset.done $0x0  }
0x26: {  	[sflag:s15] =	ssyncadd.s32 $0xFFFFE000  }
0x27: {  	[spmem:s7] =	stream.linear.scatter [tilespmem:s14], [sflag:$0x3], $0x2000, $0x38;
	[tilespmem:$0x1A000] =	vst v63  }
0x28: {  	_ =	swait.ge [sflag:s15], $0x2000  }
0x29: {  	[sflag:s15] =	ssyncset.done $0x0  }
0x2a: {  	[sflag:s15] =	ssyncadd.s32 $0xFFFFE000  }
0x2b: {  	[spmem:s8] =	stream.linear.scatter [tilespmem:s14], [sflag:$0x3], $0x2000, $0x38;
	[tilespmem:$0x1A000] =	vst v63  }
0x2c: {  	_ =	swait.ge [sflag:s15], $0x2000  }
0x2d: {  	[sflag:s15] =	ssyncset.done $0x0  }
0x2e: {  	s26 =	simm.s32 $0x0;
	[sflag:s15] =	ssyncadd.s32 $0xFFFFE000  }
0x2f: {  	[tilespmem:s26], [sflag:$0x3] =	stream.linear.gather [hbm4b:s9+s26], $0x5000, $0x38;
	[tilespmem:$0x1A000] =	vst v63  }
0x30: {  	_ =	swait.ge [sflag:s15], $0x5000  }
0x31: {  	[sflag:s15] =	ssyncset.done $0x0  }
0x32: {  	[sflag:s15] =	ssyncadd.s32 $0xFFFFB000  }
0x33: {  	[tilespmem:s16], [sflag:$0x3] =	stream.linear.gather [hbm4b:s10+s26], $0x5000, $0x38;
	[tilespmem:$0x1A000] =	vst v63  }
0x34: {  	_ =	swait.ge [sflag:s15], $0x5000  }
0x35: {  	[sflag:s15] =	ssyncset.done $0x0  }
0x36: {  	[sflag:s15] =	ssyncadd.s32 $0xFFFFB000  }
0x37: {  	[bflag:$0x0] =	sbarrier.arrive $0xFFFF  }
0x38: {  	[tilespmem:s18], [sflag:$0x1] =	stream.indirect.gather [hbm4b:s11+s17], $0x40, s26, s17, $0xb8;
	[tilespmem:$0x1A000] =	vst v63  }
0x39: {  	s28 =	simm.s32 $0x80  }
0x3a: {  	[tilespmem:s19], [sflag:$0x2] =	stream.indirect.gather [hbm4b:s11+s17], $0x40, s28, s17, $0xb8;
	[tilespmem:$0x1A000] =	vst v63  }
0x3b: {  	_ =	swait.ge [sflag:s20], $0x2000  }
0x3c: {  	[sflag:s20] =	ssyncset.done $0x0  }
0x3d: {  	s29 =	simm.s32 $0x5000;
	[sflag:s20] =	ssyncadd.s32 $0xFFFFE000  }
0x3e: {  	[spmem:s2] =	stream.indirect.scatter.add.f32 [tilespmem:s18], [sflag:$0x3], $0x40, s29, s17, $0xb8;
	[tilespmem:$0x1A000] =	vst v63  }
0x3f: {  	_ =	swait.ge [sflag:s15], $0x2000  }
0x40: {  	[sflag:s15] =	ssyncset.done $0x0  }
0x41: {  	s30 =	simm.s32 $0x100;
	[sflag:s15] =	ssyncadd.s32 $0xFFFFE000  }
0x42: {  	[tilespmem:s18], [sflag:$0x1] =	stream.indirect.gather [hbm4b:s11+s17], $0x40, s30, s17, $0xb8;
	[tilespmem:$0x1A000] =	vst v63  }
0x43: {  	_ =	swait.ge [sflag:s21], $0x2000  }
0x44: {  	[sflag:s21] =	ssyncset.done $0x0  }
0x45: {  	s31 =	simm.s32 $0x5080;
	[sflag:s21] =	ssyncadd.s32 $0xFFFFE000  }
0x46: {  	[spmem:s2] =	stream.indirect.scatter.add.f32 [tilespmem:s19], [sflag:$0x3], $0x40, s31, s17, $0xb8;
	[tilespmem:$0x1A000] =	vst v63  }
0x47: {  	_ =	swait.ge [sflag:s15], $0x2000  }
0x48: {  	s25 =	simm.s32 $0x100;
	s26 =	simm.s32 $0x800;
	[sflag:s15] =	ssyncset.done $0x0  }
.LBB2_4:
0x49: {  	s28 =	sadd.s32 $0x80, s25  }
0x4a: {  	[sflag:s15] =	ssyncadd.s32 $0xFFFFE000;
	s29 =	smov.u32 s26;
	s30 =	sadd.s32 $0x400, s26  }
0x4b: {  	[tilespmem:s19], [sflag:$0x2] =	stream.indirect.gather [hbm4b:s11+s17], $0x40, s28, s17, $0xb8;
	[tilespmem:$0x1A000] =	vst v63  }
0x4c: {  	p0 =	sne.s32 s26, $0x13800;
	_ =	swait.ge [sflag:s20], $0x2000  }
0x4d: {  	[sflag:s20] =	ssyncset.done $0x0  }
0x4e: {  	s26 =	sadd.s32 $0x5000, s25;
	[sflag:s20] =	ssyncadd.s32 $0xFFFFE000  }
0x4f: {  	[spmem:s2] =	stream.indirect.scatter.add.f32 [tilespmem:s18], [sflag:$0x3], $0x40, s26, s17, $0xb8;
	[tilespmem:$0x1A000] =	vst v63  }
0x50: {  	_ =	swait.ge [sflag:s15], $0x2000  }
0x51: {  	[sflag:s15] =	ssyncset.done $0x0  }
0x52: {  	s26 =	sadd.s32 $0x100, s25;
	[sflag:s15] =	ssyncadd.s32 $0xFFFFE000  }
0x53: {  	[tilespmem:s18], [sflag:$0x1] =	stream.indirect.gather [hbm4b:s11+s17], $0x40, s26, s17, $0xb8;
	[tilespmem:$0x1A000] =	vst v63  }
0x54: {  	_ =	swait.ge [sflag:s21], $0x2000  }
.Ltmp1:
0x55: {  	[sflag:s21] =	ssyncset.done $0x0;
	(pc) =	sbr.rel @p0 .LBB2_4-.Ltmp1, $4  }
0x56: {  	s25 =	sadd.s32 $0x5080, s25;
	[sflag:s21] =	ssyncadd.s32 $0xFFFFE000  }
0x57: {  	[spmem:s2] =	stream.indirect.scatter.add.f32 [tilespmem:s19], [sflag:$0x3], $0x40, s25, s17, $0xb8;
	[tilespmem:$0x1A000] =	vst v63  }
0x58: {  	_ =	swait.ge [sflag:s15], $0x2000  }
0x59: {  	s26 =	smov.u32 s30;
	s25 =	sshra.s32 s29, $0x2;
	[sflag:s15] =	ssyncset.done $0x0  }
0x5a: {  	s26 =	sadd.s32 $0x80, s25;
	[sflag:s15] =	ssyncadd.s32 $0xFFFFE000  }
0x5b: {  	[tilespmem:s19], [sflag:$0x2] =	stream.indirect.gather [hbm4b:s11+s17], $0x40, s26, s17, $0xb8;
	[tilespmem:$0x1A000] =	vst v63  }
0x5c: {  	_ =	swait.ge [sflag:s20], $0x2000  }
0x5d: {  	[sflag:s20] =	ssyncset.done $0x0  }
0x5e: {  	s31 =	sadd.s32 $0x5000, s25;
	[sflag:s20] =	ssyncadd.s32 $0xFFFFE000  }
0x5f: {  	[spmem:s2] =	stream.indirect.scatter.add.f32 [tilespmem:s18], [sflag:$0x3], $0x40, s31, s17, $0xb8;
	[tilespmem:$0x1A000] =	vst v63  }
0x60: {  	_ =	swait.ge [sflag:s15], $0x2000  }
0x61: {  	[sflag:s15] =	ssyncset.done $0x0  }
0x62: {  	s28 =	sadd.s32 $0x100, s25;
	[sflag:s15] =	ssyncadd.s32 $0xFFFFE000  }
0x63: {  	[tilespmem:s18], [sflag:$0x1] =	stream.indirect.gather [hbm4b:s11+s17], $0x40, s28, s17, $0xb8;
	[tilespmem:$0x1A000] =	vst v63  }
0x64: {  	_ =	swait.ge [sflag:s21], $0x2000  }
0x65: {  	[sflag:s21] =	ssyncset.done $0x0  }
0x66: {  	s29 =	sadd.s32 $0x5080, s25;
	[sflag:s21] =	ssyncadd.s32 $0xFFFFE000  }
0x67: {  	[spmem:s2] =	stream.indirect.scatter.add.f32 [tilespmem:s19], [sflag:$0x3], $0x40, s29, s17, $0xb8;
	[tilespmem:$0x1A000] =	vst v63  }
0x68: {  	_ =	swait.ge [sflag:s15], $0x2000  }
0x69: {  	[sflag:s15] =	ssyncset.done $0x0  }
0x6a: {  	[sflag:s15] =	ssyncadd.s32 $0xFFFFE000  }
0x6b: {  	[tilespmem:s19], [sflag:$0x2] =	stream.indirect.gather [hbm4b:s11+s17], $0x40, s22, s17, $0xb8;
	[tilespmem:$0x1A000] =	vst v63  }
0x6c: {  	_ =	swait.ge [sflag:s20], $0x2000  }
0x6d: {  	[sflag:s20] =	ssyncset.done $0x0  }
0x6e: {  	[sflag:s20] =	ssyncadd.s32 $0xFFFFE000  }
0x6f: {  	[spmem:s2] =	stream.indirect.scatter.add.f32 [tilespmem:s18], [sflag:$0x3], $0x40, s23, s17, $0xb8;
	[tilespmem:$0x1A000] =	vst v63  }
0x70: {  	_ =	swait.ge [sflag:s15], $0x2000  }
0x71: {  	[sflag:s15] =	ssyncset.done $0x0  }
0x72: {  	[sflag:s15] =	ssyncadd.s32 $0xFFFFE000  }
0x73: {  	_ =	swait.ge [sflag:s21], $0x2000  }
0x74: {  	[sflag:s21] =	ssyncset.done $0x0  }
0x75: {  	[sflag:s21] =	ssyncadd.s32 $0xFFFFE000  }
0x76: {  	[spmem:s2] =	stream.indirect.scatter.add.f32 [tilespmem:s19], [sflag:$0x3], $0x40, s24, s17, $0xb8;
	[tilespmem:$0x1A000] =	vst v63  }
0x77: {  	_ =	swait.ge [sflag:s15], $0x2000  }
0x78: {  	s30 =	sshll.u32 s0, $0x6;
	s3 =	sadd.s32 $0x1, s3;
	[sflag:s15] =	ssyncset.done $0x0  }
0x79: {  	s25 =	sor.u32 $0x1C03, s30;
	p0 =	sne.s32 s3, s13;
	[sflag:s15] =	ssyncadd.s32 $0xFFFFE000  }
.Ltmp2:
0x7a: {  	s31 =	sshrl.u32 s4, $0x3;
	[bflag:$0x0] =	sbarrier.arrive $0xFFFF;
	(pc) =	sbr.rel @p0 .LBB2_1-.Ltmp2, $4  }
0x7b: {  	[hbm:s12], [sflag:s25] =	dma.local [spmem:s31], $0x1400  }
0x7c: {  	_ =	swait.ge [sflag:s15], $0x1400  }
0x7d: {  	[sflag:s15] =	ssyncset.done $0x0  }
0x7e: {  	[sflag:s15] =	ssyncadd.s32 $0xFFFFEC00  }
0x7f: {  	_ =	sfence.sel $0x180000  }
0x80: {  	[bflag:$0x0] =	sbarrier.arrive $0xFFFF  }
0x81: {  	p0 =	sne.s32 s0, $0x0;
	_ =	strace $0x9000004A  }
0x82: {  	s0 =	sadd.s32 @!p0 $0x100000, s1;
	[bflag:$0x2] =	sbarrier.arrive $0xFFFF  }
0x83: {  	[sflag:s0] =	ssyncadd.tile.s32 @!p0 $0x1;
	_ =	shalt  }
.Lfunc_end2:
_tile_overlayer_lowered:
.L_overlay_start_2:
0x84: {  	(tag) =	ssettag $0x2  }
0x85: {  	s0 =	rddreg [dreg:$0x0];
	s2 =	stileid.u32  }
0x86: {  	s1 =	rddreg [dreg:$0x1];
	p0 =	sne.s32 s2, $0x0  }
0x87: {  	s3 =	rddreg [dreg:$0x2];
	[bflag:$0x3] =	sbarrier.arrive $0xFFFF;
	s2 =	simm.s32 @!p0 $0x1C03  }
0x88: {  	[timem:s3], [sflag:s2] =	dma.local @!p0 [hbm:s0], s1  }
0x89: {  	s0 =	simm.s32 @!p0 $0x3  }
0x8a: {  	_ =	swait.ge @!p0 [sflag:s0], s1  }
0x8b: {  	s1 =	ssub.s32 @!p0 $0x0, s1;
	[sflag:s0] =	ssyncset.done @!p0 $0x0  }
0x8c: {  	[sflag:s0] =	ssyncadd.s32 @!p0 s1  }
0x8d: {  	[bflag:$0x3] =	sbarrier.arrive $0xFFFF  }
0x8e: {  	_ =	shalt  }

// kernel: kernel.14.cloned.1.call-start
scs
__scs_entry_jumppad:
0x0: {  	(pc) =	sbr.rel $0x88, $3  }
0x1: {  	(tag) =	ssettag $0x0;
	lr =	simm.s32 $0x1  }
0x2: {  	[smem:$0x3F87] =	sst lr;
	_ =	strace $0xD0000000  }
0x3: {  	_ = 	snop  }
0x4: {  	_ = 	snop  }
0x5: {  	_ = 	snop  }
0x6: {  	_ = 	snop  }
0x7: {  	_ = 	snop  }
__scs_overlays_trampoline_lowered:
0x8: {  	[smem:$0x3F96] =	sst s0  }
0x9: {  	[smem:$0x3F97] =	sst s1  }
0xa: {  	[smem:$0x3F98] =	sst s2  }
0xb: {  	[smem:$0x3F99] =	sst s3  }
0xc: {  	[smem:$0x3F9A] =	sst s4  }
0xd: {  	[smem:$0x3F9B] =	sst s5  }
0xe: {  	[smem:$0x3F9C] =	sst s6  }
0xf: {  	[smem:$0x3F9D] =	sst s7  }
0x10: {  	[smem:$0x3F9E] =	sst s8  }
0x11: {  	[smem:$0x3F9F] =	sst s9;
	s0 =	simm.s32 @!p0 $0x0  }
0x12: {  	s1 =	sld [smem:$0x3F85];
	s0 =	simm.s32 @p0 $0x1  }
0x13: {  	[smem:$0x3FA0] =	sst s0;
	s0 =	simm.s32 @!p1 $0x0  }
0x14: {  	s2 =	sld [smem:$0x3F84];
	s0 =	simm.s32 @p1 $0x1  }
0x15: {  	[smem:$0x3FA1] =	sst s0;
	s0 =	simm.s32 @!p2 $0x0  }
0x16: {  	s3 =	sld [smem:$0x3FDB];
	s0 =	simm.s32 @p2 $0x1  }
0x17: {  	s4 =	simm.s32 $0x1BF5;
	[smem:$0x3FA3] =	sst s0  }
0x18: {  	s0 =	sld [smem:$0x3F86];
	_ =	swait.ge [sflag:s4], $0x0  }
0x19: {  	s7 =	sld [smem:$0x3F87]  }
0x1a: {  	s8 =	sadd.s32 $0xFFFFE003, lr  }
0x1b: {  	s9 =	sadd.s32 $0xFFFFFEF7, lr;
	s5 =	simm.s32 $0xFFFFFFFF;
	p2 =	slt.u32 s8, $0xFFFFF086  }
0x1c: {  	p1 =	slt.u32 s9, $0xF7A;
	s5 =	simm.s32 @!p2 $0x0  }
0x1d: {  	s5 =	simm.s32 @p1 $0x1;
	p0 =	seq.s32 s7, s2  }
0x1e: {  	s7 =	smul.u32 @!p0 $0xF7A, s2;
	p2 =	seq.s32 @!p0 s5, $0x0  }
0x1f: {  	s9 =	smul.u32 $0xF7A, s1;
	s8 =	simm.s32 @!p0 $0x1BF5;
	p2 =	por !p2, p0  }
0x20: {  	[sflag:s8] =	ssyncset.s32 @!p0 $0xFFFFF086;
	s6 =	sadd.s32 @!p0 s3, s7;
	s7 =	simm.s32 @!p0 $0x108  }
0x21: {  	s3 =	sadd.s32 s3, s9;
	s6 =	sadd.s32 @!p0 $0x88, s6;
	s7 =	simm.s32 @p2 $0x1082  }
0x22: {  	[simem:s7], [sflag:s8] =	dma.local @!p0 [hbm:s6], $0xF7A  }
0x23: {  	s9 =	sor.u32 $0xD0000000, s2;
	s6 =	simm.s32 $0x108;
	_ =	swait.ge @!p0 [sflag:s8], $0x0  }
0x24: {  	s3 =	sadd.s32 $0x88, s3;
	s6 =	simm.s32 @!p1 $0x1082;
	[sflag:s4] =	ssyncset.s32 $0xFFFFF086  }
0x25: {  	[simem:s6], [sflag:s4] =	dma.local [hbm:s3], $0xF7A  }
0x26: {  	[smem:$0x3F87] =	sst s1;
	(tag) =	ssettag s2;
	_ =	strace s9  }
0x27: {  	s1 =	sld [smem:$0x3F97]  }
0x28: {  	s2 =	sld [smem:$0x3F98]  }
0x29: {  	s4 =	sld [smem:$0x3F9A]  }
0x2a: {  	p0 =	seq.s32 s5, $0x0;
	s5 =	sld [smem:$0x3F9B]  }
0x2b: {  	s6 =	sld [smem:$0x3F9C]  }
0x2c: {  	s7 =	sld [smem:$0x3F9D]  }
0x2d: {  	s3 =	simm.s32 $0x108;
	s8 =	sld [smem:$0x3F9E]  }
0x2e: {  	s3 =	simm.s32 @!p0 $0x1082;
	s9 =	sld [smem:$0x3F9F]  }
0x2f: {  	lr =	sadd.s32 s0, s3;
	s0 =	sld [smem:$0x3F96]  }
0x30: {  	s3 =	sld [smem:$0x3F99]  }
0x31: {  	[smem:$0x3FA2] =	sst s10  }
0x32: {  	s10 =	sld [smem:$0x3FA0];
	_ =	sdelay $0x3  }
0x33: {  	p0 =	seq.s32 s10, $0x1;
	s10 =	sld [smem:$0x3FA2];
	_ =	sdelay $0x3  }
0x34: {  	[smem:$0x3FA2] =	sst s10  }
0x35: {  	s10 =	sld [smem:$0x3FA1];
	_ =	sdelay $0x3  }
0x36: {  	p1 =	seq.s32 s10, $0x1;
	s10 =	sld [smem:$0x3FA2];
	_ =	sdelay $0x3  }
0x37: {  	[smem:$0x3FA2] =	sst s10  }
0x38: {  	s10 =	sld [smem:$0x3FA3]  }
0x39: {  	_ = 	snop;
	(pc) =	sbr.ind lr, $3  }
0x3a: {  	_ = 	snop  }
0x3b: {  	_ = 	snop  }
0x3c: {  	p2 =	seq.s32 s10, $0x1;
	s10 =	sld [smem:$0x3FA2]  }
0x3d: {  	_ =	shalt  }
0x3e: {  	_ =	shalt  }
0x3f: {  	_ =	shalt  }
0x40: {  	_ =	shalt  }
0x41: {  	_ =	shalt  }
0x42: {  	_ =	shalt  }
0x43: {  	_ =	shalt  }
0x44: {  	_ =	shalt  }
0x45: {  	_ =	shalt  }
0x46: {  	_ =	shalt  }
0x47: {  	_ =	shalt  }
0x48: {  	_ =	shalt  }
0x49: {  	_ =	shalt  }
0x4a: {  	_ =	shalt  }
0x4b: {  	_ =	shalt  }
0x4c: {  	_ =	shalt  }
0x4d: {  	_ =	shalt  }
0x4e: {  	_ =	shalt  }
0x4f: {  	_ =	shalt  }
0x50: {  	_ =	shalt  }
0x51: {  	_ =	shalt  }
0x52: {  	_ =	shalt  }
0x53: {  	_ =	shalt  }
0x54: {  	_ =	shalt  }
0x55: {  	_ =	shalt  }
0x56: {  	_ =	shalt  }
0x57: {  	_ =	shalt  }
0x58: {  	_ =	shalt  }
0x59: {  	_ =	shalt  }
0x5a: {  	_ =	shalt  }
0x5b: {  	_ =	shalt  }
0x5c: {  	_ =	shalt  }
0x5d: {  	_ =	shalt  }
0x5e: {  	_ =	shalt  }
0x5f: {  	_ =	shalt  }
0x60: {  	_ =	shalt  }
0x61: {  	_ =	shalt  }
0x62: {  	_ =	shalt  }
0x63: {  	_ =	shalt  }
0x64: {  	_ =	shalt  }
0x65: {  	_ =	shalt  }
0x66: {  	_ =	shalt  }
0x67: {  	_ =	shalt  }
0x68: {  	_ =	shalt  }
0x69: {  	_ =	shalt  }
0x6a: {  	_ =	shalt  }
0x6b: {  	_ =	shalt  }
0x6c: {  	_ =	shalt  }
0x6d: {  	_ =	shalt  }
0x6e: {  	_ =	shalt  }
0x6f: {  	_ =	shalt  }
0x70: {  	_ =	shalt  }
0x71: {  	_ =	shalt  }
0x72: {  	_ =	shalt  }
0x73: {  	_ =	shalt  }
0x74: {  	_ =	shalt  }
0x75: {  	_ =	shalt  }
0x76: {  	_ =	shalt  }
0x77: {  	_ =	shalt  }
0x78: {  	_ =	shalt  }
0x79: {  	_ =	shalt  }
0x7a: {  	_ =	shalt  }
0x7b: {  	_ =	shalt  }
0x7c: {  	_ =	shalt  }
0x7d: {  	_ =	shalt  }
0x7e: {  	_ =	shalt  }
0x7f: {  	_ =	shalt  }
0x80: {  	_ =	shalt  }
0x81: {  	_ =	shalt  }
0x82: {  	_ =	shalt  }
0x83: {  	_ =	shalt  }
0x84: {  	_ =	shalt  }
0x85: {  	_ =	shalt  }
0x86: {  	_ =	shalt  }
0x87: {  	_ =	shalt  }
.Lfunc_end0:
.L_simem_size_0:
called_computation.2_lowered:
.L_overlay_start_0:
0x88: {  	s2 =	sld [smem:$0x3FD9]  }
0x89: {  	s3 =	sld [smem:$0x3FFE];
	_ =	sdelay $0x1  }
0x8a: {  	s1 =	srdreg.scid  }
0x8b: {  	s0 =	sand.u32 $0x1, s1  }
0x8c: {  	s16 =	sshll.u32 s0, $0xA;
	s2 =	sadd.s32 s3, s2  }
0x8d: {  	s2 =	sadd.s32 s2, s16  }
0x8e: {  	[smem:$0x3FAE] =	sst s2  }
0x8f: {  	_ = 	snop  }
0x90: {  	(tm) =	ssettm $0x1  }
0x91: {  	s17 =	sld [smem:$0x3FFB];
	_ =	sdelay $0x3  }
0x92: {  	_ =	strace s17  }
0x93: {  	s2 =	sld [smem:$0x3FFC];
	_ =	sdelay $0x3  }
0x94: {  	_ =	strace s2  }
0x95: {  	s2 =	sld [smem:$0x3FFD];
	_ =	sdelay $0x3  }
0x96: {  	_ =	strace s2  }
0x97: {  	_ =	strace $0x8FFFFFFF  }
0x98: {  	s18 =	sld [smem:$0x3FDB];
	_ =	sdelay $0x1  }
0x99: {  	s19 =	simm.s32 $_scs_section_size  }
0x9a: {  	s4 =	simm.s32 $_size__tile_overlayer_lowered;
	s5 =	simm.s32 $_tile_overlayer_lowered  }
0x9b: {  	s22 =	simm.s32 $0x1BFF;
	s21 =	sshll.u32 s5, $0x1;
	s2 =	sadd.s32 s19, s18  }
0x9c: {  	s6 =	simm.s32 $0x0;
	s20 =	sshll.u32 s4, $0x1;
	s4 =	sadd.s32 s21, s2  }
0x9d: {  	[timem:s6], [sflag:s22] =	dma.local [hbm:s4], s20  }
0x9e: {  	_ =	swait.ge [sflag:s22], s20  }
0x9f: {  	s3 =	ssub.s32 $0x0, s20;
	[sflag:s22] =	ssyncset.done $0x0  }
0xa0: {  	[sflag:s22] =	ssyncadd.s32 s3;
	_ =	sdelay $0x1  }
0xa1: {  	s23 =	simm.s32 $0x1B8B  }
0xa2: {  	_ =	swait.ge [sflag:s23], $0x1  }
0xa3: {  	[sflag:s23] =	ssyncset.done $0x0  }
0xa4: {  	s25 =	simm.s32 $0x1B8E;
	s24 =	sld [smem:$0x3FFE];
	[sflag:s23] =	ssyncadd.s32 $0xFFFFFFFF  }
0xa5: {  	s26 =	simm.s32 $execute0_lowered;
	[smem:$0x3FD2] =	sst s25  }
0xa6: {  	s4 =	sshll.u32 s26, $0x1;
	_ =	strace $0x8000004C;
	[dreg:$0x1] =	wrdreg $0xFFFFFFFF  }
0xa7: {  	s28 =	simm.s32 $_size_execute0_lowered;
	s2 =	sadd.s32 s2, s4;
	[dreg:$0x0] =	wrdreg $0x0  }
0xa8: {  	s4 =	sshll.u32 s28, $0x1;
	[dreg:$0x2] =	wrdreg s2  }
0xa9: {  	[dreg:$0x3] =	wrdreg s4  }
0xaa: {  	[dreg:$0x4] =	wrdreg $0xC0  }
0xab: {  	_ =	task [dreg:s6], $0x5FFFF  }
0xac: {  	[dreg:$0x1] =	wrdreg $0xFFFFFFFF  }
0xad: {  	[dreg:$0x0] =	wrdreg $0x60  }
0xae: {  	[dreg:$0x2] =	wrdreg s24  }
0xaf: {  	[dreg:$0x3] =	wrdreg $0x100000  }
0xb0: {  	[dreg:$0x4] =	wrdreg $0x9  }
0xb1: {  	_ =	task.clear_ibuf [dreg:s6], $0x5FFFF;
	_ =	strace $0x9000004C  }
0xb2: {  	s29 =	simm.s32 $0x9;
	_ =	strace $0x8000004E  }
0xb3: {  	_ =	swait.ge [sflag:s29], $0x1  }
0xb4: {  	[sflag:s29] =	ssyncadd.s32 $0xFFFFFFFF  }
0xb5: {  	_ =	strace $0x9000004E  }
0xb6: {  	_ =	sfence  }
0xb7: {  	s30 =	sld [smem:$0x0];
	_ =	sdelay $0x2  }
0xb8: {  	s31 =	sshll.u32 s1, $0xD;
	s1 =	sshrl.u32 s1, $0x2  }
0xb9: {  	s3 =	sand.u32 $0x4000, s31;
	s1 =	sadd.s32 s1, s30  }
0xba: {  	s0 =	sor.u32 s3, s0;
	s1 =	sshll.u32 s1, $0x11  }
0xbb: {  	s0 =	sor.u32 s1, s0  }
0xbc: {  	s0 =	sadd.s32 $0x8F2B, s0  }
0xbd: {  	[sflag:s0] =	ssyncadd.remote.s32 $0x1  }
0xbe: {  	_ =	sfence.sel $0xFFFF  }
0xbf: {  	[dreg:$0x0] =	wrdreg $0xFFFFFFFF;
	(pc) =	sbr.abs _section_cstart, $3  }
0xc0: {  	[dreg:$0x1] =	wrdreg $0xFFFFFFFF  }
0xc1: {  	_ =	task.clear_ibuf [dreg:s6], $0x2FFFF;
	_ =	strace $0x9FFFFFFF  }
0xc2: {  	(tm) =	ssettm $0x7FFFFFFF  }
0xc3: {  	_ =	shalt  }
tec
execute0_lowered:
.L_overlay_start_1:
0x0: {  	(tag) =	ssettag $0x1  }
0x1: {  	s4 =	rddreg [dreg:$0x0]  }
0x2: {  	s0 =	srdreg.scid;
	s2 =	rddreg [dreg:$0x1]  }
0x3: {  	s1 =	rddreg [dreg:$0x2];
	s3 =	simm.s32 $0x0;
	s14 =	simm.s32 $0xE000  }
0x4: {  	s15 =	simm.s32 $0x3;
	s16 =	simm.s32 $0x5000;
	s17 =	simm.s32 $0x80  }
0x5: {  	s18 =	simm.s32 $0xA000;
	s19 =	simm.s32 $0xC000;
	s5 =	sand.u32 $0x1, s0  }
0x6: {  	s20 =	simm.s32 $0x1;
	s0 =	stileid.u32;
	s6 =	smul.u32 $0x13880, s5  }
0x7: {  	s21 =	simm.s32 $0x2;
	s22 =	simm.s32 $0x4F80;
	s7 =	smul.u32 $0xA00, s0  }
0x8: {  	s23 =	simm.s32 $0x9F00;
	s24 =	simm.s32 $0x9F80;
	s8 =	smul.u32 $0xA000, s0  }
0x9: {  	[smem:$0x7FF] =	sst s3;
	s9 =	smul.u32 $0xA0000, s5;
	s5 =	ssub.s32 $0x2, s5  }
0xa: {  	_ =	strace $0x8000004D;
	s28 =	smul.u32 $0x28000, s0;
	s30 =	sshrl.u32 s5, $0x1  }
0xb: {  	s11 =	sadd.s32 s6, s4;
	s10 =	sadd.s32 s7, s4;
	s29 =	sadd.s32 s8, s9  }
0xc: {  	s6 =	sshrl.u32 s28, $0x2;
	s13 =	ssub.s32 s5, s30;
	s7 =	sshrl.u32 s29, $0x3  }
0xd: {  	s31 =	sadd.s32 s6, s2;
	s9 =	sadd.s32 $0xEC00, s10;
	s10 =	sadd.s32 $0x4C00, s10  }
0xe: {  	s11 =	sadd.s32 $0x18C00, s11;
	s13 =	smax.u32 s13, $0x1;
	s12 =	sadd.s32 s7, s4  }
0xf: {  	s4 =	sadd.s32 s8, s2;
	s5 =	sadd.s32 $0x2000, s31;
	s6 =	sadd.s32 $0x4000, s31  }
0x10: {  	v0 =	vimm.f32 $0.0e+00;
	s7 =	sadd.s32 $0x6000, s31;
	s8 =	sadd.s32 $0x8000, s31;
	s12 =	sadd.s32 $0x3FE00, s12  }
.LBB2_1:
0x11: {  	s26 =	simm.s32 $0x100;
	s25 =	simm.s32 $0x0  }
.LBB2_2:
0x12: {  	p0 =	sne.s32 s26, $0x7F00;
	[tilespmem:s25+$0xE030] =	vst v0;
	s28 =	smov.u32 s26;
	s26 =	sadd.s32 $0x100, s26  }
.Ltmp0:
0x13: {  	[tilespmem:s25+$0xE020] =	vst v0;
	(pc) =	sbr.rel @p0 .LBB2_2-.Ltmp0, $3  }
0x14: {  	[tilespmem:s25+$0xE000] =	vst v0  }
0x15: {  	[tilespmem:s25+$0xE010] =	vst v0;
	_ =	sdelay $0x1  }
0x16: {  	s25 =	sshra.s32 s28, $0x2  }
0x17: {  	[tilespmem:s25+$0xE030] =	vst v0  }
0x18: {  	[tilespmem:s25+$0xE020] =	vst v0  }
0x19: {  	[tilespmem:s25+$0xE000] =	vst v0  }
0x1a: {  	[tilespmem:s25+$0xE010] =	vst v0  }
0x1b: {  	[spmem:s4] =	stream.linear.scatter [tilespmem:s14], [sflag:$0x3], $0x2000, $0x38;
	[tilespmem:$0x1A000] =	vst v63  }
0x1c: {  	_ =	swait.ge [sflag:s15], $0x2000  }
0x1d: {  	[sflag:s15] =	ssyncset.done $0x0  }
0x1e: {  	[sflag:s15] =	ssyncadd.s32 $0xFFFFE000  }
0x1f: {  	[spmem:s5] =	stream.linear.scatter [tilespmem:s14], [sflag:$0x3], $0x2000, $0x38;
	[tilespmem:$0x1A000] =	vst v63  }
0x20: {  	_ =	swait.ge [sflag:s15], $0x2000  }
0x21: {  	[sflag:s15] =	ssyncset.done $0x0  }
0x22: {  	[sflag:s15] =	ssyncadd.s32 $0xFFFFE000  }
0x23: {  	[spmem:s6] =	stream.linear.scatter [tilespmem:s14], [sflag:$0x3], $0x2000, $0x38;
	[tilespmem:$0x1A000] =	vst v63  }
0x24: {  	_ =	swait.ge [sflag:s15], $0x2000  }
0x25: {  	[sflag:s15] =	ssyncset.done $0x0  }
0x26: {  	[sflag:s15] =	ssyncadd.s32 $0xFFFFE000  }
0x27: {  	[spmem:s7] =	stream.linear.scatter [tilespmem:s14], [sflag:$0x3], $0x2000, $0x38;
	[tilespmem:$0x1A000] =	vst v63  }
0x28: {  	_ =	swait.ge [sflag:s15], $0x2000  }
0x29: {  	[sflag:s15] =	ssyncset.done $0x0  }
0x2a: {  	[sflag:s15] =	ssyncadd.s32 $0xFFFFE000  }
0x2b: {  	[spmem:s8] =	stream.linear.scatter [tilespmem:s14], [sflag:$0x3], $0x2000, $0x38;
	[tilespmem:$0x1A000] =	vst v63  }
0x2c: {  	_ =	swait.ge [sflag:s15], $0x2000  }
0x2d: {  	[sflag:s15] =	ssyncset.done $0x0  }
0x2e: {  	s26 =	simm.s32 $0x0;
	[sflag:s15] =	ssyncadd.s32 $0xFFFFE000  }
0x2f: {  	[tilespmem:s26], [sflag:$0x3] =	stream.linear.gather [hbm4b:s9+s26], $0x5000, $0x38;
	[tilespmem:$0x1A000] =	vst v63  }
0x30: {  	_ =	swait.ge [sflag:s15], $0x5000  }
0x31: {  	[sflag:s15] =	ssyncset.done $0x0  }
0x32: {  	[sflag:s15] =	ssyncadd.s32 $0xFFFFB000  }
0x33: {  	[tilespmem:s16], [sflag:$0x3] =	stream.linear.gather [hbm4b:s10+s26], $0x5000, $0x38;
	[tilespmem:$0x1A000] =	vst v63  }
0x34: {  	_ =	swait.ge [sflag:s15], $0x5000  }
0x35: {  	[sflag:s15] =	ssyncset.done $0x0  }
0x36: {  	[sflag:s15] =	ssyncadd.s32 $0xFFFFB000  }
0x37: {  	[bflag:$0x0] =	sbarrier.arrive $0xFFFF  }
0x38: {  	[tilespmem:s18], [sflag:$0x1] =	stream.indirect.gather [hbm4b:s11+s17], $0x40, s26, s17, $0xb8;
	[tilespmem:$0x1A000] =	vst v63  }
0x39: {  	s28 =	simm.s32 $0x80  }
0x3a: {  	[tilespmem:s19], [sflag:$0x2] =	stream.indirect.gather [hbm4b:s11+s17], $0x40, s28, s17, $0xb8;
	[tilespmem:$0x1A000] =	vst v63  }
0x3b: {  	_ =	swait.ge [sflag:s20], $0x2000  }
0x3c: {  	[sflag:s20] =	ssyncset.done $0x0  }
0x3d: {  	s29 =	simm.s32 $0x5000;
	[sflag:s20] =	ssyncadd.s32 $0xFFFFE000  }
0x3e: {  	[spmem:s2] =	stream.indirect.scatter.add.f32 [tilespmem:s18], [sflag:$0x3], $0x40, s29, s17, $0xb8;
	[tilespmem:$0x1A000] =	vst v63  }
0x3f: {  	_ =	swait.ge [sflag:s15], $0x2000  }
0x40: {  	[sflag:s15] =	ssyncset.done $0x0  }
0x41: {  	s30 =	simm.s32 $0x100;
	[sflag:s15] =	ssyncadd.s32 $0xFFFFE000  }
0x42: {  	[tilespmem:s18], [sflag:$0x1] =	stream.indirect.gather [hbm4b:s11+s17], $0x40, s30, s17, $0xb8;
	[tilespmem:$0x1A000] =	vst v63  }
0x43: {  	_ =	swait.ge [sflag:s21], $0x2000  }
0x44: {  	[sflag:s21] =	ssyncset.done $0x0  }
0x45: {  	s31 =	simm.s32 $0x5080;
	[sflag:s21] =	ssyncadd.s32 $0xFFFFE000  }
0x46: {  	[spmem:s2] =	stream.indirect.scatter.add.f32 [tilespmem:s19], [sflag:$0x3], $0x40, s31, s17, $0xb8;
	[tilespmem:$0x1A000] =	vst v63  }
0x47: {  	_ =	swait.ge [sflag:s15], $0x2000  }
0x48: {  	s25 =	simm.s32 $0x100;
	s26 =	simm.s32 $0x800;
	[sflag:s15] =	ssyncset.done $0x0  }
.LBB2_4:
0x49: {  	s28 =	sadd.s32 $0x80, s25  }
0x4a: {  	[sflag:s15] =	ssyncadd.s32 $0xFFFFE000;
	s29 =	smov.u32 s26;
	s30 =	sadd.s32 $0x400, s26  }
0x4b: {  	[tilespmem:s19], [sflag:$0x2] =	stream.indirect.gather [hbm4b:s11+s17], $0x40, s28, s17, $0xb8;
	[tilespmem:$0x1A000] =	vst v63  }
0x4c: {  	p0 =	sne.s32 s26, $0x13800;
	_ =	swait.ge [sflag:s20], $0x2000  }
0x4d: {  	[sflag:s20] =	ssyncset.done $0x0  }
0x4e: {  	s26 =	sadd.s32 $0x5000, s25;
	[sflag:s20] =	ssyncadd.s32 $0xFFFFE000  }
0x4f: {  	[spmem:s2] =	stream.indirect.scatter.add.f32 [tilespmem:s18], [sflag:$0x3], $0x40, s26, s17, $0xb8;
	[tilespmem:$0x1A000] =	vst v63  }
0x50: {  	_ =	swait.ge [sflag:s15], $0x2000  }
0x51: {  	[sflag:s15] =	ssyncset.done $0x0  }
0x52: {  	s26 =	sadd.s32 $0x100, s25;
	[sflag:s15] =	ssyncadd.s32 $0xFFFFE000  }
0x53: {  	[tilespmem:s18], [sflag:$0x1] =	stream.indirect.gather [hbm4b:s11+s17], $0x40, s26, s17, $0xb8;
	[tilespmem:$0x1A000] =	vst v63  }
0x54: {  	_ =	swait.ge [sflag:s21], $0x2000  }
.Ltmp1:
0x55: {  	[sflag:s21] =	ssyncset.done $0x0;
	(pc) =	sbr.rel @p0 .LBB2_4-.Ltmp1, $4  }
0x56: {  	s25 =	sadd.s32 $0x5080, s25;
	[sflag:s21] =	ssyncadd.s32 $0xFFFFE000  }
0x57: {  	[spmem:s2] =	stream.indirect.scatter.add.f32 [tilespmem:s19], [sflag:$0x3], $0x40, s25, s17, $0xb8;
	[tilespmem:$0x1A000] =	vst v63  }
0x58: {  	_ =	swait.ge [sflag:s15], $0x2000  }
0x59: {  	s26 =	smov.u32 s30;
	s25 =	sshra.s32 s29, $0x2;
	[sflag:s15] =	ssyncset.done $0x0  }
0x5a: {  	s26 =	sadd.s32 $0x80, s25;
	[sflag:s15] =	ssyncadd.s32 $0xFFFFE000  }
0x5b: {  	[tilespmem:s19], [sflag:$0x2] =	stream.indirect.gather [hbm4b:s11+s17], $0x40, s26, s17, $0xb8;
	[tilespmem:$0x1A000] =	vst v63  }
0x5c: {  	_ =	swait.ge [sflag:s20], $0x2000  }
0x5d: {  	[sflag:s20] =	ssyncset.done $0x0  }
0x5e: {  	s31 =	sadd.s32 $0x5000, s25;
	[sflag:s20] =	ssyncadd.s32 $0xFFFFE000  }
0x5f: {  	[spmem:s2] =	stream.indirect.scatter.add.f32 [tilespmem:s18], [sflag:$0x3], $0x40, s31, s17, $0xb8;
	[tilespmem:$0x1A000] =	vst v63  }
0x60: {  	_ =	swait.ge [sflag:s15], $0x2000  }
0x61: {  	[sflag:s15] =	ssyncset.done $0x0  }
0x62: {  	s28 =	sadd.s32 $0x100, s25;
	[sflag:s15] =	ssyncadd.s32 $0xFFFFE000  }
0x63: {  	[tilespmem:s18], [sflag:$0x1] =	stream.indirect.gather [hbm4b:s11+s17], $0x40, s28, s17, $0xb8;
	[tilespmem:$0x1A000] =	vst v63  }
0x64: {  	_ =	swait.ge [sflag:s21], $0x2000  }
0x65: {  	[sflag:s21] =	ssyncset.done $0x0  }
0x66: {  	s29 =	sadd.s32 $0x5080, s25;
	[sflag:s21] =	ssyncadd.s32 $0xFFFFE000  }
0x67: {  	[spmem:s2] =	stream.indirect.scatter.add.f32 [tilespmem:s19], [sflag:$0x3], $0x40, s29, s17, $0xb8;
	[tilespmem:$0x1A000] =	vst v63  }
0x68: {  	_ =	swait.ge [sflag:s15], $0x2000  }
0x69: {  	[sflag:s15] =	ssyncset.done $0x0  }
0x6a: {  	[sflag:s15] =	ssyncadd.s32 $0xFFFFE000  }
0x6b: {  	[tilespmem:s19], [sflag:$0x2] =	stream.indirect.gather [hbm4b:s11+s17], $0x40, s22, s17, $0xb8;
	[tilespmem:$0x1A000] =	vst v63  }
0x6c: {  	_ =	swait.ge [sflag:s20], $0x2000  }
0x6d: {  	[sflag:s20] =	ssyncset.done $0x0  }
0x6e: {  	[sflag:s20] =	ssyncadd.s32 $0xFFFFE000  }
0x6f: {  	[spmem:s2] =	stream.indirect.scatter.add.f32 [tilespmem:s18], [sflag:$0x3], $0x40, s23, s17, $0xb8;
	[tilespmem:$0x1A000] =	vst v63  }
0x70: {  	_ =	swait.ge [sflag:s15], $0x2000  }
0x71: {  	[sflag:s15] =	ssyncset.done $0x0  }
0x72: {  	[sflag:s15] =	ssyncadd.s32 $0xFFFFE000  }
0x73: {  	_ =	swait.ge [sflag:s21], $0x2000  }
0x74: {  	[sflag:s21] =	ssyncset.done $0x0  }
0x75: {  	[sflag:s21] =	ssyncadd.s32 $0xFFFFE000  }
0x76: {  	[spmem:s2] =	stream.indirect.scatter.add.f32 [tilespmem:s19], [sflag:$0x3], $0x40, s24, s17, $0xb8;
	[tilespmem:$0x1A000] =	vst v63  }
0x77: {  	_ =	swait.ge [sflag:s15], $0x2000  }
0x78: {  	s30 =	sshll.u32 s0, $0x6;
	s3 =	sadd.s32 $0x1, s3;
	[sflag:s15] =	ssyncset.done $0x0  }
0x79: {  	s25 =	sor.u32 $0x1C03, s30;
	p0 =	sne.s32 s3, s13;
	[sflag:s15] =	ssyncadd.s32 $0xFFFFE000  }
.Ltmp2:
0x7a: {  	s31 =	sshrl.u32 s4, $0x3;
	[bflag:$0x0] =	sbarrier.arrive $0xFFFF;
	(pc) =	sbr.rel @p0 .LBB2_1-.Ltmp2, $4  }
0x7b: {  	[hbm:s12], [sflag:s25] =	dma.local [spmem:s31], $0x1400  }
0x7c: {  	_ =	swait.ge [sflag:s15], $0x1400  }
0x7d: {  	[sflag:s15] =	ssyncset.done $0x0  }
0x7e: {  	[sflag:s15] =	ssyncadd.s32 $0xFFFFEC00  }
0x7f: {  	_ =	sfence.sel $0x180000  }
0x80: {  	[bflag:$0x0] =	sbarrier.arrive $0xFFFF  }
0x81: {  	p0 =	sne.s32 s0, $0x0;
	_ =	strace $0x9000004D  }
0x82: {  	s0 =	sadd.s32 @!p0 $0x100000, s1;
	[bflag:$0x2] =	sbarrier.arrive $0xFFFF  }
0x83: {  	[sflag:s0] =	ssyncadd.tile.s32 @!p0 $0x1;
	_ =	shalt  }
.Lfunc_end2:
_tile_overlayer_lowered:
.L_overlay_start_2:
0x84: {  	(tag) =	ssettag $0x2  }
0x85: {  	s0 =	rddreg [dreg:$0x0];
	s2 =	stileid.u32  }
0x86: {  	s1 =	rddreg [dreg:$0x1];
	p0 =	sne.s32 s2, $0x0  }
0x87: {  	s3 =	rddreg [dreg:$0x2];
	[bflag:$0x3] =	sbarrier.arrive $0xFFFF;
	s2 =	simm.s32 @!p0 $0x1C03  }
0x88: {  	[timem:s3], [sflag:s2] =	dma.local @!p0 [hbm:s0], s1  }
0x89: {  	s0 =	simm.s32 @!p0 $0x3  }
0x8a: {  	_ =	swait.ge @!p0 [sflag:s0], s1  }
0x8b: {  	s1 =	ssub.s32 @!p0 $0x0, s1;
	[sflag:s0] =	ssyncset.done @!p0 $0x0  }
0x8c: {  	[sflag:s0] =	ssyncadd.s32 @!p0 s1  }
0x8d: {  	[bflag:$0x3] =	sbarrier.arrive $0xFFFF  }
0x8e: {  	_ =	shalt  }

// kernel: kernel.8.cloned.1.call-start
scs
__scs_entry_jumppad:
0x0: {  	(pc) =	sbr.rel $0x88, $3  }
0x1: {  	(tag) =	ssettag $0x0;
	lr =	simm.s32 $0x1  }
0x2: {  	[smem:$0x3F87] =	sst lr;
	_ =	strace $0xD0000000  }
0x3: {  	_ = 	snop  }
0x4: {  	_ = 	snop  }
0x5: {  	_ = 	snop  }
0x6: {  	_ = 	snop  }
0x7: {  	_ = 	snop  }
__scs_overlays_trampoline_lowered:
0x8: {  	[smem:$0x3F96] =	sst s0  }
0x9: {  	[smem:$0x3F97] =	sst s1  }
0xa: {  	[smem:$0x3F98] =	sst s2  }
0xb: {  	[smem:$0x3F99] =	sst s3  }
0xc: {  	[smem:$0x3F9A] =	sst s4  }
0xd: {  	[smem:$0x3F9B] =	sst s5  }
0xe: {  	[smem:$0x3F9C] =	sst s6  }
0xf: {  	[smem:$0x3F9D] =	sst s7  }
0x10: {  	[smem:$0x3F9E] =	sst s8  }
0x11: {  	[smem:$0x3F9F] =	sst s9;
	s0 =	simm.s32 @!p0 $0x0  }
0x12: {  	s1 =	sld [smem:$0x3F85];
	s0 =	simm.s32 @p0 $0x1  }
0x13: {  	[smem:$0x3FA0] =	sst s0;
	s0 =	simm.s32 @!p1 $0x0  }
0x14: {  	s2 =	sld [smem:$0x3F84];
	s0 =	simm.s32 @p1 $0x1  }
0x15: {  	[smem:$0x3FA1] =	sst s0;
	s0 =	simm.s32 @!p2 $0x0  }
0x16: {  	s3 =	sld [smem:$0x3FDB];
	s0 =	simm.s32 @p2 $0x1  }
0x17: {  	s4 =	simm.s32 $0x1BF5;
	[smem:$0x3FA3] =	sst s0  }
0x18: {  	s0 =	sld [smem:$0x3F86];
	_ =	swait.ge [sflag:s4], $0x0  }
0x19: {  	s7 =	sld [smem:$0x3F87]  }
0x1a: {  	s8 =	sadd.s32 $0xFFFFE003, lr  }
0x1b: {  	s9 =	sadd.s32 $0xFFFFFEF7, lr;
	s5 =	simm.s32 $0xFFFFFFFF;
	p2 =	slt.u32 s8, $0xFFFFF086  }
0x1c: {  	p1 =	slt.u32 s9, $0xF7A;
	s5 =	simm.s32 @!p2 $0x0  }
0x1d: {  	s5 =	simm.s32 @p1 $0x1;
	p0 =	seq.s32 s7, s2  }
0x1e: {  	s7 =	smul.u32 @!p0 $0xF7A, s2;
	p2 =	seq.s32 @!p0 s5, $0x0  }
0x1f: {  	s9 =	smul.u32 $0xF7A, s1;
	s8 =	simm.s32 @!p0 $0x1BF5;
	p2 =	por !p2, p0  }
0x20: {  	[sflag:s8] =	ssyncset.s32 @!p0 $0xFFFFF086;
	s6 =	sadd.s32 @!p0 s3, s7;
	s7 =	simm.s32 @!p0 $0x108  }
0x21: {  	s3 =	sadd.s32 s3, s9;
	s6 =	sadd.s32 @!p0 $0x88, s6;
	s7 =	simm.s32 @p2 $0x1082  }
0x22: {  	[simem:s7], [sflag:s8] =	dma.local @!p0 [hbm:s6], $0xF7A  }
0x23: {  	s9 =	sor.u32 $0xD0000000, s2;
	s6 =	simm.s32 $0x108;
	_ =	swait.ge @!p0 [sflag:s8], $0x0  }
0x24: {  	s3 =	sadd.s32 $0x88, s3;
	s6 =	simm.s32 @!p1 $0x1082;
	[sflag:s4] =	ssyncset.s32 $0xFFFFF086  }
0x25: {  	[simem:s6], [sflag:s4] =	dma.local [hbm:s3], $0xF7A  }
0x26: {  	[smem:$0x3F87] =	sst s1;
	(tag) =	ssettag s2;
	_ =	strace s9  }
0x27: {  	s1 =	sld [smem:$0x3F97]  }
0x28: {  	s2 =	sld [smem:$0x3F98]  }
0x29: {  	s4 =	sld [smem:$0x3F9A]  }
0x2a: {  	p0 =	seq.s32 s5, $0x0;
	s5 =	sld [smem:$0x3F9B]  }
0x2b: {  	s6 =	sld [smem:$0x3F9C]  }
0x2c: {  	s7 =	sld [smem:$0x3F9D]  }
0x2d: {  	s3 =	simm.s32 $0x108;
	s8 =	sld [smem:$0x3F9E]  }
0x2e: {  	s3 =	simm.s32 @!p0 $0x1082;
	s9 =	sld [smem:$0x3F9F]  }
0x2f: {  	lr =	sadd.s32 s0, s3;
	s0 =	sld [smem:$0x3F96]  }
0x30: {  	s3 =	sld [smem:$0x3F99]  }
0x31: {  	[smem:$0x3FA2] =	sst s10  }
0x32: {  	s10 =	sld [smem:$0x3FA0];
	_ =	sdelay $0x3  }
0x33: {  	p0 =	seq.s32 s10, $0x1;
	s10 =	sld [smem:$0x3FA2];
	_ =	sdelay $0x3  }
0x34: {  	[smem:$0x3FA2] =	sst s10  }
0x35: {  	s10 =	sld [smem:$0x3FA1];
	_ =	sdelay $0x3  }
0x36: {  	p1 =	seq.s32 s10, $0x1;
	s10 =	sld [smem:$0x3FA2];
	_ =	sdelay $0x3  }
0x37: {  	[smem:$0x3FA2] =	sst s10  }
0x38: {  	s10 =	sld [smem:$0x3FA3]  }
0x39: {  	_ = 	snop;
	(pc) =	sbr.ind lr, $3  }
0x3a: {  	_ = 	snop  }
0x3b: {  	_ = 	snop  }
0x3c: {  	p2 =	seq.s32 s10, $0x1;
	s10 =	sld [smem:$0x3FA2]  }
0x3d: {  	_ =	shalt  }
0x3e: {  	_ =	shalt  }
0x3f: {  	_ =	shalt  }
0x40: {  	_ =	shalt  }
0x41: {  	_ =	shalt  }
0x42: {  	_ =	shalt  }
0x43: {  	_ =	shalt  }
0x44: {  	_ =	shalt  }
0x45: {  	_ =	shalt  }
0x46: {  	_ =	shalt  }
0x47: {  	_ =	shalt  }
0x48: {  	_ =	shalt  }
0x49: {  	_ =	shalt  }
0x4a: {  	_ =	shalt  }
0x4b: {  	_ =	shalt  }
0x4c: {  	_ =	shalt  }
0x4d: {  	_ =	shalt  }
0x4e: {  	_ =	shalt  }
0x4f: {  	_ =	shalt  }
0x50: {  	_ =	shalt  }
0x51: {  	_ =	shalt  }
0x52: {  	_ =	shalt  }
0x53: {  	_ =	shalt  }
0x54: {  	_ =	shalt  }
0x55: {  	_ =	shalt  }
0x56: {  	_ =	shalt  }
0x57: {  	_ =	shalt  }
0x58: {  	_ =	shalt  }
0x59: {  	_ =	shalt  }
0x5a: {  	_ =	shalt  }
0x5b: {  	_ =	shalt  }
0x5c: {  	_ =	shalt  }
0x5d: {  	_ =	shalt  }
0x5e: {  	_ =	shalt  }
0x5f: {  	_ =	shalt  }
0x60: {  	_ =	shalt  }
0x61: {  	_ =	shalt  }
0x62: {  	_ =	shalt  }
0x63: {  	_ =	shalt  }
0x64: {  	_ =	shalt  }
0x65: {  	_ =	shalt  }
0x66: {  	_ =	shalt  }
0x67: {  	_ =	shalt  }
0x68: {  	_ =	shalt  }
0x69: {  	_ =	shalt  }
0x6a: {  	_ =	shalt  }
0x6b: {  	_ =	shalt  }
0x6c: {  	_ =	shalt  }
0x6d: {  	_ =	shalt  }
0x6e: {  	_ =	shalt  }
0x6f: {  	_ =	shalt  }
0x70: {  	_ =	shalt  }
0x71: {  	_ =	shalt  }
0x72: {  	_ =	shalt  }
0x73: {  	_ =	shalt  }
0x74: {  	_ =	shalt  }
0x75: {  	_ =	shalt  }
0x76: {  	_ =	shalt  }
0x77: {  	_ =	shalt  }
0x78: {  	_ =	shalt  }
0x79: {  	_ =	shalt  }
0x7a: {  	_ =	shalt  }
0x7b: {  	_ =	shalt  }
0x7c: {  	_ =	shalt  }
0x7d: {  	_ =	shalt  }
0x7e: {  	_ =	shalt  }
0x7f: {  	_ =	shalt  }
0x80: {  	_ =	shalt  }
0x81: {  	_ =	shalt  }
0x82: {  	_ =	shalt  }
0x83: {  	_ =	shalt  }
0x84: {  	_ =	shalt  }
0x85: {  	_ =	shalt  }
0x86: {  	_ =	shalt  }
0x87: {  	_ =	shalt  }
.Lfunc_end0:
.L_simem_size_0:
called_computation_lowered:
.L_overlay_start_0:
0x88: {  	s2 =	sld [smem:$0x3FD9]  }
0x89: {  	s3 =	sld [smem:$0x3FFE];
	_ =	sdelay $0x1  }
0x8a: {  	s1 =	srdreg.scid  }
0x8b: {  	s0 =	sand.u32 $0x1, s1  }
0x8c: {  	s17 =	sshll.u32 s0, $0xA;
	s2 =	sadd.s32 s3, s2  }
0x8d: {  	s2 =	sadd.s32 s2, s17  }
0x8e: {  	[smem:$0x3FAE] =	sst s2  }
0x8f: {  	_ = 	snop  }
0x90: {  	s2 =	sld [smem:$0x3FD0];
	(tm) =	ssettm $0x1  }
0x91: {  	s18 =	sld [smem:$0x3FFB];
	_ =	sdelay $0x3  }
0x92: {  	_ =	strace s18  }
0x93: {  	s3 =	sld [smem:$0x3FFC];
	_ =	sdelay $0x3  }
0x94: {  	_ =	strace s3  }
0x95: {  	s3 =	sld [smem:$0x3FFD];
	_ =	sdelay $0x3  }
0x96: {  	_ =	strace s3  }
0x97: {  	_ =	strace $0x8FFFFFFF  }
0x98: {  	s19 =	sld [smem:$0x3FDB];
	_ =	sdelay $0x1  }
0x99: {  	s4 =	simm.s32 $_scs_section_size  }
0x9a: {  	s5 =	simm.s32 $_size__tile_overlayer_lowered;
	s6 =	simm.s32 $_tile_overlayer_lowered  }
0x9b: {  	s22 =	simm.s32 $0x1BFF;
	s21 =	sshll.u32 s6, $0x1;
	s3 =	sadd.s32 s4, s19  }
0x9c: {  	s7 =	simm.s32 $0x0;
	s20 =	sshll.u32 s5, $0x1;
	s5 =	sadd.s32 s21, s3  }
0x9d: {  	[timem:s7], [sflag:s22] =	dma.local [hbm:s5], s20  }
0x9e: {  	_ =	swait.ge [sflag:s22], s20  }
0x9f: {  	s4 =	ssub.s32 $0x0, s20;
	[sflag:s22] =	ssyncset.done $0x0  }
0xa0: {  	[sflag:s22] =	ssyncadd.s32 s4;
	_ =	sdelay $0x1  }
0xa1: {  	s23 =	simm.s32 $0x1B8B  }
0xa2: {  	_ =	swait.ge [sflag:s23], $0x1  }
0xa3: {  	[sflag:s23] =	ssyncset.done $0x0  }
0xa4: {  	s25 =	simm.s32 $0x1B8E;
	s24 =	sld [smem:$0x3FFE];
	[sflag:s23] =	ssyncadd.s32 $0xFFFFFFFF  }
0xa5: {  	s26 =	simm.s32 $execute0_lowered;
	[smem:$0x3FD2] =	sst s25  }
0xa6: {  	s5 =	sshll.u32 s26, $0x1;
	_ =	strace $0x80000046;
	[dreg:$0x1] =	wrdreg $0xFFFFFFFF  }
0xa7: {  	s28 =	simm.s32 $_size_execute0_lowered;
	s3 =	sadd.s32 s3, s5;
	[dreg:$0x0] =	wrdreg $0x0  }
0xa8: {  	s5 =	sshll.u32 s28, $0x1;
	[dreg:$0x2] =	wrdreg s3  }
0xa9: {  	[dreg:$0x3] =	wrdreg s5  }
0xaa: {  	[dreg:$0x4] =	wrdreg $0xC0  }
0xab: {  	_ =	task [dreg:s7], $0x5FFFF  }
0xac: {  	[dreg:$0x1] =	wrdreg $0xFFFFFFFF  }
0xad: {  	[dreg:$0x0] =	wrdreg $0x60  }
0xae: {  	[dreg:$0x2] =	wrdreg s24  }
0xaf: {  	[dreg:$0x3] =	wrdreg s2  }
0xb0: {  	[dreg:$0x4] =	wrdreg $0x7A800  }
0xb1: {  	[dreg:$0x5] =	wrdreg $0x9  }
0xb2: {  	_ =	task.clear_ibuf [dreg:s7], $0x6FFFF;
	_ =	strace $0x90000046  }
0xb3: {  	s29 =	simm.s32 $0x9;
	_ =	strace $0x80000048  }
0xb4: {  	_ =	swait.ge [sflag:s29], $0x1  }
0xb5: {  	[sflag:s29] =	ssyncadd.s32 $0xFFFFFFFF  }
0xb6: {  	_ =	strace $0x90000048  }
0xb7: {  	_ =	sfence  }
0xb8: {  	s30 =	sld [smem:$0x0];
	_ =	sdelay $0x2  }
0xb9: {  	s31 =	sshll.u32 s1, $0xD;
	s1 =	sshrl.u32 s1, $0x2  }
0xba: {  	s3 =	sand.u32 $0x4000, s31;
	s1 =	sadd.s32 s1, s30  }
0xbb: {  	s0 =	sor.u32 s3, s0;
	s1 =	sshll.u32 s1, $0x11  }
0xbc: {  	s0 =	sor.u32 s1, s0  }
0xbd: {  	s0 =	sadd.s32 $0x8F2B, s0  }
0xbe: {  	[sflag:s0] =	ssyncadd.remote.s32 $0x1  }
0xbf: {  	_ =	sfence.sel $0xFFFF  }
0xc0: {  	[dreg:$0x0] =	wrdreg $0xFFFFFFFF;
	(pc) =	sbr.abs _section_cstart, $3  }
0xc1: {  	[dreg:$0x1] =	wrdreg $0xFFFFFFFF  }
0xc2: {  	_ =	task.clear_ibuf [dreg:s7], $0x2FFFF;
	_ =	strace $0x9FFFFFFF  }
0xc3: {  	(tm) =	ssettm $0x7FFFFFFF  }
tec
execute0_lowered:
.L_overlay_start_1:
0x0: {  	(tag) =	ssettag $0x1  }
0x1: {  	s4 =	rddreg [dreg:$0x0]  }
0x2: {  	s6 =	rddreg [dreg:$0x1]  }
0x3: {  	s0 =	srdreg.scid;
	s7 =	rddreg [dreg:$0x2]  }
0x4: {  	s2 =	simm.s32 $0x0;
	s3 =	sand.u32 $0x1, s0;
	s0 =	stileid.u32  }
0x5: {  	s11 =	simm.s32 $0x5000;
	s12 =	simm.s32 $0x7800;
	s8 =	smul.u32 $0xA000, s0  }
0x6: {  	s13 =	simm.s32 $0x0;
	s1 =	sshll.u32 s3, $0x4;
	s9 =	smul.u32 $0x280, s0  }
0x7: {  	s10 =	ssub.s32 $0x2, s3;
	s3 =	smul.u32 $0x2800, s3;
	s1 =	sor.u32 s0, s1  }
0x8: {  	[smem:$0x7FF] =	sst s2;
	s29 =	sshrl.u32 s10, $0x1;
	s5 =	smul.u32 $0x500, s1  }
0x9: {  	s1 =	rddreg [dreg:$0x3];
	_ =	strace $0x80000047;
	s31 =	sadd.s32 s9, s3  }
0xa: {  	s10 =	ssub.s32 s10, s29;
	s30 =	sshrl.u32 s8, $0x2;
	s8 =	sshrl.u32 s31, $0x3  }
0xb: {  	s4 =	sadd.s32 s5, s4;
	s5 =	sadd.s32 s9, s7;
	s6 =	sadd.s32 s6, s8  }
0xc: {  	s8 =	simm.s32 $0x1;
	s9 =	simm.s32 $0x2800;
	s3 =	sadd.s32 $0x4C00, s4  }
0xd: {  	v0 =	vimm.f32 $0.0e+00;
	v1 =	vimm.f32 $1.000000000e+00;
	s4 =	sadd.s32 s30, s7;
	s7 =	smax.u32 s10, $0x1;
	s10 =	simm.s32 $0x280  }
.LBB2_1:
0xe: {  	s14 =	simm.s32 $0x40;
	s15 =	simm.s32 $0x0  }
.LBB2_2:
0xf: {  	p0 =	sne.s32 s14, $0x9FC0;
	[tilespmem:s15+$0x2800] =	vst v0;
	s15 =	smov.u32 s14;
	s14 =	sadd.s32 $0x40, s14  }
.Ltmp0:
0x10: {  	(pc) =	sbr.rel @p0 .LBB2_2-.Ltmp0, $2  }
0x11: {  	_ =	sdelay $0x2  }
0x12: {  	s15 =	sshra.s32 s15, $0x2  }
0x13: {  	[tilespmem:s15+$0x2800] =	vst v0;
	s14 =	simm.s32 $0x0  }
0x14: {  	[tilespmem:s14], [sflag:$0x1] =	stream.linear.gather [hbm4b:s3+s14], $0x2800, $0x38;
	[tilespmem:$0xA280] =	vst v63  }
0x15: {  	_ =	swait.ge [sflag:s8], $0x2800  }
0x16: {  	[sflag:s8] =	ssyncset.done $0x0  }
0x17: {  	[sflag:s8] =	ssyncadd.s32 $0xFFFFD800  }
.LBB2_4:
0x18: {  	s15 =	sshra.s32 s14, $0x2  }
0x19: {  	v2 =	vld [tilespmem:s15+$0x0];
	_ =	sdelay $0x7  }
0x1a: {  	[tilespmem:v2+s9+$0x0] =	vst.idx.add.f32.msk $0xffff, v1  }
0x1b: {  	v2 =	vld [tilespmem:s15+$0x10];
	_ =	sdelay $0x7  }
0x1c: {  	[tilespmem:v2+s9+$0x0] =	vst.idx.add.f32.msk $0xffff, v1  }
0x1d: {  	v2 =	vld [tilespmem:s15+$0x20];
	_ =	sdelay $0x7  }
0x1e: {  	[tilespmem:v2+s9+$0x0] =	vst.idx.add.f32.msk $0xffff, v1  }
0x1f: {  	v2 =	vld [tilespmem:s15+$0x30];
	_ =	sdelay $0x7  }
0x20: {  	[tilespmem:v2+s9+$0x0] =	vst.idx.add.f32.msk $0xffff, v1  }
0x21: {  	v2 =	vld [tilespmem:s15+$0x40];
	_ =	sdelay $0x7  }
0x22: {  	[tilespmem:v2+s9+$0x0] =	vst.idx.add.f32.msk $0xffff, v1  }
0x23: {  	v2 =	vld [tilespmem:s15+$0x50];
	_ =	sdelay $0x7  }
0x24: {  	[tilespmem:v2+s9+$0x0] =	vst.idx.add.f32.msk $0xffff, v1  }
0x25: {  	v2 =	vld [tilespmem:s15+$0x60];
	_ =	sdelay $0x7  }
0x26: {  	[tilespmem:v2+s9+$0x0] =	vst.idx.add.f32.msk $0xffff, v1  }
0x27: {  	v2 =	vld [tilespmem:s15+$0x70];
	_ =	sdelay $0x2  }
0x28: {  	p0 =	sne.s32 s14, $0x9E00  }
.Ltmp1:
0x29: {  	_ = 	snop;
	(pc) =	sbr.rel @p0 .LBB2_4-.Ltmp1, $2  }
0x2a: {  	_ =	sdelay $0x2  }
0x2b: {  	s14 =	sadd.s32 $0x200, s14;
	[tilespmem:v2+s9+$0x0] =	vst.idx.add.f32.msk $0xffff, v1  }
0x2c: {  	[spmem:s4] =	stream.linear.scatter [tilespmem:s9], [sflag:$0x1], $0x2800, $0x38;
	[tilespmem:$0xA280] =	vst v63  }
0x2d: {  	_ =	swait.ge [sflag:s8], $0x2800  }
0x2e: {  	[sflag:s8] =	ssyncset.done $0x0  }
0x2f: {  	[sflag:s8] =	ssyncadd.s32 $0xFFFFD800  }
0x30: {  	[bflag:$0x0] =	sbarrier.arrive $0xFFFF  }
0x31: {  	[tilespmem:s11], [sflag:$0x1] =	stream.strided.gather [spmem:s5], $0x2800, s9, s10, $0x38;
	[tilespmem:$0xA280] =	vst v63  }
0x32: {  	_ =	swait.ge [sflag:s8], $0x2800  }
0x33: {  	[sflag:s8] =	ssyncset.done $0x0  }
0x34: {  	s15 =	simm.s32 $0x0;
	[sflag:s8] =	ssyncadd.s32 $0xFFFFD800  }
0x35: {  	v2 =	vld [tilespmem:s15+$0x5000];
	_ =	sdelay $0x1  }
0x36: {  	v3 =	vld [tilespmem:s15+$0x5280];
	_ =	sdelay $0x1  }
0x37: {  	v4 =	vld [tilespmem:s15+$0x5500]  }
0x38: {  	v2 =	vadd.f32 $0.0e+00, v2  }
0x39: {  	v5 =	vld [tilespmem:s15+$0x5780]  }
0x3a: {  	v2 =	vadd.f32 v3, v2  }
0x3b: {  	v3 =	vld [tilespmem:s15+$0x5A00]  }
0x3c: {  	v2 =	vadd.f32 v4, v2  }
0x3d: {  	v4 =	vld [tilespmem:s15+$0x5C80]  }
0x3e: {  	v2 =	vadd.f32 v5, v2  }
0x3f: {  	v5 =	vld [tilespmem:s15+$0x5F00]  }
0x40: {  	v2 =	vadd.f32 v3, v2  }
0x41: {  	s14 =	simm.s32 $0x10;
	v3 =	vld [tilespmem:s15+$0x6180]  }
0x42: {  	v6 =	vld [tilespmem:s14+$0x5000];
	v2 =	vadd.f32 v4, v2  }
0x43: {  	v4 =	vld [tilespmem:s15+$0x6400]  }
0x44: {  	v7 =	vld [tilespmem:s14+$0x5280];
	v2 =	vadd.f32 v5, v2  }
0x45: {  	v5 =	vld [tilespmem:s15+$0x6680]  }
0x46: {  	v8 =	vld [tilespmem:s14+$0x5500];
	v2 =	vadd.f32 v3, v2  }
0x47: {  	v3 =	vld [tilespmem:s15+$0x6900]  }
0x48: {  	v9 =	vld [tilespmem:s14+$0x5780];
	v6 =	vadd.f32 $0.0e+00, v6;
	v2 =	vadd.f32 v4, v2  }
0x49: {  	v4 =	vld [tilespmem:s15+$0x6B80]  }
0x4a: {  	v10 =	vld [tilespmem:s14+$0x5A00];
	v6 =	vadd.f32 v7, v6;
	v2 =	vadd.f32 v5, v2  }
0x4b: {  	v7 =	vld [tilespmem:s15+$0x6E00]  }
0x4c: {  	v11 =	vld [tilespmem:s14+$0x5C80];
	v5 =	vadd.f32 v8, v6;
	v2 =	vadd.f32 v3, v2  }
0x4d: {  	v8 =	vld [tilespmem:s15+$0x7080]  }
0x4e: {  	v3 =	vadd.f32 v9, v5;
	v5 =	vld [tilespmem:s14+$0x5F00];
	v4 =	vadd.f32 v4, v2  }
0x4f: {  	v2 =	vld [tilespmem:s15+$0x7300]  }
0x50: {  	v6 =	vld [tilespmem:s14+$0x6180];
	v9 =	vadd.f32 v10, v3;
	v10 =	vadd.f32 v7, v4  }
0x51: {  	v3 =	vld [tilespmem:s15+$0x7580]  }
0x52: {  	s16 =	simm.s32 $0x20;
	s17 =	simm.s32 $0xC0;
	v7 =	vadd.f32 v11, v9;
	v4 =	vld [tilespmem:s14+$0x6400];
	v8 =	vadd.f32 v8, v10  }
.LBB2_6:
0x53: {  	p0 =	sne.s32 s17, $0x9C0;
	v9 =	vld [tilespmem:s16+$0x5000]  }
0x54: {  	v5 =	vadd.f32 v5, v7;
	v7 =	vld [tilespmem:s14+$0x6680];
	v2 =	vadd.f32 v2, v8  }
0x55: {  	v8 =	vld [tilespmem:s16+$0x5280]  }
0x56: {  	v5 =	vadd.f32 v6, v5;
	v6 =	vld [tilespmem:s14+$0x6900];
	v2 =	vadd.f32 v3, v2  }
0x57: {  	v3 =	vld [tilespmem:s16+$0x5500]  }
0x58: {  	v9 =	vadd.f32 $0.0e+00, v9;
	v4 =	vadd.f32 v4, v5;
	v5 =	vld [tilespmem:s14+$0x6B80];
	[tilespmem:s15+$0x7800] =	vst v2;
	s15 =	smov.u32 s14;
	s14 =	smov.u32 s16  }
0x59: {  	v2 =	vld [tilespmem:s14+$0x5780]  }
0x5a: {  	v8 =	vadd.f32 v8, v9;
	v4 =	vadd.f32 v7, v4;
	v7 =	vld [tilespmem:s15+$0x6E00]  }
0x5b: {  	v9 =	vld [tilespmem:s14+$0x5A00]  }
0x5c: {  	v3 =	vadd.f32 v3, v8;
	v4 =	vadd.f32 v6, v4;
	v8 =	vld [tilespmem:s15+$0x7080]  }
0x5d: {  	v10 =	vld [tilespmem:s14+$0x5C80]  }
.Ltmp2:
0x5e: {  	v3 =	vadd.f32 v2, v3;
	v4 =	vadd.f32 v5, v4;
	v2 =	vld [tilespmem:s15+$0x7300];
	(pc) =	sbr.rel @p0 .LBB2_6-.Ltmp2, $4  }
0x5f: {  	v5 =	vld [tilespmem:s14+$0x5F00]  }
0x60: {  	v9 =	vadd.f32 v9, v3;
	v11 =	vadd.f32 v7, v4;
	v3 =	vld [tilespmem:s15+$0x7580]  }
0x61: {  	v6 =	vld [tilespmem:s14+$0x6180]  }
0x62: {  	s16 =	sshra.s32 s17, $0x2;
	s17 =	sadd.s32 $0x40, s17;
	v7 =	vadd.f32 v10, v9;
	v4 =	vld [tilespmem:s14+$0x6400];
	v8 =	vadd.f32 v8, v11  }
0x63: {  	v9 =	vld [tilespmem:s16+$0x5000]  }
0x64: {  	v10 =	vld [tilespmem:s14+$0x6680];
	v2 =	vadd.f32 v2, v8  }
0x65: {  	v49 =	vld [tilespmem:s16+$0x5280]  }
0x66: {  	v11 =	vld [tilespmem:s14+$0x6900];
	v5 =	vadd.f32 v5, v7;
	v2 =	vadd.f32 v3, v2  }
0x67: {  	v3 =	vld [tilespmem:s16+$0x5500]  }
0x68: {  	v50 =	vld [tilespmem:s14+$0x6B80];
	v5 =	vadd.f32 v6, v5;
	v51 =	vadd.f32 $0.0e+00, v9;
	[tilespmem:s15+$0x7800] =	vst v2  }
0x69: {  	v2 =	vld [tilespmem:s16+$0x5780]  }
0x6a: {  	v4 =	vadd.f32 v4, v5;
	v52 =	vadd.f32 v49, v51  }
0x6b: {  	v53 =	vld [tilespmem:s16+$0x5A00]  }
0x6c: {  	v54 =	vld [tilespmem:s14+$0x6E00];
	v4 =	vadd.f32 v10, v4;
	v3 =	vadd.f32 v3, v52  }
0x6d: {  	v55 =	vld [tilespmem:s16+$0x5C80]  }
0x6e: {  	v56 =	vld [tilespmem:s14+$0x7080];
	v4 =	vadd.f32 v11, v4;
	v2 =	vadd.f32 v2, v3  }
0x6f: {  	v3 =	vld [tilespmem:s16+$0x5F00]  }
0x70: {  	v57 =	vld [tilespmem:s14+$0x7300];
	v4 =	vadd.f32 v50, v4;
	v2 =	vadd.f32 v53, v2  }
0x71: {  	v58 =	vld [tilespmem:s16+$0x6180]  }
0x72: {  	v59 =	vld [tilespmem:s14+$0x7580];
	v4 =	vadd.f32 v54, v4;
	v2 =	vadd.f32 v55, v2  }
0x73: {  	v60 =	vld [tilespmem:s16+$0x6400]  }
0x74: {  	v4 =	vadd.f32 v56, v4;
	v2 =	vadd.f32 v3, v2  }
0x75: {  	v3 =	vld [tilespmem:s16+$0x6680]  }
0x76: {  	v4 =	vadd.f32 v57, v4;
	v2 =	vadd.f32 v58, v2  }
0x77: {  	v61 =	vld [tilespmem:s16+$0x6900]  }
0x78: {  	v4 =	vadd.f32 v59, v4;
	v2 =	vadd.f32 v60, v2  }
0x79: {  	v62 =	vld [tilespmem:s16+$0x6B80]  }
0x7a: {  	[tilespmem:s14+$0x7800] =	vst v4;
	v2 =	vadd.f32 v3, v2  }
0x7b: {  	v3 =	vld [tilespmem:s16+$0x6E00]  }
0x7c: {  	v2 =	vadd.f32 v61, v2  }
0x7d: {  	v4 =	vld [tilespmem:s16+$0x7080]  }
0x7e: {  	v2 =	vadd.f32 v62, v2  }
0x7f: {  	v63 =	vld [tilespmem:s16+$0x7300]  }
0x80: {  	v2 =	vadd.f32 v3, v2  }
0x81: {  	v3 =	vld [tilespmem:s16+$0x7580]  }
0x82: {  	v2 =	vadd.f32 v4, v2;
	_ =	sdelay $0x1  }
0x83: {  	v2 =	vadd.f32 v63, v2;
	_ =	sdelay $0x1  }
0x84: {  	s13 =	sadd.s32 $0x1, s13;
	v2 =	vadd.f32 v3, v2  }
0x85: {  	p0 =	sne.s32 s13, s7  }
.Ltmp3:
0x86: {  	[tilespmem:s16+$0x7800] =	vst v2;
	(pc) =	sbr.rel @p0 .LBB2_1-.Ltmp3, $4  }
0x87: {  	[hbm4b:s6+s2] =	stream.linear.scatter [tilespmem:s12], [sflag:$0x1], $0x280, $0x38;
	[tilespmem:$0xA280] =	vst v63  }
0x88: {  	_ =	swait.ge [sflag:s8], $0x280  }
0x89: {  	[sflag:s8] =	ssyncset.done $0x0  }
0x8a: {  	[sflag:s8] =	ssyncadd.s32 $0xFFFFFD80  }
0x8b: {  	_ =	sfence.sel $0x180000  }
0x8c: {  	[bflag:$0x0] =	sbarrier.arrive $0xFFFF  }
0x8d: {  	p0 =	sne.s32 s0, $0x0;
	_ =	strace $0x90000047  }
0x8e: {  	s0 =	sadd.s32 @!p0 $0x100000, s1;
	[bflag:$0x2] =	sbarrier.arrive $0xFFFF  }
0x8f: {  	[sflag:s0] =	ssyncadd.tile.s32 @!p0 $0x1;
	_ =	shalt  }
.Lfunc_end2:
_tile_overlayer_lowered:
.L_overlay_start_2:
0x90: {  	(tag) =	ssettag $0x2  }
0x91: {  	s0 =	rddreg [dreg:$0x0];
	s2 =	stileid.u32  }
0x92: {  	s1 =	rddreg [dreg:$0x1];
	p0 =	sne.s32 s2, $0x0  }
0x93: {  	s3 =	rddreg [dreg:$0x2];
	[bflag:$0x3] =	sbarrier.arrive $0xFFFF;
	s2 =	simm.s32 @!p0 $0x1C01  }
0x94: {  	[timem:s3], [sflag:s2] =	dma.local @!p0 [hbm:s0], s1  }
0x95: {  	s0 =	simm.s32 @!p0 $0x1  }
0x96: {  	_ =	swait.ge @!p0 [sflag:s0], s1  }
0x97: {  	s1 =	ssub.s32 @!p0 $0x0, s1;
	[sflag:s0] =	ssyncset.done @!p0 $0x0  }
0x98: {  	[sflag:s0] =	ssyncadd.s32 @!p0 s1  }
0x99: {  	[bflag:$0x3] =	sbarrier.arrive $0xFFFF  }
0x9a: {  	_ =	shalt  }

</sc_bundles>
